<compile_context>
chip_gen: v7x
topology: tpu7x:2x2x1
jax: 0.10.2.dev20260603
libtpu: 0.0.44.dev20260713+nightly
codegen_flags: <defaults>
</compile_context>

<pallas_src>
import functools

import jax
import jax.numpy as jnp
from jax import lax
from jax.experimental import pallas as pl
from jax.experimental.pallas import tpu as pltpu
from jax.experimental.pallas import tpu_sc as plsc

NC, NS, L = 2, 16, 16
NW = NC * NS

EPS = 1e-6


def _make_score_kernel(T, N, D, E):
    TOT = T * 2 * E
    PER_W = TOT // NW
    C = 80
    NCHUNK = PER_W // C
    assert PER_W * NW == TOT and NCHUNK * C == PER_W and D == 16 * L

    mesh = plsc.VectorSubcoreMesh(core_axis_name="c", subcore_axis_name="s")

    @functools.partial(
        pl.kernel,
        mesh=mesh,
        out_type=jax.ShapeDtypeStruct((TOT,), jnp.float32),
        compiler_params=pltpu.CompilerParams(use_tc_tiling_on_sc=False,
                                             needs_layout_passes=False),
        scratch_types=[
            [pltpu.VMEM((C,), jnp.int32) for _ in range(4)],
            [pltpu.VMEM((C,), jnp.int32) for _ in range(4)],
            [pltpu.VMEM((C, D), jnp.bfloat16) for _ in range(4)],
            [pltpu.VMEM((C, D), jnp.bfloat16) for _ in range(4)],
            pltpu.VMEM((C,), jnp.float32),
            [pltpu.SemaphoreType.DMA for _ in range(4)],
            [pltpu.SemaphoreType.DMA for _ in range(4)],
            [pltpu.SemaphoreType.DMA for _ in range(4)],
            [pltpu.SemaphoreType.DMA for _ in range(4)],
        ],
    )
    def score_kernel(z_hbm, src_hbm, dst_hbm, out_hbm,
                     SI, DI, SR, DR, scv, semsi, semdi, semsr, semdr):
        wid = lax.axis_index("s") * NC + lax.axis_index("c")
        base = wid * PER_W

        def idx_start(ci, k):
            off = base + ci * C
            pltpu.async_copy(src_hbm.at[pl.ds(off, C)], SI[k], semsi[k])
            pltpu.async_copy(dst_hbm.at[pl.ds(off, C)], DI[k], semdi[k])

        def idx_wait(ci, k):
            off = base + ci * C
            pltpu.make_async_copy(src_hbm.at[pl.ds(off, C)], SI[k],
                                  semsi[k]).wait()
            pltpu.make_async_copy(dst_hbm.at[pl.ds(off, C)], DI[k],
                                  semdi[k]).wait()

        def row_start(ci, k):
            pltpu.async_copy(z_hbm.at[SI[k]], SR[k], semsr[k])
            pltpu.async_copy(z_hbm.at[DI[k]], DR[k], semdr[k])

        def row_wait(ci, k):
            pltpu.make_async_copy(z_hbm.at[SI[k]], SR[k], semsr[k]).wait()
            pltpu.make_async_copy(z_hbm.at[DI[k]], DR[k], semdr[k]).wait()

        ii = lax.iota(jnp.int32, L)

        def compute(ci, k):
            srows, drows = SR[k], DR[k]
            off = base + ci * C

            def group(g, carry2):
                base_e = g * L

                def edge(j, svec):
                    e = base_e + j
                    parts = []
                    for m in range(4):
                        pr = (srows[e, pl.ds(m * 64, 2 * L)]
                              * drows[e, pl.ds(m * 64, 2 * L)])
                        pa, pb = plsc.unpack(pr,
                                             format=plsc.PackFormat.INTERLEAVED)
                        p0 = pa + pb
                        pr = (srows[e, pl.ds(m * 64 + 2 * L, 2 * L)]
                              * drows[e, pl.ds(m * 64 + 2 * L, 2 * L)])
                        pa, pb = plsc.unpack(pr,
                                             format=plsc.PackFormat.INTERLEAVED)
                        parts.append(p0 + (pa + pb))
                    acc = (parts[0] + parts[1]) + (parts[2] + parts[3])
                    return jnp.where(ii == j, jnp.sum(acc), svec)

                svec = lax.fori_loop(0, L, edge, jnp.zeros((L,), jnp.float32),
                                     unroll=4)
                scv[pl.ds(base_e, L)] = svec
                return carry2

            lax.fori_loop(0, C // L, group, 0)
            pltpu.sync_copy(scv, out_hbm.at[pl.ds(off, C)])

        for k in range(3):
            idx_start(k, k)
        for k in range(3):
            idx_wait(k, k)
            row_start(k, k)
        idx_start(3, 3)

        def body(q, carry):
            c0 = 4 * q
            for ph in range(4):
                c = c0 + ph
                row_wait(c, ph)

                @pl.when(c + 4 < NCHUNK)
                def _():
                    idx_start(c + 4, ph)

                @pl.when(c + 3 < NCHUNK)
                def _():
                    idx_wait(c + 3, (ph + 3) % 4)
                    row_start(c + 3, (ph + 3) % 4)

                compute(c, ph)
            return carry

        lax.fori_loop(0, NCHUNK // 4, body, 0)

    return score_kernel


def _loss_body(T, E, p_ref, n_ref, o_ref):
    p = p_ref[...]
    n = n_ref[...]
    sp = 1.0 / (1.0 + jnp.exp(-p))
    sn = 1.0 / (1.0 + jnp.exp(-n))
    tp = jnp.log(sp + EPS)
    tn = jnp.log(1.0 - sn + EPS)
    o_ref[0, 0] = -(jnp.sum(tp) + jnp.sum(tn)) / (T * E)


def kernel(ps, ns, zs):
    T, N, D = zs.shape
    E = ps.shape[2]

    zf = zs.astype(jnp.bfloat16).reshape(T * N, D)
    offs = (jnp.arange(T, dtype=jnp.int32) * N)[:, None, None]
    src = (jnp.stack([ps[:, 0, :], ns[:, 0, :]], axis=1).astype(jnp.int32)
           + offs).reshape(-1)
    dst = (jnp.stack([ps[:, 1, :], ns[:, 1, :]], axis=1).astype(jnp.int32)
           + offs).reshape(-1)

    scores = _make_score_kernel(T, N, D, E)(zf, src, dst)
    sc4 = scores.reshape(T, 2, E)
    pos = sc4[:, 0, :]
    neg = sc4[:, 1, :]

    loss = pl.pallas_call(
        functools.partial(_loss_body, T, E),
        out_shape=jax.ShapeDtypeStruct((1, 1), jnp.float32),
        in_specs=[
            pl.BlockSpec(memory_space=pltpu.VMEM),
            pl.BlockSpec(memory_space=pltpu.VMEM),
        ],
        out_specs=pl.BlockSpec(memory_space=pltpu.SMEM),
    )(pos, neg)
    return loss.reshape(1)

# --- scband reference (transcript-rebuilt; emitter-appended) ---
"""Pipeline reference for scband-encoder-9174050144916 (READ-ONLY COPY).

The authoritative reference and input builder live on the scoring server;
editing this copy changes nothing except your own understanding.
"""

import jax, jax.numpy as jnp
import numpy as np


def decode(src, dst, z):
    return jax.nn.sigmoid(jnp.sum(z[src] * z[dst], axis=1))


def setup_inputs(seed: int = 0) -> dict:
    key = jax.random.key(seed)
    k1, k2, k3 = jax.random.split(key, 3)
    T, N, D, E = 4, 10000, 256, 160000
    zs = jax.random.normal(k1, (T, N, D), dtype=jnp.float32)
    ps = jax.random.randint(k2, (T, 2, E), 0, N)
    ns = jax.random.randint(k3, (T, 2, E), 0, N)
    return {"ps": ps, "ns": ns, "zs": zs}


def reference(ps, ns, zs):
    EPS = 1e-06
    T = zs.shape[0]
    tot_loss = jnp.zeros((1,), dtype=zs.dtype)
    for i in range(T):
        p_src, p_dst = ps[i][0], ps[i][1]
        n_src, n_dst = ns[i][0], ns[i][1]
        z = zs[i]
        t_scores = decode(p_src, p_dst, z)
        f_scores = decode(n_src, n_dst, z)
        pos_loss = -jnp.mean(jnp.log(t_scores + EPS))
        neg_loss = -jnp.mean(jnp.log(1.0 - f_scores + EPS))
        tot_loss = tot_loss + pos_loss + neg_loss
    return tot_loss / T

if __name__ == "__main__":
    import jax
    _d = setup_inputs()
    print(jax.jit(kernel)(*tuple(_d.values())))

</pallas_src>

<mosaic_0001>
#map = affine_map<(d0, d1) -> (0, 0)>
#map1 = affine_map<(d0, d1) -> (0)>
module attributes {stable_mosaic.version = 14 : i64} {
  func.func @score_kernel(%arg0: i32, %arg1: i32, %arg2: memref<40000x256xbf16, #tpu.memory_space<hbm>>, %arg3: memref<1280000xi32, #tpu.memory_space<hbm>>, %arg4: memref<1280000xi32, #tpu.memory_space<hbm>>, %arg5: memref<1280000xf32, #tpu.memory_space<hbm>>, %arg6: memref<80xi32, #tpu.memory_space<vmem>>, %arg7: memref<80xi32, #tpu.memory_space<vmem>>, %arg8: memref<80xi32, #tpu.memory_space<vmem>>, %arg9: memref<80xi32, #tpu.memory_space<vmem>>, %arg10: memref<80xi32, #tpu.memory_space<vmem>>, %arg11: memref<80xi32, #tpu.memory_space<vmem>>, %arg12: memref<80xi32, #tpu.memory_space<vmem>>, %arg13: memref<80xi32, #tpu.memory_space<vmem>>, %arg14: memref<80x256xbf16, #tpu.memory_space<vmem>>, %arg15: memref<80x256xbf16, #tpu.memory_space<vmem>>, %arg16: memref<80x256xbf16, #tpu.memory_space<vmem>>, %arg17: memref<80x256xbf16, #tpu.memory_space<vmem>>, %arg18: memref<80x256xbf16, #tpu.memory_space<vmem>>, %arg19: memref<80x256xbf16, #tpu.memory_space<vmem>>, %arg20: memref<80x256xbf16, #tpu.memory_space<vmem>>, %arg21: memref<80x256xbf16, #tpu.memory_space<vmem>>, %arg22: memref<80xf32, #tpu.memory_space<vmem>>, %arg23: memref<!tpu.dma_semaphore, #tpu.memory_space<semaphore_mem>>, %arg24: memref<!tpu.dma_semaphore, #tpu.memory_space<semaphore_mem>>, %arg25: memref<!tpu.dma_semaphore, #tpu.memory_space<semaphore_mem>>, %arg26: memref<!tpu.dma_semaphore, #tpu.memory_space<semaphore_mem>>, %arg27: memref<!tpu.dma_semaphore, #tpu.memory_space<semaphore_mem>>, %arg28: memref<!tpu.dma_semaphore, #tpu.memory_space<semaphore_mem>>, %arg29: memref<!tpu.dma_semaphore, #tpu.memory_space<semaphore_mem>>, %arg30: memref<!tpu.dma_semaphore, #tpu.memory_space<semaphore_mem>>, %arg31: memref<!tpu.dma_semaphore, #tpu.memory_space<semaphore_mem>>, %arg32: memref<!tpu.dma_semaphore, #tpu.memory_space<semaphore_mem>>, %arg33: memref<!tpu.dma_semaphore, #tpu.memory_space<semaphore_mem>>, %arg34: memref<!tpu.dma_semaphore, #tpu.memory_space<semaphore_mem>>, %arg35: memref<!tpu.dma_semaphore, #tpu.memory_space<semaphore_mem>>, %arg36: memref<!tpu.dma_semaphore, #tpu.memory_space<semaphore_mem>>, %arg37: memref<!tpu.dma_semaphore, #tpu.memory_space<semaphore_mem>>, %arg38: memref<!tpu.dma_semaphore, #tpu.memory_space<semaphore_mem>>) attributes {dimension_semantics = [#tpu.dimension_semantics<core_parallel>, #tpu.dimension_semantics<subcore_parallel>], iteration_bounds = array<i64: 2, 16>, scalar_prefetch = 0 : i64, scratch_operands = 33 : i64, tpu.core_type = #tpu.core_type<sc_vector_subcore>, window_params = [{transform_indices = #map}, {transform_indices = #map1}, {transform_indices = #map1}, {transform_indices = #map1}]} {
    %mul3A = arith.constant 2 : i32
    %mul3A_0 = arith.muli %arg1, %mul3A : i32
    %add3A = arith.addi %mul3A_0, %arg0 : i32
    %mul3A_1 = arith.constant 40000 : i32
    %mul3A_2 = arith.muli %add3A, %mul3A_1 : i32
    %iota3A = tpu.iota {dimensions = array<i32: 0>} : vector<16xi32>
    %add3A_3 = arith.constant 0 : i32
    %add3A_4 = arith.addi %mul3A_2, %add3A_3 : i32
    %dma_start3A = tpu.memref_slice %arg3[%add3A_4] : memref<1280000xi32, #tpu.memory_space<hbm>> -> memref<80xi32, #tpu.memory_space<hbm>>
    %dma_start3A_5 = tpu.memref_slice %arg3[%add3A_4] : memref<1280000xi32, #tpu.memory_space<hbm>> -> memref<80xi32, #tpu.memory_space<hbm>>
    tpu.enqueue_dma source(%dma_start3A_5 : memref<80xi32, #tpu.memory_space<hbm>>) target(%arg6 : memref<80xi32, #tpu.memory_space<vmem>>) target_semaphore(%arg23 : memref<!tpu.dma_semaphore, #tpu.memory_space<semaphore_mem>>)
    %dma_start3A_6 = tpu.memref_slice %arg4[%add3A_4] : memref<1280000xi32, #tpu.memory_space<hbm>> -> memref<80xi32, #tpu.memory_space<hbm>>
    %dma_start3A_7 = tpu.memref_slice %arg4[%add3A_4] : memref<1280000xi32, #tpu.memory_space<hbm>> -> memref<80xi32, #tpu.memory_space<hbm>>
    tpu.enqueue_dma source(%dma_start3A_7 : memref<80xi32, #tpu.memory_space<hbm>>) target(%arg10 : memref<80xi32, #tpu.memory_space<vmem>>) target_semaphore(%arg27 : memref<!tpu.dma_semaphore, #tpu.memory_space<semaphore_mem>>)
    %add3A_8 = arith.constant 80 : i32
    %add3A_9 = arith.addi %mul3A_2, %add3A_8 : i32
    %dma_start3A_10 = tpu.memref_slice %arg3[%add3A_9] : memref<1280000xi32, #tpu.memory_space<hbm>> -> memref<80xi32, #tpu.memory_space<hbm>>
    %dma_start3A_11 = tpu.memref_slice %arg3[%add3A_9] : memref<1280000xi32, #tpu.memory_space<hbm>> -> memref<80xi32, #tpu.memory_space<hbm>>
    tpu.enqueue_dma source(%dma_start3A_11 : memref<80xi32, #tpu.memory_space<hbm>>) target(%arg7 : memref<80xi32, #tpu.memory_space<vmem>>) target_semaphore(%arg24 : memref<!tpu.dma_semaphore, #tpu.memory_space<semaphore_mem>>)
    %dma_start3A_12 = tpu.memref_slice %arg4[%add3A_9] : memref<1280000xi32, #tpu.memory_space<hbm>> -> memref<80xi32, #tpu.memory_space<hbm>>
    %dma_start3A_13 = tpu.memref_slice %arg4[%add3A_9] : memref<1280000xi32, #tpu.memory_space<hbm>> -> memref<80xi32, #tpu.memory_space<hbm>>
    tpu.enqueue_dma source(%dma_start3A_13 : memref<80xi32, #tpu.memory_space<hbm>>) target(%arg11 : memref<80xi32, #tpu.memory_space<vmem>>) target_semaphore(%arg28 : memref<!tpu.dma_semaphore, #tpu.memory_space<semaphore_mem>>)
    %add3A_14 = arith.constant 160 : i32
    %add3A_15 = arith.addi %mul3A_2, %add3A_14 : i32
    %dma_start3A_16 = tpu.memref_slice %arg3[%add3A_15] : memref<1280000xi32, #tpu.memory_space<hbm>> -> memref<80xi32, #tpu.memory_space<hbm>>
    %dma_start3A_17 = tpu.memref_slice %arg3[%add3A_15] : memref<1280000xi32, #tpu.memory_space<hbm>> -> memref<80xi32, #tpu.memory_space<hbm>>
    tpu.enqueue_dma source(%dma_start3A_17 : memref<80xi32, #tpu.memory_space<hbm>>) target(%arg8 : memref<80xi32, #tpu.memory_space<vmem>>) target_semaphore(%arg25 : memref<!tpu.dma_semaphore, #tpu.memory_space<semaphore_mem>>)
    %dma_start3A_18 = tpu.memref_slice %arg4[%add3A_15] : memref<1280000xi32, #tpu.memory_space<hbm>> -> memref<80xi32, #tpu.memory_space<hbm>>
    %dma_start3A_19 = tpu.memref_slice %arg4[%add3A_15] : memref<1280000xi32, #tpu.memory_space<hbm>> -> memref<80xi32, #tpu.memory_space<hbm>>
    tpu.enqueue_dma source(%dma_start3A_19 : memref<80xi32, #tpu.memory_space<hbm>>) target(%arg12 : memref<80xi32, #tpu.memory_space<vmem>>) target_semaphore(%arg29 : memref<!tpu.dma_semaphore, #tpu.memory_space<semaphore_mem>>)
    %add3A_20 = arith.constant 0 : i32
    %add3A_21 = arith.addi %mul3A_2, %add3A_20 : i32
    %dma_wait3A = tpu.memref_slice %arg3[%add3A_21] : memref<1280000xi32, #tpu.memory_space<hbm>> -> memref<80xi32, #tpu.memory_space<hbm>>
    %dma_wait3A_22 = tpu.memref_slice %arg3[%add3A_21] : memref<1280000xi32, #tpu.memory_space<hbm>> -> memref<80xi32, #tpu.memory_space<hbm>>
    tpu.wait_dma2 semaphore(%arg23 : memref<!tpu.dma_semaphore, #tpu.memory_space<semaphore_mem>>) src(%dma_wait3A_22 : memref<80xi32, #tpu.memory_space<hbm>>) dst(%arg6 : memref<80xi32, #tpu.memory_space<vmem>>)
    %dma_wait3A_23 = tpu.memref_slice %arg4[%add3A_21] : memref<1280000xi32, #tpu.memory_space<hbm>> -> memref<80xi32, #tpu.memory_space<hbm>>
    %dma_wait3A_24 = tpu.memref_slice %arg4[%add3A_21] : memref<1280000xi32, #tpu.memory_space<hbm>> -> memref<80xi32, #tpu.memory_space<hbm>>
    tpu.wait_dma2 semaphore(%arg27 : memref<!tpu.dma_semaphore, #tpu.memory_space<semaphore_mem>>) src(%dma_wait3A_24 : memref<80xi32, #tpu.memory_space<hbm>>) dst(%arg10 : memref<80xi32, #tpu.memory_space<vmem>>)
    %dma_start3A_25 = arith.constant 0 : i32
    %dma_start3A_26 = arith.constant 0 : i32
    %dma_start3A_27 = tpu.memref_slice %arg2[%dma_start3A_25, %dma_start3A_26] : memref<40000x256xbf16, #tpu.memory_space<hbm>> -> memref<40000x256xbf16, #tpu.memory_space<hbm>>
    tpu.enqueue_indirect_dma source(%dma_start3A_27 : memref<40000x256xbf16, #tpu.memory_space<hbm>>) target(%arg14 : memref<80x256xbf16, #tpu.memory_space<vmem>>) offsets(%arg6 : memref<80xi32, #tpu.memory_space<vmem>>) semaphore(%arg31 : memref<!tpu.dma_semaphore, #tpu.memory_space<semaphore_mem>>)
    %dma_start3A_28 = arith.constant 0 : i32
    %dma_start3A_29 = arith.constant 0 : i32
    %dma_start3A_30 = tpu.memref_slice %arg2[%dma_start3A_28, %dma_start3A_29] : memref<40000x256xbf16, #tpu.memory_space<hbm>> -> memref<40000x256xbf16, #tpu.memory_space<hbm>>
    tpu.enqueue_indirect_dma source(%dma_start3A_30 : memref<40000x256xbf16, #tpu.memory_space<hbm>>) target(%arg18 : memref<80x256xbf16, #tpu.memory_space<vmem>>) offsets(%arg10 : memref<80xi32, #tpu.memory_space<vmem>>) semaphore(%arg35 : memref<!tpu.dma_semaphore, #tpu.memory_space<semaphore_mem>>)
    %add3A_31 = arith.constant 80 : i32
    %add3A_32 = arith.addi %mul3A_2, %add3A_31 : i32
    %dma_wait3A_33 = tpu.memref_slice %arg3[%add3A_32] : memref<1280000xi32, #tpu.memory_space<hbm>> -> memref<80xi32, #tpu.memory_space<hbm>>
    %dma_wait3A_34 = tpu.memref_slice %arg3[%add3A_32] : memref<1280000xi32, #tpu.memory_space<hbm>> -> memref<80xi32, #tpu.memory_space<hbm>>
    tpu.wait_dma2 semaphore(%arg24 : memref<!tpu.dma_semaphore, #tpu.memory_space<semaphore_mem>>) src(%dma_wait3A_34 : memref<80xi32, #tpu.memory_space<hbm>>) dst(%arg7 : memref<80xi32, #tpu.memory_space<vmem>>)
    %dma_wait3A_35 = tpu.memref_slice %arg4[%add3A_32] : memref<1280000xi32, #tpu.memory_space<hbm>> -> memref<80xi32, #tpu.memory_space<hbm>>
    %dma_wait3A_36 = tpu.memref_slice %arg4[%add3A_32] : memref<1280000xi32, #tpu.memory_space<hbm>> -> memref<80xi32, #tpu.memory_space<hbm>>
    tpu.wait_dma2 semaphore(%arg28 : memref<!tpu.dma_semaphore, #tpu.memory_space<semaphore_mem>>) src(%dma_wait3A_36 : memref<80xi32, #tpu.memory_space<hbm>>) dst(%arg11 : memref<80xi32, #tpu.memory_space<vmem>>)
    %dma_start3A_37 = arith.constant 0 : i32
    %dma_start3A_38 = arith.constant 0 : i32
    %dma_start3A_39 = tpu.memref_slice %arg2[%dma_start3A_37, %dma_start3A_38] : memref<40000x256xbf16, #tpu.memory_space<hbm>> -> memref<40000x256xbf16, #tpu.memory_space<hbm>>
    tpu.enqueue_indirect_dma source(%dma_start3A_39 : memref<40000x256xbf16, #tpu.memory_space<hbm>>) target(%arg15 : memref<80x256xbf16, #tpu.memory_space<vmem>>) offsets(%arg7 : memref<80xi32, #tpu.memory_space<vmem>>) semaphore(%arg32 : memref<!tpu.dma_semaphore, #tpu.memory_space<semaphore_mem>>)
    %dma_start3A_40 = arith.constant 0 : i32
    %dma_start3A_41 = arith.constant 0 : i32
    %dma_start3A_42 = tpu.memref_slice %arg2[%dma_start3A_40, %dma_start3A_41] : memref<40000x256xbf16, #tpu.memory_space<hbm>> -> memref<40000x256xbf16, #tpu.memory_space<hbm>>
    tpu.enqueue_indirect_dma source(%dma_start3A_42 : memref<40000x256xbf16, #tpu.memory_space<hbm>>) target(%arg19 : memref<80x256xbf16, #tpu.memory_space<vmem>>) offsets(%arg11 : memref<80xi32, #tpu.memory_space<vmem>>) semaphore(%arg36 : memref<!tpu.dma_semaphore, #tpu.memory_space<semaphore_mem>>)
    %add3A_43 = arith.constant 160 : i32
    %add3A_44 = arith.addi %mul3A_2, %add3A_43 : i32
    %dma_wait3A_45 = tpu.memref_slice %arg3[%add3A_44] : memref<1280000xi32, #tpu.memory_space<hbm>> -> memref<80xi32, #tpu.memory_space<hbm>>
    %dma_wait3A_46 = tpu.memref_slice %arg3[%add3A_44] : memref<1280000xi32, #tpu.memory_space<hbm>> -> memref<80xi32, #tpu.memory_space<hbm>>
    tpu.wait_dma2 semaphore(%arg25 : memref<!tpu.dma_semaphore, #tpu.memory_space<semaphore_mem>>) src(%dma_wait3A_46 : memref<80xi32, #tpu.memory_space<hbm>>) dst(%arg8 : memref<80xi32, #tpu.memory_space<vmem>>)
    %dma_wait3A_47 = tpu.memref_slice %arg4[%add3A_44] : memref<1280000xi32, #tpu.memory_space<hbm>> -> memref<80xi32, #tpu.memory_space<hbm>>
    %dma_wait3A_48 = tpu.memref_slice %arg4[%add3A_44] : memref<1280000xi32, #tpu.memory_space<hbm>> -> memref<80xi32, #tpu.memory_space<hbm>>
    tpu.wait_dma2 semaphore(%arg29 : memref<!tpu.dma_semaphore, #tpu.memory_space<semaphore_mem>>) src(%dma_wait3A_48 : memref<80xi32, #tpu.memory_space<hbm>>) dst(%arg12 : memref<80xi32, #tpu.memory_space<vmem>>)
    %dma_start3A_49 = arith.constant 0 : i32
    %dma_start3A_50 = arith.constant 0 : i32
    %dma_start3A_51 = tpu.memref_slice %arg2[%dma_start3A_49, %dma_start3A_50] : memref<40000x256xbf16, #tpu.memory_space<hbm>> -> memref<40000x256xbf16, #tpu.memory_space<hbm>>
    tpu.enqueue_indirect_dma source(%dma_start3A_51 : memref<40000x256xbf16, #tpu.memory_space<hbm>>) target(%arg16 : memref<80x256xbf16, #tpu.memory_space<vmem>>) offsets(%arg8 : memref<80xi32, #tpu.memory_space<vmem>>) semaphore(%arg33 : memref<!tpu.dma_semaphore, #tpu.memory_space<semaphore_mem>>)
    %dma_start3A_52 = arith.constant 0 : i32
    %dma_start3A_53 = arith.constant 0 : i32
    %dma_start3A_54 = tpu.memref_slice %arg2[%dma_start3A_52, %dma_start3A_53] : memref<40000x256xbf16, #tpu.memory_space<hbm>> -> memref<40000x256xbf16, #tpu.memory_space<hbm>>
    tpu.enqueue_indirect_dma source(%dma_start3A_54 : memref<40000x256xbf16, #tpu.memory_space<hbm>>) target(%arg20 : memref<80x256xbf16, #tpu.memory_space<vmem>>) offsets(%arg12 : memref<80xi32, #tpu.memory_space<vmem>>) semaphore(%arg37 : memref<!tpu.dma_semaphore, #tpu.memory_space<semaphore_mem>>)
    %add3A_55 = arith.constant 240 : i32
    %add3A_56 = arith.addi %mul3A_2, %add3A_55 : i32
    %dma_start3A_57 = tpu.memref_slice %arg3[%add3A_56] : memref<1280000xi32, #tpu.memory_space<hbm>> -> memref<80xi32, #tpu.memory_space<hbm>>
    %dma_start3A_58 = tpu.memref_slice %arg3[%add3A_56] : memref<1280000xi32, #tpu.memory_space<hbm>> -> memref<80xi32, #tpu.memory_space<hbm>>
    tpu.enqueue_dma source(%dma_start3A_58 : memref<80xi32, #tpu.memory_space<hbm>>) target(%arg9 : memref<80xi32, #tpu.memory_space<vmem>>) target_semaphore(%arg26 : memref<!tpu.dma_semaphore, #tpu.memory_space<semaphore_mem>>)
    %dma_start3A_59 = tpu.memref_slice %arg4[%add3A_56] : memref<1280000xi32, #tpu.memory_space<hbm>> -> memref<80xi32, #tpu.memory_space<hbm>>
    %dma_start3A_60 = tpu.memref_slice %arg4[%add3A_56] : memref<1280000xi32, #tpu.memory_space<hbm>> -> memref<80xi32, #tpu.memory_space<hbm>>
    tpu.enqueue_dma source(%dma_start3A_60 : memref<80xi32, #tpu.memory_space<hbm>>) target(%arg13 : memref<80xi32, #tpu.memory_space<vmem>>) target_semaphore(%arg30 : memref<!tpu.dma_semaphore, #tpu.memory_space<semaphore_mem>>)
    %scan3A = arith.constant 0 : i32
    %scan3A_61 = arith.constant 0 : i32
    %scan3A_62 = arith.constant 125 : i32
    %scan3A_63 = arith.addi %scan3A_61, %scan3A_62 : i32
    %scan3A_64 = arith.constant 1 : i32
    scf.for %scan3A_66 = %scan3A_61 to %scan3A_63 step %scan3A_64  : i32 {
      %mul3A_67 = arith.constant 4 : i32
      %mul3A_68 = arith.muli %mul3A_67, %scan3A_66 : i32
      %add3A_69 = arith.constant 0 : i32
      %add3A_70 = arith.addi %mul3A_68, %add3A_69 : i32
      %dma_wait3A_71 = arith.constant 0 : i32
      %dma_wait3A_72 = arith.constant 0 : i32
      %dma_wait3A_73 = tpu.memref_slice %arg2[%dma_wait3A_71, %dma_wait3A_72] : memref<40000x256xbf16, #tpu.memory_space<hbm>> -> memref<40000x256xbf16, #tpu.memory_space<hbm>>
      tpu.wait_indirect_dma semaphore(%arg31 : memref<!tpu.dma_semaphore, #tpu.memory_space<semaphore_mem>>) src(%dma_wait3A_73 : memref<40000x256xbf16, #tpu.memory_space<hbm>>) dst(%arg14 : memref<80x256xbf16, #tpu.memory_space<vmem>>)
      %dma_wait3A_74 = arith.constant 0 : i32
      %dma_wait3A_75 = arith.constant 0 : i32
      %dma_wait3A_76 = tpu.memref_slice %arg2[%dma_wait3A_74, %dma_wait3A_75] : memref<40000x256xbf16, #tpu.memory_space<hbm>> -> memref<40000x256xbf16, #tpu.memory_space<hbm>>
      tpu.wait_indirect_dma semaphore(%arg35 : memref<!tpu.dma_semaphore, #tpu.memory_space<semaphore_mem>>) src(%dma_wait3A_76 : memref<40000x256xbf16, #tpu.memory_space<hbm>>) dst(%arg18 : memref<80x256xbf16, #tpu.memory_space<vmem>>)
      %add3A_77 = arith.constant 4 : i32
      %add3A_78 = arith.addi %add3A_70, %add3A_77 : i32
      %lt3A = arith.constant 500 : i32
      %lt3A_79 = arith.cmpi slt, %add3A_78, %lt3A : i32
      %convert_element_type3A = arith.extui %lt3A_79 : i1 to i32
      %cond3A = arith.constant 0 : i32
      %cond3A_80 = arith.cmpi ne, %convert_element_type3A, %cond3A : i32
      scf.if %cond3A_80 {
        %add3A_190 = arith.constant 4 : i32
        %add3A_191 = arith.addi %add3A_70, %add3A_190 : i32
        %mul3A_192 = arith.constant 80 : i32
        %mul3A_193 = arith.muli %add3A_191, %mul3A_192 : i32
        %add3A_194 = arith.addi %mul3A_2, %mul3A_193 : i32
        %dma_start3A_195 = tpu.memref_slice %arg3[%add3A_194] : memref<1280000xi32, #tpu.memory_space<hbm>> -> memref<80xi32, #tpu.memory_space<hbm>>
        %dma_start3A_196 = tpu.memref_slice %arg3[%add3A_194] : memref<1280000xi32, #tpu.memory_space<hbm>> -> memref<80xi32, #tpu.memory_space<hbm>>
        tpu.enqueue_dma source(%dma_start3A_196 : memref<80xi32, #tpu.memory_space<hbm>>) target(%arg6 : memref<80xi32, #tpu.memory_space<vmem>>) target_semaphore(%arg23 : memref<!tpu.dma_semaphore, #tpu.memory_space<semaphore_mem>>)
        %dma_start3A_197 = tpu.memref_slice %arg4[%add3A_194] : memref<1280000xi32, #tpu.memory_space<hbm>> -> memref<80xi32, #tpu.memory_space<hbm>>
        %dma_start3A_198 = tpu.memref_slice %arg4[%add3A_194] : memref<1280000xi32, #tpu.memory_space<hbm>> -> memref<80xi32, #tpu.memory_space<hbm>>
        tpu.enqueue_dma source(%dma_start3A_198 : memref<80xi32, #tpu.memory_space<hbm>>) target(%arg10 : memref<80xi32, #tpu.memory_space<vmem>>) target_semaphore(%arg27 : memref<!tpu.dma_semaphore, #tpu.memory_space<semaphore_mem>>)
      } else {
      }
      %add3A_81 = arith.constant 3 : i32
      %add3A_82 = arith.addi %add3A_70, %add3A_81 : i32
      %lt3A_83 = arith.constant 500 : i32
      %lt3A_84 = arith.cmpi slt, %add3A_82, %lt3A_83 : i32
      %convert_element_type3A_85 = arith.extui %lt3A_84 : i1 to i32
      %cond3A_86 = arith.constant 0 : i32
      %cond3A_87 = arith.cmpi ne, %convert_element_type3A_85, %cond3A_86 : i32
      scf.if %cond3A_87 {
        %add3A_190 = arith.constant 3 : i32
        %add3A_191 = arith.addi %add3A_70, %add3A_190 : i32
        %mul3A_192 = arith.constant 80 : i32
        %mul3A_193 = arith.muli %add3A_191, %mul3A_192 : i32
        %add3A_194 = arith.addi %mul3A_2, %mul3A_193 : i32
        %dma_wait3A_195 = tpu.memref_slice %arg3[%add3A_194] : memref<1280000xi32, #tpu.memory_space<hbm>> -> memref<80xi32, #tpu.memory_space<hbm>>
        %dma_wait3A_196 = tpu.memref_slice %arg3[%add3A_194] : memref<1280000xi32, #tpu.memory_space<hbm>> -> memref<80xi32, #tpu.memory_space<hbm>>
        tpu.wait_dma2 semaphore(%arg26 : memref<!tpu.dma_semaphore, #tpu.memory_space<semaphore_mem>>) src(%dma_wait3A_196 : memref<80xi32, #tpu.memory_space<hbm>>) dst(%arg9 : memref<80xi32, #tpu.memory_space<vmem>>)
        %dma_wait3A_197 = tpu.memref_slice %arg4[%add3A_194] : memref<1280000xi32, #tpu.memory_space<hbm>> -> memref<80xi32, #tpu.memory_space<hbm>>
        %dma_wait3A_198 = tpu.memref_slice %arg4[%add3A_194] : memref<1280000xi32, #tpu.memory_space<hbm>> -> memref<80xi32, #tpu.memory_space<hbm>>
        tpu.wait_dma2 semaphore(%arg30 : memref<!tpu.dma_semaphore, #tpu.memory_space<semaphore_mem>>) src(%dma_wait3A_198 : memref<80xi32, #tpu.memory_space<hbm>>) dst(%arg13 : memref<80xi32, #tpu.memory_space<vmem>>)
        %add3A_199 = arith.constant 3 : i32
        %add3A_200 = arith.addi %add3A_70, %add3A_199 : i32
        %dma_start3A_201 = arith.constant 0 : i32
        %dma_start3A_202 = arith.constant 0 : i32
        %dma_start3A_203 = tpu.memref_slice %arg2[%dma_start3A_201, %dma_start3A_202] : memref<40000x256xbf16, #tpu.memory_space<hbm>> -> memref<40000x256xbf16, #tpu.memory_space<hbm>>
        tpu.enqueue_indirect_dma source(%dma_start3A_203 : memref<40000x256xbf16, #tpu.memory_space<hbm>>) target(%arg17 : memref<80x256xbf16, #tpu.memory_space<vmem>>) offsets(%arg9 : memref<80xi32, #tpu.memory_space<vmem>>) semaphore(%arg34 : memref<!tpu.dma_semaphore, #tpu.memory_space<semaphore_mem>>)
        %dma_start3A_204 = arith.constant 0 : i32
        %dma_start3A_205 = arith.constant 0 : i32
        %dma_start3A_206 = tpu.memref_slice %arg2[%dma_start3A_204, %dma_start3A_205] : memref<40000x256xbf16, #tpu.memory_space<hbm>> -> memref<40000x256xbf16, #tpu.memory_space<hbm>>
        tpu.enqueue_indirect_dma source(%dma_start3A_206 : memref<40000x256xbf16, #tpu.memory_space<hbm>>) target(%arg21 : memref<80x256xbf16, #tpu.memory_space<vmem>>) offsets(%arg13 : memref<80xi32, #tpu.memory_space<vmem>>) semaphore(%arg38 : memref<!tpu.dma_semaphore, #tpu.memory_space<semaphore_mem>>)
      } else {
      }
      %mul3A_88 = arith.constant 80 : i32
      %mul3A_89 = arith.muli %add3A_70, %mul3A_88 : i32
      %add3A_90 = arith.addi %mul3A_2, %mul3A_89 : i32
      %scan3A_91 = arith.constant 0 : i32
      %scan3A_92 = arith.constant 0 : i32
      %scan3A_93 = arith.constant 5 : i32
      %scan3A_94 = arith.addi %scan3A_92, %scan3A_93 : i32
      %scan3A_95 = arith.constant 1 : i32
      scf.for %scan3A_190 = %scan3A_92 to %scan3A_94 step %scan3A_95  : i32 {
        %mul3A_191 = arith.constant 16 : i32
        %mul3A_192 = arith.muli %scan3A_190, %mul3A_191 : i32
        %broadcast_in_dim3A = arith.constant 0.000000e+00 : f32
        %broadcast_in_dim3A_193 = vector.broadcast %broadcast_in_dim3A : f32 to vector<16xf32>
        %scan3A_194 = arith.constant 0 : i32
        %scan3A_195 = arith.constant 16 : i32
        %scan3A_196 = arith.addi %scan3A_194, %scan3A_195 : i32
        %scan3A_197 = arith.constant 4 : i32
        %scan3A_198 = scf.for %scan3A_201 = %scan3A_194 to %scan3A_196 step %scan3A_197 iter_args(%scan3A_202 = %broadcast_in_dim3A_193) -> (vector<16xf32>)  : i32 {
          %add3A_203 = arith.addi %mul3A_192, %scan3A_201 : i32
          %get3A = arith.index_cast %add3A_203 : i32 to index
          %get3A_204 = arith.constant 0 : index
          %get3A_205 = tpu.vector_load %arg14[%get3A, %get3A_204] {strides = array<i32>} : memref<80x256xbf16, #tpu.memory_space<vmem>>, vector<32xbf16>,
          %get3A_206 = arith.index_cast %add3A_203 : i32 to index
          %get3A_207 = arith.constant 0 : index
          %get3A_208 = tpu.vector_load %arg18[%get3A_206, %get3A_207] {strides = array<i32>} : memref<80x256xbf16, #tpu.memory_space<vmem>>, vector<32xbf16>,
          %mul3A_209 = arith.mulf %get3A_205, %get3A_208 : vector<32xbf16>
          %unpack3A = tpu.unpack_subelements %mul3A_209, 0 {pack_format = #tpu.pack_format<interleaved>} : vector<32xbf16> -> vector<16xf32>
          %unpack3A_210 = tpu.unpack_subelements %mul3A_209, 1 {pack_format = #tpu.pack_format<interleaved>} : vector<32xbf16> -> vector<16xf32>
          %add3A_211 = arith.addf %unpack3A, %unpack3A_210 : vector<16xf32>
          %get3A_212 = arith.index_cast %add3A_203 : i32 to index
          %get3A_213 = arith.constant 32 : index
          %get3A_214 = tpu.vector_load %arg14[%get3A_212, %get3A_213] {strides = array<i32>} : memref<80x256xbf16, #tpu.memory_space<vmem>>, vector<32xbf16>,
          %get3A_215 = arith.index_cast %add3A_203 : i32 to index
          %get3A_216 = arith.constant 32 : index
          %get3A_217 = tpu.vector_load %arg18[%get3A_215, %get3A_216] {strides = array<i32>} : memref<80x256xbf16, #tpu.memory_space<vmem>>, vector<32xbf16>,
          %mul3A_218 = arith.mulf %get3A_214, %get3A_217 : vector<32xbf16>
          %unpack3A_219 = tpu.unpack_subelements %mul3A_218, 0 {pack_format = #tpu.pack_format<interleaved>} : vector<32xbf16> -> vector<16xf32>
          %unpack3A_220 = tpu.unpack_subelements %mul3A_218, 1 {pack_format = #tpu.pack_format<interleaved>} : vector<32xbf16> -> vector<16xf32>
          %add3A_221 = arith.addf %unpack3A_219, %unpack3A_220 : vector<16xf32>
          %add3A_222 = arith.addf %add3A_211, %add3A_221 : vector<16xf32>
          %get3A_223 = arith.index_cast %add3A_203 : i32 to index
          %get3A_224 = arith.constant 64 : index
          %get3A_225 = tpu.vector_load %arg14[%get3A_223, %get3A_224] {strides = array<i32>} : memref<80x256xbf16, #tpu.memory_space<vmem>>, vector<32xbf16>,
          %get3A_226 = arith.index_cast %add3A_203 : i32 to index
          %get3A_227 = arith.constant 64 : index
          %get3A_228 = tpu.vector_load %arg18[%get3A_226, %get3A_227] {strides = array<i32>} : memref<80x256xbf16, #tpu.memory_space<vmem>>, vector<32xbf16>,
          %mul3A_229 = arith.mulf %get3A_225, %get3A_228 : vector<32xbf16>
          %unpack3A_230 = tpu.unpack_subelements %mul3A_229, 0 {pack_format = #tpu.pack_format<interleaved>} : vector<32xbf16> -> vector<16xf32>
          %unpack3A_231 = tpu.unpack_subelements %mul3A_229, 1 {pack_format = #tpu.pack_format<interleaved>} : vector<32xbf16> -> vector<16xf32>
          %add3A_232 = arith.addf %unpack3A_230, %unpack3A_231 : vector<16xf32>
          %get3A_233 = arith.index_cast %add3A_203 : i32 to index
          %get3A_234 = arith.constant 96 : index
          %get3A_235 = tpu.vector_load %arg14[%get3A_233, %get3A_234] {strides = array<i32>} : memref<80x256xbf16, #tpu.memory_space<vmem>>, vector<32xbf16>,
          %get3A_236 = arith.index_cast %add3A_203 : i32 to index
          %get3A_237 = arith.constant 96 : index
          %get3A_238 = tpu.vector_load %arg18[%get3A_236, %get3A_237] {strides = array<i32>} : memref<80x256xbf16, #tpu.memory_space<vmem>>, vector<32xbf16>,
          %mul3A_239 = arith.mulf %get3A_235, %get3A_238 : vector<32xbf16>
          %unpack3A_240 = tpu.unpack_subelements %mul3A_239, 0 {pack_format = #tpu.pack_format<interleaved>} : vector<32xbf16> -> vector<16xf32>
          %unpack3A_241 = tpu.unpack_subelements %mul3A_239, 1 {pack_format = #tpu.pack_format<interleaved>} : vector<32xbf16> -> vector<16xf32>
          %add3A_242 = arith.addf %unpack3A_240, %unpack3A_241 : vector<16xf32>
          %add3A_243 = arith.addf %add3A_232, %add3A_242 : vector<16xf32>
          %get3A_244 = arith.index_cast %add3A_203 : i32 to index
          %get3A_245 = arith.constant 128 : index
          %get3A_246 = tpu.vector_load %arg14[%get3A_244, %get3A_245] {strides = array<i32>} : memref<80x256xbf16, #tpu.memory_space<vmem>>, vector<32xbf16>,
          %get3A_247 = arith.index_cast %add3A_203 : i32 to index
          %get3A_248 = arith.constant 128 : index
          %get3A_249 = tpu.vector_load %arg18[%get3A_247, %get3A_248] {strides = array<i32>} : memref<80x256xbf16, #tpu.memory_space<vmem>>, vector<32xbf16>,
          %mul3A_250 = arith.mulf %get3A_246, %get3A_249 : vector<32xbf16>
          %unpack3A_251 = tpu.unpack_subelements %mul3A_250, 0 {pack_format = #tpu.pack_format<interleaved>} : vector<32xbf16> -> vector<16xf32>
          %unpack3A_252 = tpu.unpack_subelements %mul3A_250, 1 {pack_format = #tpu.pack_format<interleaved>} : vector<32xbf16> -> vector<16xf32>
          %add3A_253 = arith.addf %unpack3A_251, %unpack3A_252 : vector<16xf32>
          %get3A_254 = arith.index_cast %add3A_203 : i32 to index
          %get3A_255 = arith.constant 160 : index
          %get3A_256 = tpu.vector_load %arg14[%get3A_254, %get3A_255] {strides = array<i32>} : memref<80x256xbf16, #tpu.memory_space<vmem>>, vector<32xbf16>,
          %get3A_257 = arith.index_cast %add3A_203 : i32 to index
          %get3A_258 = arith.constant 160 : index
          %get3A_259 = tpu.vector_load %arg18[%get3A_257, %get3A_258] {strides = array<i32>} : memref<80x256xbf16, #tpu.memory_space<vmem>>, vector<32xbf16>,
          %mul3A_260 = arith.mulf %get3A_256, %get3A_259 : vector<32xbf16>
          %unpack3A_261 = tpu.unpack_subelements %mul3A_260, 0 {pack_format = #tpu.pack_format<interleaved>} : vector<32xbf16> -> vector<16xf32>
          %unpack3A_262 = tpu.unpack_subelements %mul3A_260, 1 {pack_format = #tpu.pack_format<interleaved>} : vector<32xbf16> -> vector<16xf32>
          %add3A_263 = arith.addf %unpack3A_261, %unpack3A_262 : vector<16xf32>
          %add3A_264 = arith.addf %add3A_253, %add3A_263 : vector<16xf32>
          %get3A_265 = arith.index_cast %add3A_203 : i32 to index
          %get3A_266 = arith.constant 192 : index
          %get3A_267 = tpu.vector_load %arg14[%get3A_265, %get3A_266] {strides = array<i32>} : memref<80x256xbf16, #tpu.memory_space<vmem>>, vector<32xbf16>,
          %get3A_268 = arith.index_cast %add3A_203 : i32 to index
          %get3A_269 = arith.constant 192 : index
          %get3A_270 = tpu.vector_load %arg18[%get3A_268, %get3A_269] {strides = array<i32>} : memref<80x256xbf16, #tpu.memory_space<vmem>>, vector<32xbf16>,
          %mul3A_271 = arith.mulf %get3A_267, %get3A_270 : vector<32xbf16>
          %unpack3A_272 = tpu.unpack_subelements %mul3A_271, 0 {pack_format = #tpu.pack_format<interleaved>} : vector<32xbf16> -> vector<16xf32>
          %unpack3A_273 = tpu.unpack_subelements %mul3A_271, 1 {pack_format = #tpu.pack_format<interleaved>} : vector<32xbf16> -> vector<16xf32>
          %add3A_274 = arith.addf %unpack3A_272, %unpack3A_273 : vector<16xf32>
          %get3A_275 = arith.index_cast %add3A_203 : i32 to index
          %get3A_276 = arith.constant 224 : index
          %get3A_277 = tpu.vector_load %arg14[%get3A_275, %get3A_276] {strides = array<i32>} : memref<80x256xbf16, #tpu.memory_space<vmem>>, vector<32xbf16>,
          %get3A_278 = arith.index_cast %add3A_203 : i32 to index
          %get3A_279 = arith.constant 224 : index
          %get3A_280 = tpu.vector_load %arg18[%get3A_278, %get3A_279] {strides = array<i32>} : memref<80x256xbf16, #tpu.memory_space<vmem>>, vector<32xbf16>,
          %mul3A_281 = arith.mulf %get3A_277, %get3A_280 : vector<32xbf16>
          %unpack3A_282 = tpu.unpack_subelements %mul3A_281, 0 {pack_format = #tpu.pack_format<interleaved>} : vector<32xbf16> -> vector<16xf32>
          %unpack3A_283 = tpu.unpack_subelements %mul3A_281, 1 {pack_format = #tpu.pack_format<interleaved>} : vector<32xbf16> -> vector<16xf32>
          %add3A_284 = arith.addf %unpack3A_282, %unpack3A_283 : vector<16xf32>
          %add3A_285 = arith.addf %add3A_274, %add3A_284 : vector<16xf32>
          %add3A_286 = arith.addf %add3A_222, %add3A_243 : vector<16xf32>
          %add3A_287 = arith.addf %add3A_264, %add3A_285 : vector<16xf32>
          %add3A_288 = arith.addf %add3A_286, %add3A_287 : vector<16xf32>
          %eq3A = vector.broadcast %scan3A_201 : i32 to vector<16xi32>
          %eq3A_289 = arith.cmpi eq, %iota3A, %eq3A : vector<16xi32>
          %reduce_sum3A = arith.constant true
          %reduce_sum3A_290 = vector.broadcast %reduce_sum3A : i1 to vector<16xi1>
          %reduce_sum3A_291 = tpu.scan <sum>, %add3A_288 masked %reduce_sum3A_290 : vector<16xf32>, vector<16xi1> -> vector<16xf32>
          %reduce_sum3A_292 = vector.extract %reduce_sum3A_291[15] : f32 from vector<16xf32>
          %broadcast_in_dim3A_293 = vector.broadcast %reduce_sum3A_292 : f32 to vector<16xf32>
          %select_n3A = arith.select %eq3A_289, %broadcast_in_dim3A_293, %scan3A_202 : vector<16xi1>, vector<16xf32>
          %scan3A_294 = arith.constant 1 : i32
          %scan3A_295 = arith.addi %scan3A_201, %scan3A_294 : i32
          %add3A_296 = arith.addi %mul3A_192, %scan3A_295 : i32
          %get3A_297 = arith.index_cast %add3A_296 : i32 to index
          %get3A_298 = arith.constant 0 : index
          %get3A_299 = tpu.vector_load %arg14[%get3A_297, %get3A_298] {strides = array<i32>} : memref<80x256xbf16, #tpu.memory_space<vmem>>, vector<32xbf16>,
          %get3A_300 = arith.index_cast %add3A_296 : i32 to index
          %get3A_301 = arith.constant 0 : index
          %get3A_302 = tpu.vector_load %arg18[%get3A_300, %get3A_301] {strides = array<i32>} : memref<80x256xbf16, #tpu.memory_space<vmem>>, vector<32xbf16>,
          %mul3A_303 = arith.mulf %get3A_299, %get3A_302 : vector<32xbf16>
          %unpack3A_304 = tpu.unpack_subelements %mul3A_303, 0 {pack_format = #tpu.pack_format<interleaved>} : vector<32xbf16> -> vector<16xf32>
          %unpack3A_305 = tpu.unpack_subelements %mul3A_303, 1 {pack_format = #tpu.pack_format<interleaved>} : vector<32xbf16> -> vector<16xf32>
          %add3A_306 = arith.addf %unpack3A_304, %unpack3A_305 : vector<16xf32>
          %get3A_307 = arith.index_cast %add3A_296 : i32 to index
          %get3A_308 = arith.constant 32 : index
          %get3A_309 = tpu.vector_load %arg14[%get3A_307, %get3A_308] {strides = array<i32>} : memref<80x256xbf16, #tpu.memory_space<vmem>>, vector<32xbf16>,
          %get3A_310 = arith.index_cast %add3A_296 : i32 to index
          %get3A_311 = arith.constant 32 : index
          %get3A_312 = tpu.vector_load %arg18[%get3A_310, %get3A_311] {strides = array<i32>} : memref<80x256xbf16, #tpu.memory_space<vmem>>, vector<32xbf16>,
          %mul3A_313 = arith.mulf %get3A_309, %get3A_312 : vector<32xbf16>
          %unpack3A_314 = tpu.unpack_subelements %mul3A_313, 0 {pack_format = #tpu.pack_format<interleaved>} : vector<32xbf16> -> vector<16xf32>
          %unpack3A_315 = tpu.unpack_subelements %mul3A_313, 1 {pack_format = #tpu.pack_format<interleaved>} : vector<32xbf16> -> vector<16xf32>
          %add3A_316 = arith.addf %unpack3A_314, %unpack3A_315 : vector<16xf32>
          %add3A_317 = arith.addf %add3A_306, %add3A_316 : vector<16xf32>
          %get3A_318 = arith.index_cast %add3A_296 : i32 to index
          %get3A_319 = arith.constant 64 : index
          %get3A_320 = tpu.vector_load %arg14[%get3A_318, %get3A_319] {strides = array<i32>} : memref<80x256xbf16, #tpu.memory_space<vmem>>, vector<32xbf16>,
          %get3A_321 = arith.index_cast %add3A_296 : i32 to index
          %get3A_322 = arith.constant 64 : index
          %get3A_323 = tpu.vector_load %arg18[%get3A_321, %get3A_322] {strides = array<i32>} : memref<80x256xbf16, #tpu.memory_space<vmem>>, vector<32xbf16>,
          %mul3A_324 = arith.mulf %get3A_320, %get3A_323 : vector<32xbf16>
          %unpack3A_325 = tpu.unpack_subelements %mul3A_324, 0 {pack_format = #tpu.pack_format<interleaved>} : vector<32xbf16> -> vector<16xf32>
          %unpack3A_326 = tpu.unpack_subelements %mul3A_324, 1 {pack_format = #tpu.pack_format<interleaved>} : vector<32xbf16> -> vector<16xf32>
          %add3A_327 = arith.addf %unpack3A_325, %unpack3A_326 : vector<16xf32>
          %get3A_328 = arith.index_cast %add3A_296 : i32 to index
          %get3A_329 = arith.constant 96 : index
          %get3A_330 = tpu.vector_load %arg14[%get3A_328, %get3A_329] {strides = array<i32>} : memref<80x256xbf16, #tpu.memory_space<vmem>>, vector<32xbf16>,
          %get3A_331 = arith.index_cast %add3A_296 : i32 to index
          %get3A_332 = arith.constant 96 : index
          %get3A_333 = tpu.vector_load %arg18[%get3A_331, %get3A_332] {strides = array<i32>} : memref<80x256xbf16, #tpu.memory_space<vmem>>, vector<32xbf16>,
          %mul3A_334 = arith.mulf %get3A_330, %get3A_333 : vector<32xbf16>
          %unpack3A_335 = tpu.unpack_subelements %mul3A_334, 0 {pack_format = #tpu.pack_format<interleaved>} : vector<32xbf16> -> vector<16xf32>
          %unpack3A_336 = tpu.unpack_subelements %mul3A_334, 1 {pack_format = #tpu.pack_format<interleaved>} : vector<32xbf16> -> vector<16xf32>
          %add3A_337 = arith.addf %unpack3A_335, %unpack3A_336 : vector<16xf32>
          %add3A_338 = arith.addf %add3A_327, %add3A_337 : vector<16xf32>
          %get3A_339 = arith.index_cast %add3A_296 : i32 to index
          %get3A_340 = arith.constant 128 : index
          %get3A_341 = tpu.vector_load %arg14[%get3A_339, %get3A_340] {strides = array<i32>} : memref<80x256xbf16, #tpu.memory_space<vmem>>, vector<32xbf16>,
          %get3A_342 = arith.index_cast %add3A_296 : i32 to index
          %get3A_343 = arith.constant 128 : index
          %get3A_344 = tpu.vector_load %arg18[%get3A_342, %get3A_343] {strides = array<i32>} : memref<80x256xbf16, #tpu.memory_space<vmem>>, vector<32xbf16>,
          %mul3A_345 = arith.mulf %get3A_341, %get3A_344 : vector<32xbf16>
          %unpack3A_346 = tpu.unpack_subelements %mul3A_345, 0 {pack_format = #tpu.pack_format<interleaved>} : vector<32xbf16> -> vector<16xf32>
          %unpack3A_347 = tpu.unpack_subelements %mul3A_345, 1 {pack_format = #tpu.pack_format<interleaved>} : vector<32xbf16> -> vector<16xf32>
          %add3A_348 = arith.addf %unpack3A_346, %unpack3A_347 : vector<16xf32>
          %get3A_349 = arith.index_cast %add3A_296 : i32 to index
          %get3A_350 = arith.constant 160 : index
          %get3A_351 = tpu.vector_load %arg14[%get3A_349, %get3A_350] {strides = array<i32>} : memref<80x256xbf16, #tpu.memory_space<vmem>>, vector<32xbf16>,
          %get3A_352 = arith.index_cast %add3A_296 : i32 to index
          %get3A_353 = arith.constant 160 : index
          %get3A_354 = tpu.vector_load %arg18[%get3A_352, %get3A_353] {strides = array<i32>} : memref<80x256xbf16, #tpu.memory_space<vmem>>, vector<32xbf16>,
          %mul3A_355 = arith.mulf %get3A_351, %get3A_354 : vector<32xbf16>
          %unpack3A_356 = tpu.unpack_subelements %mul3A_355, 0 {pack_format = #tpu.pack_format<interleaved>} : vector<32xbf16> -> vector<16xf32>
          %unpack3A_357 = tpu.unpack_subelements %mul3A_355, 1 {pack_format = #tpu.pack_format<interleaved>} : vector<32xbf16> -> vector<16xf32>
          %add3A_358 = arith.addf %unpack3A_356, %unpack3A_357 : vector<16xf32>
          %add3A_359 = arith.addf %add3A_348, %add3A_358 : vector<16xf32>
          %get3A_360 = arith.index_cast %add3A_296 : i32 to index
          %get3A_361 = arith.constant 192 : index
          %get3A_362 = tpu.vector_load %arg14[%get3A_360, %get3A_361] {strides = array<i32>} : memref<80x256xbf16, #tpu.memory_space<vmem>>, vector<32xbf16>,
          %get3A_363 = arith.index_cast %add3A_296 : i32 to index
          %get3A_364 = arith.constant 192 : index
          %get3A_365 = tpu.vector_load %arg18[%get3A_363, %get3A_364] {strides = array<i32>} : memref<80x256xbf16, #tpu.memory_space<vmem>>, vector<32xbf16>,
          %mul3A_366 = arith.mulf %get3A_362, %get3A_365 : vector<32xbf16>
          %unpack3A_367 = tpu.unpack_subelements %mul3A_366, 0 {pack_format = #tpu.pack_format<interleaved>} : vector<32xbf16> -> vector<16xf32>
          %unpack3A_368 = tpu.unpack_subelements %mul3A_366, 1 {pack_format = #tpu.pack_format<interleaved>} : vector<32xbf16> -> vector<16xf32>
          %add3A_369 = arith.addf %unpack3A_367, %unpack3A_368 : vector<16xf32>
          %get3A_370 = arith.index_cast %add3A_296 : i32 to index
          %get3A_371 = arith.constant 224 : index
          %get3A_372 = tpu.vector_load %arg14[%get3A_370, %get3A_371] {strides = array<i32>} : memref<80x256xbf16, #tpu.memory_space<vmem>>, vector<32xbf16>,
          %get3A_373 = arith.index_cast %add3A_296 : i32 to index
          %get3A_374 = arith.constant 224 : index
          %get3A_375 = tpu.vector_load %arg18[%get3A_373, %get3A_374] {strides = array<i32>} : memref<80x256xbf16, #tpu.memory_space<vmem>>, vector<32xbf16>,
          %mul3A_376 = arith.mulf %get3A_372, %get3A_375 : vector<32xbf16>
          %unpack3A_377 = tpu.unpack_subelements %mul3A_376, 0 {pack_format = #tpu.pack_format<interleaved>} : vector<32xbf16> -> vector<16xf32>
          %unpack3A_378 = tpu.unpack_subelements %mul3A_376, 1 {pack_format = #tpu.pack_format<interleaved>} : vector<32xbf16> -> vector<16xf32>
          %add3A_379 = arith.addf %unpack3A_377, %unpack3A_378 : vector<16xf32>
          %add3A_380 = arith.addf %add3A_369, %add3A_379 : vector<16xf32>
          %add3A_381 = arith.addf %add3A_317, %add3A_338 : vector<16xf32>
          %add3A_382 = arith.addf %add3A_359, %add3A_380 : vector<16xf32>
          %add3A_383 = arith.addf %add3A_381, %add3A_382 : vector<16xf32>
          %eq3A_384 = vector.broadcast %scan3A_295 : i32 to vector<16xi32>
          %eq3A_385 = arith.cmpi eq, %iota3A, %eq3A_384 : vector<16xi32>
          %reduce_sum3A_386 = arith.constant true
          %reduce_sum3A_387 = vector.broadcast %reduce_sum3A_386 : i1 to vector<16xi1>
          %reduce_sum3A_388 = tpu.scan <sum>, %add3A_383 masked %reduce_sum3A_387 : vector<16xf32>, vector<16xi1> -> vector<16xf32>
          %reduce_sum3A_389 = vector.extract %reduce_sum3A_388[15] : f32 from vector<16xf32>
          %broadcast_in_dim3A_390 = vector.broadcast %reduce_sum3A_389 : f32 to vector<16xf32>
          %select_n3A_391 = arith.select %eq3A_385, %broadcast_in_dim3A_390, %select_n3A : vector<16xi1>, vector<16xf32>
          %scan3A_392 = arith.constant 2 : i32
          %scan3A_393 = arith.addi %scan3A_201, %scan3A_392 : i32
          %add3A_394 = arith.addi %mul3A_192, %scan3A_393 : i32
          %get3A_395 = arith.index_cast %add3A_394 : i32 to index
          %get3A_396 = arith.constant 0 : index
          %get3A_397 = tpu.vector_load %arg14[%get3A_395, %get3A_396] {strides = array<i32>} : memref<80x256xbf16, #tpu.memory_space<vmem>>, vector<32xbf16>,
          %get3A_398 = arith.index_cast %add3A_394 : i32 to index
          %get3A_399 = arith.constant 0 : index
          %get3A_400 = tpu.vector_load %arg18[%get3A_398, %get3A_399] {strides = array<i32>} : memref<80x256xbf16, #tpu.memory_space<vmem>>, vector<32xbf16>,
          %mul3A_401 = arith.mulf %get3A_397, %get3A_400 : vector<32xbf16>
          %unpack3A_402 = tpu.unpack_subelements %mul3A_401, 0 {pack_format = #tpu.pack_format<interleaved>} : vector<32xbf16> -> vector<16xf32>
          %unpack3A_403 = tpu.unpack_subelements %mul3A_401, 1 {pack_format = #tpu.pack_format<interleaved>} : vector<32xbf16> -> vector<16xf32>
          %add3A_404 = arith.addf %unpack3A_402, %unpack3A_403 : vector<16xf32>
          %get3A_405 = arith.index_cast %add3A_394 : i32 to index
          %get3A_406 = arith.constant 32 : index
          %get3A_407 = tpu.vector_load %arg14[%get3A_405, %get3A_406] {strides = array<i32>} : memref<80x256xbf16, #tpu.memory_space<vmem>>, vector<32xbf16>,
          %get3A_408 = arith.index_cast %add3A_394 : i32 to index
          %get3A_409 = arith.constant 32 : index
          %get3A_410 = tpu.vector_load %arg18[%get3A_408, %get3A_409] {strides = array<i32>} : memref<80x256xbf16, #tpu.memory_space<vmem>>, vector<32xbf16>,
          %mul3A_411 = arith.mulf %get3A_407, %get3A_410 : vector<32xbf16>
          %unpack3A_412 = tpu.unpack_subelements %mul3A_411, 0 {pack_format = #tpu.pack_format<interleaved>} : vector<32xbf16> -> vector<16xf32>
          %unpack3A_413 = tpu.unpack_subelements %mul3A_411, 1 {pack_format = #tpu.pack_format<interleaved>} : vector<32xbf16> -> vector<16xf32>
          %add3A_414 = arith.addf %unpack3A_412, %unpack3A_413 : vector<16xf32>
          %add3A_415 = arith.addf %add3A_404, %add3A_414 : vector<16xf32>
          %get3A_416 = arith.index_cast %add3A_394 : i32 to index
          %get3A_417 = arith.constant 64 : index
          %get3A_418 = tpu.vector_load %arg14[%get3A_416, %get3A_417] {strides = array<i32>} : memref<80x256xbf16, #tpu.memory_space<vmem>>, vector<32xbf16>,
          %get3A_419 = arith.index_cast %add3A_394 : i32 to index
          %get3A_420 = arith.constant 64 : index
          %get3A_421 = tpu.vector_load %arg18[%get3A_419, %get3A_420] {strides = array<i32>} : memref<80x256xbf16, #tpu.memory_space<vmem>>, vector<32xbf16>,
          %mul3A_422 = arith.mulf %get3A_418, %get3A_421 : vector<32xbf16>
          %unpack3A_423 = tpu.unpack_subelements %mul3A_422, 0 {pack_format = #tpu.pack_format<interleaved>} : vector<32xbf16> -> vector<16xf32>
          %unpack3A_424 = tpu.unpack_subelements %mul3A_422, 1 {pack_format = #tpu.pack_format<interleaved>} : vector<32xbf16> -> vector<16xf32>
          %add3A_425 = arith.addf %unpack3A_423, %unpack3A_424 : vector<16xf32>
          %get3A_426 = arith.index_cast %add3A_394 : i32 to index
          %get3A_427 = arith.constant 96 : index
          %get3A_428 = tpu.vector_load %arg14[%get3A_426, %get3A_427] {strides = array<i32>} : memref<80x256xbf16, #tpu.memory_space<vmem>>, vector<32xbf16>,
          %get3A_429 = arith.index_cast %add3A_394 : i32 to index
          %get3A_430 = arith.constant 96 : index
          %get3A_431 = tpu.vector_load %arg18[%get3A_429, %get3A_430] {strides = array<i32>} : memref<80x256xbf16, #tpu.memory_space<vmem>>, vector<32xbf16>,
          %mul3A_432 = arith.mulf %get3A_428, %get3A_431 : vector<32xbf16>
          %unpack3A_433 = tpu.unpack_subelements %mul3A_432, 0 {pack_format = #tpu.pack_format<interleaved>} : vector<32xbf16> -> vector<16xf32>
          %unpack3A_434 = tpu.unpack_subelements %mul3A_432, 1 {pack_format = #tpu.pack_format<interleaved>} : vector<32xbf16> -> vector<16xf32>
          %add3A_435 = arith.addf %unpack3A_433, %unpack3A_434 : vector<16xf32>
          %add3A_436 = arith.addf %add3A_425, %add3A_435 : vector<16xf32>
          %get3A_437 = arith.index_cast %add3A_394 : i32 to index
          %get3A_438 = arith.constant 128 : index
          %get3A_439 = tpu.vector_load %arg14[%get3A_437, %get3A_438] {strides = array<i32>} : memref<80x256xbf16, #tpu.memory_space<vmem>>, vector<32xbf16>,
          %get3A_440 = arith.index_cast %add3A_394 : i32 to index
          %get3A_441 = arith.constant 128 : index
          %get3A_442 = tpu.vector_load %arg18[%get3A_440, %get3A_441] {strides = array<i32>} : memref<80x256xbf16, #tpu.memory_space<vmem>>, vector<32xbf16>,
          %mul3A_443 = arith.mulf %get3A_439, %get3A_442 : vector<32xbf16>
          %unpack3A_444 = tpu.unpack_subelements %mul3A_443, 0 {pack_format = #tpu.pack_format<interleaved>} : vector<32xbf16> -> vector<16xf32>
          %unpack3A_445 = tpu.unpack_subelements %mul3A_443, 1 {pack_format = #tpu.pack_format<interleaved>} : vector<32xbf16> -> vector<16xf32>
          %add3A_446 = arith.addf %unpack3A_444, %unpack3A_445 : vector<16xf32>
          %get3A_447 = arith.index_cast %add3A_394 : i32 to index
          %get3A_448 = arith.constant 160 : index
          %get3A_449 = tpu.vector_load %arg14[%get3A_447, %get3A_448] {strides = array<i32>} : memref<80x256xbf16, #tpu.memory_space<vmem>>, vector<32xbf16>,
          %get3A_450 = arith.index_cast %add3A_394 : i32 to index
          %get3A_451 = arith.constant 160 : index
          %get3A_452 = tpu.vector_load %arg18[%get3A_450, %get3A_451] {strides = array<i32>} : memref<80x256xbf16, #tpu.memory_space<vmem>>, vector<32xbf16>,
          %mul3A_453 = arith.mulf %get3A_449, %get3A_452 : vector<32xbf16>
          %unpack3A_454 = tpu.unpack_subelements %mul3A_453, 0 {pack_format = #tpu.pack_format<interleaved>} : vector<32xbf16> -> vector<16xf32>
          %unpack3A_455 = tpu.unpack_subelements %mul3A_453, 1 {pack_format = #tpu.pack_format<interleaved>} : vector<32xbf16> -> vector<16xf32>
          %add3A_456 = arith.addf %unpack3A_454, %unpack3A_455 : vector<16xf32>
          %add3A_457 = arith.addf %add3A_446, %add3A_456 : vector<16xf32>
          %get3A_458 = arith.index_cast %add3A_394 : i32 to index
          %get3A_459 = arith.constant 192 : index
          %get3A_460 = tpu.vector_load %arg14[%get3A_458, %get3A_459] {strides = array<i32>} : memref<80x256xbf16, #tpu.memory_space<vmem>>, vector<32xbf16>,
          %get3A_461 = arith.index_cast %add3A_394 : i32 to index
          %get3A_462 = arith.constant 192 : index
          %get3A_463 = tpu.vector_load %arg18[%get3A_461, %get3A_462] {strides = array<i32>} : memref<80x256xbf16, #tpu.memory_space<vmem>>, vector<32xbf16>,
          %mul3A_464 = arith.mulf %get3A_460, %get3A_463 : vector<32xbf16>
          %unpack3A_465 = tpu.unpack_subelements %mul3A_464, 0 {pack_format = #tpu.pack_format<interleaved>} : vector<32xbf16> -> vector<16xf32>
          %unpack3A_466 = tpu.unpack_subelements %mul3A_464, 1 {pack_format = #tpu.pack_format<interleaved>} : vector<32xbf16> -> vector<16xf32>
          %add3A_467 = arith.addf %unpack3A_465, %unpack3A_466 : vector<16xf32>
          %get3A_468 = arith.index_cast %add3A_394 : i32 to index
          %get3A_469 = arith.constant 224 : index
          %get3A_470 = tpu.vector_load %arg14[%get3A_468, %get3A_469] {strides = array<i32>} : memref<80x256xbf16, #tpu.memory_space<vmem>>, vector<32xbf16>,
          %get3A_471 = arith.index_cast %add3A_394 : i32 to index
          %get3A_472 = arith.constant 224 : index
          %get3A_473 = tpu.vector_load %arg18[%get3A_471, %get3A_472] {strides = array<i32>} : memref<80x256xbf16, #tpu.memory_space<vmem>>, vector<32xbf16>,
          %mul3A_474 = arith.mulf %get3A_470, %get3A_473 : vector<32xbf16>
          %unpack3A_475 = tpu.unpack_subelements %mul3A_474, 0 {pack_format = #tpu.pack_format<interleaved>} : vector<32xbf16> -> vector<16xf32>
          %unpack3A_476 = tpu.unpack_subelements %mul3A_474, 1 {pack_format = #tpu.pack_format<interleaved>} : vector<32xbf16> -> vector<16xf32>
          %add3A_477 = arith.addf %unpack3A_475, %unpack3A_476 : vector<16xf32>
          %add3A_478 = arith.addf %add3A_467, %add3A_477 : vector<16xf32>
          %add3A_479 = arith.addf %add3A_415, %add3A_436 : vector<16xf32>
          %add3A_480 = arith.addf %add3A_457, %add3A_478 : vector<16xf32>
          %add3A_481 = arith.addf %add3A_479, %add3A_480 : vector<16xf32>
          %eq3A_482 = vector.broadcast %scan3A_393 : i32 to vector<16xi32>
          %eq3A_483 = arith.cmpi eq, %iota3A, %eq3A_482 : vector<16xi32>
          %reduce_sum3A_484 = arith.constant true
          %reduce_sum3A_485 = vector.broadcast %reduce_sum3A_484 : i1 to vector<16xi1>
          %reduce_sum3A_486 = tpu.scan <sum>, %add3A_481 masked %reduce_sum3A_485 : vector<16xf32>, vector<16xi1> -> vector<16xf32>
          %reduce_sum3A_487 = vector.extract %reduce_sum3A_486[15] : f32 from vector<16xf32>
          %broadcast_in_dim3A_488 = vector.broadcast %reduce_sum3A_487 : f32 to vector<16xf32>
          %select_n3A_489 = arith.select %eq3A_483, %broadcast_in_dim3A_488, %select_n3A_391 : vector<16xi1>, vector<16xf32>
          %scan3A_490 = arith.constant 3 : i32
          %scan3A_491 = arith.addi %scan3A_201, %scan3A_490 : i32
          %add3A_492 = arith.addi %mul3A_192, %scan3A_491 : i32
          %get3A_493 = arith.index_cast %add3A_492 : i32 to index
          %get3A_494 = arith.constant 0 : index
          %get3A_495 = tpu.vector_load %arg14[%get3A_493, %get3A_494] {strides = array<i32>} : memref<80x256xbf16, #tpu.memory_space<vmem>>, vector<32xbf16>,
          %get3A_496 = arith.index_cast %add3A_492 : i32 to index
          %get3A_497 = arith.constant 0 : index
          %get3A_498 = tpu.vector_load %arg18[%get3A_496, %get3A_497] {strides = array<i32>} : memref<80x256xbf16, #tpu.memory_space<vmem>>, vector<32xbf16>,
          %mul3A_499 = arith.mulf %get3A_495, %get3A_498 : vector<32xbf16>
          %unpack3A_500 = tpu.unpack_subelements %mul3A_499, 0 {pack_format = #tpu.pack_format<interleaved>} : vector<32xbf16> -> vector<16xf32>
          %unpack3A_501 = tpu.unpack_subelements %mul3A_499, 1 {pack_format = #tpu.pack_format<interleaved>} : vector<32xbf16> -> vector<16xf32>
          %add3A_502 = arith.addf %unpack3A_500, %unpack3A_501 : vector<16xf32>
          %get3A_503 = arith.index_cast %add3A_492 : i32 to index
          %get3A_504 = arith.constant 32 : index
          %get3A_505 = tpu.vector_load %arg14[%get3A_503, %get3A_504] {strides = array<i32>} : memref<80x256xbf16, #tpu.memory_space<vmem>>, vector<32xbf16>,
          %get3A_506 = arith.index_cast %add3A_492 : i32 to index
          %get3A_507 = arith.constant 32 : index
          %get3A_508 = tpu.vector_load %arg18[%get3A_506, %get3A_507] {strides = array<i32>} : memref<80x256xbf16, #tpu.memory_space<vmem>>, vector<32xbf16>,
          %mul3A_509 = arith.mulf %get3A_505, %get3A_508 : vector<32xbf16>
          %unpack3A_510 = tpu.unpack_subelements %mul3A_509, 0 {pack_format = #tpu.pack_format<interleaved>} : vector<32xbf16> -> vector<16xf32>
          %unpack3A_511 = tpu.unpack_subelements %mul3A_509, 1 {pack_format = #tpu.pack_format<interleaved>} : vector<32xbf16> -> vector<16xf32>
          %add3A_512 = arith.addf %unpack3A_510, %unpack3A_511 : vector<16xf32>
          %add3A_513 = arith.addf %add3A_502, %add3A_512 : vector<16xf32>
          %get3A_514 = arith.index_cast %add3A_492 : i32 to index
          %get3A_515 = arith.constant 64 : index
          %get3A_516 = tpu.vector_load %arg14[%get3A_514, %get3A_515] {strides = array<i32>} : memref<80x256xbf16, #tpu.memory_space<vmem>>, vector<32xbf16>,
          %get3A_517 = arith.index_cast %add3A_492 : i32 to index
          %get3A_518 = arith.constant 64 : index
          %get3A_519 = tpu.vector_load %arg18[%get3A_517, %get3A_518] {strides = array<i32>} : memref<80x256xbf16, #tpu.memory_space<vmem>>, vector<32xbf16>,
          %mul3A_520 = arith.mulf %get3A_516, %get3A_519 : vector<32xbf16>
          %unpack3A_521 = tpu.unpack_subelements %mul3A_520, 0 {pack_format = #tpu.pack_format<interleaved>} : vector<32xbf16> -> vector<16xf32>
          %unpack3A_522 = tpu.unpack_subelements %mul3A_520, 1 {pack_format = #tpu.pack_format<interleaved>} : vector<32xbf16> -> vector<16xf32>
          %add3A_523 = arith.addf %unpack3A_521, %unpack3A_522 : vector<16xf32>
          %get3A_524 = arith.index_cast %add3A_492 : i32 to index
          %get3A_525 = arith.constant 96 : index
          %get3A_526 = tpu.vector_load %arg14[%get3A_524, %get3A_525] {strides = array<i32>} : memref<80x256xbf16, #tpu.memory_space<vmem>>, vector<32xbf16>,
          %get3A_527 = arith.index_cast %add3A_492 : i32 to index
          %get3A_528 = arith.constant 96 : index
          %get3A_529 = tpu.vector_load %arg18[%get3A_527, %get3A_528] {strides = array<i32>} : memref<80x256xbf16, #tpu.memory_space<vmem>>, vector<32xbf16>,
          %mul3A_530 = arith.mulf %get3A_526, %get3A_529 : vector<32xbf16>
          %unpack3A_531 = tpu.unpack_subelements %mul3A_530, 0 {pack_format = #tpu.pack_format<interleaved>} : vector<32xbf16> -> vector<16xf32>
          %unpack3A_532 = tpu.unpack_subelements %mul3A_530, 1 {pack_format = #tpu.pack_format<interleaved>} : vector<32xbf16> -> vector<16xf32>
          %add3A_533 = arith.addf %unpack3A_531, %unpack3A_532 : vector<16xf32>
          %add3A_534 = arith.addf %add3A_523, %add3A_533 : vector<16xf32>
          %get3A_535 = arith.index_cast %add3A_492 : i32 to index
          %get3A_536 = arith.constant 128 : index
          %get3A_537 = tpu.vector_load %arg14[%get3A_535, %get3A_536] {strides = array<i32>} : memref<80x256xbf16, #tpu.memory_space<vmem>>, vector<32xbf16>,
          %get3A_538 = arith.index_cast %add3A_492 : i32 to index
          %get3A_539 = arith.constant 128 : index
          %get3A_540 = tpu.vector_load %arg18[%get3A_538, %get3A_539] {strides = array<i32>} : memref<80x256xbf16, #tpu.memory_space<vmem>>, vector<32xbf16>,
          %mul3A_541 = arith.mulf %get3A_537, %get3A_540 : vector<32xbf16>
          %unpack3A_542 = tpu.unpack_subelements %mul3A_541, 0 {pack_format = #tpu.pack_format<interleaved>} : vector<32xbf16> -> vector<16xf32>
          %unpack3A_543 = tpu.unpack_subelements %mul3A_541, 1 {pack_format = #tpu.pack_format<interleaved>} : vector<32xbf16> -> vector<16xf32>
          %add3A_544 = arith.addf %unpack3A_542, %unpack3A_543 : vector<16xf32>
          %get3A_545 = arith.index_cast %add3A_492 : i32 to index
          %get3A_546 = arith.constant 160 : index
          %get3A_547 = tpu.vector_load %arg14[%get3A_545, %get3A_546] {strides = array<i32>} : memref<80x256xbf16, #tpu.memory_space<vmem>>, vector<32xbf16>,
          %get3A_548 = arith.index_cast %add3A_492 : i32 to index
          %get3A_549 = arith.constant 160 : index
          %get3A_550 = tpu.vector_load %arg18[%get3A_548, %get3A_549] {strides = array<i32>} : memref<80x256xbf16, #tpu.memory_space<vmem>>, vector<32xbf16>,
          %mul3A_551 = arith.mulf %get3A_547, %get3A_550 : vector<32xbf16>
          %unpack3A_552 = tpu.unpack_subelements %mul3A_551, 0 {pack_format = #tpu.pack_format<interleaved>} : vector<32xbf16> -> vector<16xf32>
          %unpack3A_553 = tpu.unpack_subelements %mul3A_551, 1 {pack_format = #tpu.pack_format<interleaved>} : vector<32xbf16> -> vector<16xf32>
          %add3A_554 = arith.addf %unpack3A_552, %unpack3A_553 : vector<16xf32>
          %add3A_555 = arith.addf %add3A_544, %add3A_554 : vector<16xf32>
          %get3A_556 = arith.index_cast %add3A_492 : i32 to index
          %get3A_557 = arith.constant 192 : index
          %get3A_558 = tpu.vector_load %arg14[%get3A_556, %get3A_557] {strides = array<i32>} : memref<80x256xbf16, #tpu.memory_space<vmem>>, vector<32xbf16>,
          %get3A_559 = arith.index_cast %add3A_492 : i32 to index
          %get3A_560 = arith.constant 192 : index
          %get3A_561 = tpu.vector_load %arg18[%get3A_559, %get3A_560] {strides = array<i32>} : memref<80x256xbf16, #tpu.memory_space<vmem>>, vector<32xbf16>,
          %mul3A_562 = arith.mulf %get3A_558, %get3A_561 : vector<32xbf16>
          %unpack3A_563 = tpu.unpack_subelements %mul3A_562, 0 {pack_format = #tpu.pack_format<interleaved>} : vector<32xbf16> -> vector<16xf32>
          %unpack3A_564 = tpu.unpack_subelements %mul3A_562, 1 {pack_format = #tpu.pack_format<interleaved>} : vector<32xbf16> -> vector<16xf32>
          %add3A_565 = arith.addf %unpack3A_563, %unpack3A_564 : vector<16xf32>
          %get3A_566 = arith.index_cast %add3A_492 : i32 to index
          %get3A_567 = arith.constant 224 : index
          %get3A_568 = tpu.vector_load %arg14[%get3A_566, %get3A_567] {strides = array<i32>} : memref<80x256xbf16, #tpu.memory_space<vmem>>, vector<32xbf16>,
          %get3A_569 = arith.index_cast %add3A_492 : i32 to index
          %get3A_570 = arith.constant 224 : index
          %get3A_571 = tpu.vector_load %arg18[%get3A_569, %get3A_570] {strides = array<i32>} : memref<80x256xbf16, #tpu.memory_space<vmem>>, vector<32xbf16>,
          %mul3A_572 = arith.mulf %get3A_568, %get3A_571 : vector<32xbf16>
          %unpack3A_573 = tpu.unpack_subelements %mul3A_572, 0 {pack_format = #tpu.pack_format<interleaved>} : vector<32xbf16> -> vector<16xf32>
          %unpack3A_574 = tpu.unpack_subelements %mul3A_572, 1 {pack_format = #tpu.pack_format<interleaved>} : vector<32xbf16> -> vector<16xf32>
          %add3A_575 = arith.addf %unpack3A_573, %unpack3A_574 : vector<16xf32>
          %add3A_576 = arith.addf %add3A_565, %add3A_575 : vector<16xf32>
          %add3A_577 = arith.addf %add3A_513, %add3A_534 : vector<16xf32>
          %add3A_578 = arith.addf %add3A_555, %add3A_576 : vector<16xf32>
          %add3A_579 = arith.addf %add3A_577, %add3A_578 : vector<16xf32>
          %eq3A_580 = vector.broadcast %scan3A_491 : i32 to vector<16xi32>
          %eq3A_581 = arith.cmpi eq, %iota3A, %eq3A_580 : vector<16xi32>
          %reduce_sum3A_582 = arith.constant true
          %reduce_sum3A_583 = vector.broadcast %reduce_sum3A_582 : i1 to vector<16xi1>
          %reduce_sum3A_584 = tpu.scan <sum>, %add3A_579 masked %reduce_sum3A_583 : vector<16xf32>, vector<16xi1> -> vector<16xf32>
          %reduce_sum3A_585 = vector.extract %reduce_sum3A_584[15] : f32 from vector<16xf32>
          %broadcast_in_dim3A_586 = vector.broadcast %reduce_sum3A_585 : f32 to vector<16xf32>
          %select_n3A_587 = arith.select %eq3A_581, %broadcast_in_dim3A_586, %select_n3A_489 : vector<16xi1>, vector<16xf32>
          scf.yield %select_n3A_587 : vector<16xf32>
        }
        %scan3A_199 = arith.constant 16 : i32
        %swap3A = arith.index_cast %mul3A_192 : i32 to index
        %swap3A_200 = tpu.vector_load %arg22[%swap3A] {strides = array<i32>} : memref<80xf32, #tpu.memory_space<vmem>>, vector<16xf32>,
        tpu.vector_store %arg22[%swap3A], %scan3A_198 {strides = array<i32>} : memref<80xf32, #tpu.memory_space<vmem>>, vector<16xf32>,
      }
      %scan3A_96 = arith.constant 5 : i32
      "tpu.region"() ({
        %run_scoped3A = tpu.sem_alloc : memref<!tpu.dma_semaphore, #tpu.memory_space<semaphore_mem>>
        %dma_start3A_190 = tpu.memref_slice %arg5[%add3A_90] : memref<1280000xf32, #tpu.memory_space<hbm>> -> memref<80xf32, #tpu.memory_space<hbm>>
        %dma_start3A_191 = tpu.memref_slice %arg5[%add3A_90] : memref<1280000xf32, #tpu.memory_space<hbm>> -> memref<80xf32, #tpu.memory_space<hbm>>
        tpu.enqueue_dma source(%arg22 : memref<80xf32, #tpu.memory_space<vmem>>) target(%dma_start3A_191 : memref<80xf32, #tpu.memory_space<hbm>>) target_semaphore(%run_scoped3A : memref<!tpu.dma_semaphore, #tpu.memory_space<semaphore_mem>>)
        %dma_wait3A_192 = tpu.memref_slice %arg5[%add3A_90] : memref<1280000xf32, #tpu.memory_space<hbm>> -> memref<80xf32, #tpu.memory_space<hbm>>
        %dma_wait3A_193 = tpu.memref_slice %arg5[%add3A_90] : memref<1280000xf32, #tpu.memory_space<hbm>> -> memref<80xf32, #tpu.memory_space<hbm>>
        tpu.wait_dma2 semaphore(%run_scoped3A : memref<!tpu.dma_semaphore, #tpu.memory_space<semaphore_mem>>) src(%arg22 : memref<80xf32, #tpu.memory_space<vmem>>) dst(%dma_wait3A_193 : memref<80xf32, #tpu.memory_space<hbm>>)
        tpu.yield
      }) : () -> ()
      %add3A_97 = arith.constant 1 : i32
      %add3A_98 = arith.addi %mul3A_68, %add3A_97 : i32
      %dma_wait3A_99 = arith.constant 0 : i32
      %dma_wait3A_100 = arith.constant 0 : i32
      %dma_wait3A_101 = tpu.memref_slice %arg2[%dma_wait3A_99, %dma_wait3A_100] : memref<40000x256xbf16, #tpu.memory_space<hbm>> -> memref<40000x256xbf16, #tpu.memory_space<hbm>>
      tpu.wait_indirect_dma semaphore(%arg32 : memref<!tpu.dma_semaphore, #tpu.memory_space<semaphore_mem>>) src(%dma_wait3A_101 : memref<40000x256xbf16, #tpu.memory_space<hbm>>) dst(%arg15 : memref<80x256xbf16, #tpu.memory_space<vmem>>)
      %dma_wait3A_102 = arith.constant 0 : i32
      %dma_wait3A_103 = arith.constant 0 : i32
      %dma_wait3A_104 = tpu.memref_slice %arg2[%dma_wait3A_102, %dma_wait3A_103] : memref<40000x256xbf16, #tpu.memory_space<hbm>> -> memref<40000x256xbf16, #tpu.memory_space<hbm>>
      tpu.wait_indirect_dma semaphore(%arg36 : memref<!tpu.dma_semaphore, #tpu.memory_space<semaphore_mem>>) src(%dma_wait3A_104 : memref<40000x256xbf16, #tpu.memory_space<hbm>>) dst(%arg19 : memref<80x256xbf16, #tpu.memory_space<vmem>>)
      %add3A_105 = arith.constant 4 : i32
      %add3A_106 = arith.addi %add3A_98, %add3A_105 : i32
      %lt3A_107 = arith.constant 500 : i32
      %lt3A_108 = arith.cmpi slt, %add3A_106, %lt3A_107 : i32
      %convert_element_type3A_109 = arith.extui %lt3A_108 : i1 to i32
      %cond3A_110 = arith.constant 0 : i32
      %cond3A_111 = arith.cmpi ne, %convert_element_type3A_109, %cond3A_110 : i32
      scf.if %cond3A_111 {
        %add3A_190 = arith.constant 4 : i32
        %add3A_191 = arith.addi %add3A_98, %add3A_190 : i32
        %mul3A_192 = arith.constant 80 : i32
        %mul3A_193 = arith.muli %add3A_191, %mul3A_192 : i32
        %add3A_194 = arith.addi %mul3A_2, %mul3A_193 : i32
        %dma_start3A_195 = tpu.memref_slice %arg3[%add3A_194] : memref<1280000xi32, #tpu.memory_space<hbm>> -> memref<80xi32, #tpu.memory_space<hbm>>
        %dma_start3A_196 = tpu.memref_slice %arg3[%add3A_194] : memref<1280000xi32, #tpu.memory_space<hbm>> -> memref<80xi32, #tpu.memory_space<hbm>>
        tpu.enqueue_dma source(%dma_start3A_196 : memref<80xi32, #tpu.memory_space<hbm>>) target(%arg7 : memref<80xi32, #tpu.memory_space<vmem>>) target_semaphore(%arg24 : memref<!tpu.dma_semaphore, #tpu.memory_space<semaphore_mem>>)
        %dma_start3A_197 = tpu.memref_slice %arg4[%add3A_194] : memref<1280000xi32, #tpu.memory_space<hbm>> -> memref<80xi32, #tpu.memory_space<hbm>>
        %dma_start3A_198 = tpu.memref_slice %arg4[%add3A_194] : memref<1280000xi32, #tpu.memory_space<hbm>> -> memref<80xi32, #tpu.memory_space<hbm>>
        tpu.enqueue_dma source(%dma_start3A_198 : memref<80xi32, #tpu.memory_space<hbm>>) target(%arg11 : memref<80xi32, #tpu.memory_space<vmem>>) target_semaphore(%arg28 : memref<!tpu.dma_semaphore, #tpu.memory_space<semaphore_mem>>)
      } else {
      }
      %add3A_112 = arith.constant 3 : i32
      %add3A_113 = arith.addi %add3A_98, %add3A_112 : i32
      %lt3A_114 = arith.constant 500 : i32
      %lt3A_115 = arith.cmpi slt, %add3A_113, %lt3A_114 : i32
      %convert_element_type3A_116 = arith.extui %lt3A_115 : i1 to i32
      %cond3A_117 = arith.constant 0 : i32
      %cond3A_118 = arith.cmpi ne, %convert_element_type3A_116, %cond3A_117 : i32
      scf.if %cond3A_118 {
        %add3A_190 = arith.constant 3 : i32
        %add3A_191 = arith.addi %add3A_98, %add3A_190 : i32
        %mul3A_192 = arith.constant 80 : i32
        %mul3A_193 = arith.muli %add3A_191, %mul3A_192 : i32
        %add3A_194 = arith.addi %mul3A_2, %mul3A_193 : i32
        %dma_wait3A_195 = tpu.memref_slice %arg3[%add3A_194] : memref<1280000xi32, #tpu.memory_space<hbm>> -> memref<80xi32, #tpu.memory_space<hbm>>
        %dma_wait3A_196 = tpu.memref_slice %arg3[%add3A_194] : memref<1280000xi32, #tpu.memory_space<hbm>> -> memref<80xi32, #tpu.memory_space<hbm>>
        tpu.wait_dma2 semaphore(%arg23 : memref<!tpu.dma_semaphore, #tpu.memory_space<semaphore_mem>>) src(%dma_wait3A_196 : memref<80xi32, #tpu.memory_space<hbm>>) dst(%arg6 : memref<80xi32, #tpu.memory_space<vmem>>)
        %dma_wait3A_197 = tpu.memref_slice %arg4[%add3A_194] : memref<1280000xi32, #tpu.memory_space<hbm>> -> memref<80xi32, #tpu.memory_space<hbm>>
        %dma_wait3A_198 = tpu.memref_slice %arg4[%add3A_194] : memref<1280000xi32, #tpu.memory_space<hbm>> -> memref<80xi32, #tpu.memory_space<hbm>>
        tpu.wait_dma2 semaphore(%arg27 : memref<!tpu.dma_semaphore, #tpu.memory_space<semaphore_mem>>) src(%dma_wait3A_198 : memref<80xi32, #tpu.memory_space<hbm>>) dst(%arg10 : memref<80xi32, #tpu.memory_space<vmem>>)
        %add3A_199 = arith.constant 3 : i32
        %add3A_200 = arith.addi %add3A_98, %add3A_199 : i32
        %dma_start3A_201 = arith.constant 0 : i32
        %dma_start3A_202 = arith.constant 0 : i32
        %dma_start3A_203 = tpu.memref_slice %arg2[%dma_start3A_201, %dma_start3A_202] : memref<40000x256xbf16, #tpu.memory_space<hbm>> -> memref<40000x256xbf16, #tpu.memory_space<hbm>>
        tpu.enqueue_indirect_dma source(%dma_start3A_203 : memref<40000x256xbf16, #tpu.memory_space<hbm>>) target(%arg14 : memref<80x256xbf16, #tpu.memory_space<vmem>>) offsets(%arg6 : memref<80xi32, #tpu.memory_space<vmem>>) semaphore(%arg31 : memref<!tpu.dma_semaphore, #tpu.memory_space<semaphore_mem>>)
        %dma_start3A_204 = arith.constant 0 : i32
        %dma_start3A_205 = arith.constant 0 : i32
        %dma_start3A_206 = tpu.memref_slice %arg2[%dma_start3A_204, %dma_start3A_205] : memref<40000x256xbf16, #tpu.memory_space<hbm>> -> memref<40000x256xbf16, #tpu.memory_space<hbm>>
        tpu.enqueue_indirect_dma source(%dma_start3A_206 : memref<40000x256xbf16, #tpu.memory_space<hbm>>) target(%arg18 : memref<80x256xbf16, #tpu.memory_space<vmem>>) offsets(%arg10 : memref<80xi32, #tpu.memory_space<vmem>>) semaphore(%arg35 : memref<!tpu.dma_semaphore, #tpu.memory_space<semaphore_mem>>)
      } else {
      }
      %mul3A_119 = arith.constant 80 : i32
      %mul3A_120 = arith.muli %add3A_98, %mul3A_119 : i32
      %add3A_121 = arith.addi %mul3A_2, %mul3A_120 : i32
      %scan3A_122 = arith.constant 0 : i32
      %scan3A_123 = arith.constant 0 : i32
      %scan3A_124 = arith.constant 5 : i32
      %scan3A_125 = arith.addi %scan3A_123, %scan3A_124 : i32
      %scan3A_126 = arith.constant 1 : i32
      scf.for %scan3A_190 = %scan3A_123 to %scan3A_125 step %scan3A_126  : i32 {
        %mul3A_191 = arith.constant 16 : i32
        %mul3A_192 = arith.muli %scan3A_190, %mul3A_191 : i32
        %broadcast_in_dim3A = arith.constant 0.000000e+00 : f32
        %broadcast_in_dim3A_193 = vector.broadcast %broadcast_in_dim3A : f32 to vector<16xf32>
        %scan3A_194 = arith.constant 0 : i32
        %scan3A_195 = arith.constant 16 : i32
        %scan3A_196 = arith.addi %scan3A_194, %scan3A_195 : i32
        %scan3A_197 = arith.constant 4 : i32
        %scan3A_198 = scf.for %scan3A_201 = %scan3A_194 to %scan3A_196 step %scan3A_197 iter_args(%scan3A_202 = %broadcast_in_dim3A_193) -> (vector<16xf32>)  : i32 {
          %add3A_203 = arith.addi %mul3A_192, %scan3A_201 : i32
          %get3A = arith.index_cast %add3A_203 : i32 to index
          %get3A_204 = arith.constant 0 : index
          %get3A_205 = tpu.vector_load %arg15[%get3A, %get3A_204] {strides = array<i32>} : memref<80x256xbf16, #tpu.memory_space<vmem>>, vector<32xbf16>,
          %get3A_206 = arith.index_cast %add3A_203 : i32 to index
          %get3A_207 = arith.constant 0 : index
          %get3A_208 = tpu.vector_load %arg19[%get3A_206, %get3A_207] {strides = array<i32>} : memref<80x256xbf16, #tpu.memory_space<vmem>>, vector<32xbf16>,
          %mul3A_209 = arith.mulf %get3A_205, %get3A_208 : vector<32xbf16>
          %unpack3A = tpu.unpack_subelements %mul3A_209, 0 {pack_format = #tpu.pack_format<interleaved>} : vector<32xbf16> -> vector<16xf32>
          %unpack3A_210 = tpu.unpack_subelements %mul3A_209, 1 {pack_format = #tpu.pack_format<interleaved>} : vector<32xbf16> -> vector<16xf32>
          %add3A_211 = arith.addf %unpack3A, %unpack3A_210 : vector<16xf32>
          %get3A_212 = arith.index_cast %add3A_203 : i32 to index
          %get3A_213 = arith.constant 32 : index
          %get3A_214 = tpu.vector_load %arg15[%get3A_212, %get3A_213] {strides = array<i32>} : memref<80x256xbf16, #tpu.memory_space<vmem>>, vector<32xbf16>,
          %get3A_215 = arith.index_cast %add3A_203 : i32 to index
          %get3A_216 = arith.constant 32 : index
          %get3A_217 = tpu.vector_load %arg19[%get3A_215, %get3A_216] {strides = array<i32>} : memref<80x256xbf16, #tpu.memory_space<vmem>>, vector<32xbf16>,
          %mul3A_218 = arith.mulf %get3A_214, %get3A_217 : vector<32xbf16>
          %unpack3A_219 = tpu.unpack_subelements %mul3A_218, 0 {pack_format = #tpu.pack_format<interleaved>} : vector<32xbf16> -> vector<16xf32>
          %unpack3A_220 = tpu.unpack_subelements %mul3A_218, 1 {pack_format = #tpu.pack_format<interleaved>} : vector<32xbf16> -> vector<16xf32>
          %add3A_221 = arith.addf %unpack3A_219, %unpack3A_220 : vector<16xf32>
          %add3A_222 = arith.addf %add3A_211, %add3A_221 : vector<16xf32>
          %get3A_223 = arith.index_cast %add3A_203 : i32 to index
          %get3A_224 = arith.constant 64 : index
          %get3A_225 = tpu.vector_load %arg15[%get3A_223, %get3A_224] {strides = array<i32>} : memref<80x256xbf16, #tpu.memory_space<vmem>>, vector<32xbf16>,
          %get3A_226 = arith.index_cast %add3A_203 : i32 to index
          %get3A_227 = arith.constant 64 : index
          %get3A_228 = tpu.vector_load %arg19[%get3A_226, %get3A_227] {strides = array<i32>} : memref<80x256xbf16, #tpu.memory_space<vmem>>, vector<32xbf16>,
          %mul3A_229 = arith.mulf %get3A_225, %get3A_228 : vector<32xbf16>
          %unpack3A_230 = tpu.unpack_subelements %mul3A_229, 0 {pack_format = #tpu.pack_format<interleaved>} : vector<32xbf16> -> vector<16xf32>
          %unpack3A_231 = tpu.unpack_subelements %mul3A_229, 1 {pack_format = #tpu.pack_format<interleaved>} : vector<32xbf16> -> vector<16xf32>
          %add3A_232 = arith.addf %unpack3A_230, %unpack3A_231 : vector<16xf32>
          %get3A_233 = arith.index_cast %add3A_203 : i32 to index
          %get3A_234 = arith.constant 96 : index
          %get3A_235 = tpu.vector_load %arg15[%get3A_233, %get3A_234] {strides = array<i32>} : memref<80x256xbf16, #tpu.memory_space<vmem>>, vector<32xbf16>,
          %get3A_236 = arith.index_cast %add3A_203 : i32 to index
          %get3A_237 = arith.constant 96 : index
          %get3A_238 = tpu.vector_load %arg19[%get3A_236, %get3A_237] {strides = array<i32>} : memref<80x256xbf16, #tpu.memory_space<vmem>>, vector<32xbf16>,
          %mul3A_239 = arith.mulf %get3A_235, %get3A_238 : vector<32xbf16>
          %unpack3A_240 = tpu.unpack_subelements %mul3A_239, 0 {pack_format = #tpu.pack_format<interleaved>} : vector<32xbf16> -> vector<16xf32>
          %unpack3A_241 = tpu.unpack_subelements %mul3A_239, 1 {pack_format = #tpu.pack_format<interleaved>} : vector<32xbf16> -> vector<16xf32>
          %add3A_242 = arith.addf %unpack3A_240, %unpack3A_241 : vector<16xf32>
          %add3A_243 = arith.addf %add3A_232, %add3A_242 : vector<16xf32>
          %get3A_244 = arith.index_cast %add3A_203 : i32 to index
          %get3A_245 = arith.constant 128 : index
          %get3A_246 = tpu.vector_load %arg15[%get3A_244, %get3A_245] {strides = array<i32>} : memref<80x256xbf16, #tpu.memory_space<vmem>>, vector<32xbf16>,
          %get3A_247 = arith.index_cast %add3A_203 : i32 to index
          %get3A_248 = arith.constant 128 : index
          %get3A_249 = tpu.vector_load %arg19[%get3A_247, %get3A_248] {strides = array<i32>} : memref<80x256xbf16, #tpu.memory_space<vmem>>, vector<32xbf16>,
          %mul3A_250 = arith.mulf %get3A_246, %get3A_249 : vector<32xbf16>
          %unpack3A_251 = tpu.unpack_subelements %mul3A_250, 0 {pack_format = #tpu.pack_format<interleaved>} : vector<32xbf16> -> vector<16xf32>
          %unpack3A_252 = tpu.unpack_subelements %mul3A_250, 1 {pack_format = #tpu.pack_format<interleaved>} : vector<32xbf16> -> vector<16xf32>
          %add3A_253 = arith.addf %unpack3A_251, %unpack3A_252 : vector<16xf32>
          %get3A_254 = arith.index_cast %add3A_203 : i32 to index
          %get3A_255 = arith.constant 160 : index
          %get3A_256 = tpu.vector_load %arg15[%get3A_254, %get3A_255] {strides = array<i32>} : memref<80x256xbf16, #tpu.memory_space<vmem>>, vector<32xbf16>,
          %get3A_257 = arith.index_cast %add3A_203 : i32 to index
          %get3A_258 = arith.constant 160 : index
          %get3A_259 = tpu.vector_load %arg19[%get3A_257, %get3A_258] {strides = array<i32>} : memref<80x256xbf16, #tpu.memory_space<vmem>>, vector<32xbf16>,
          %mul3A_260 = arith.mulf %get3A_256, %get3A_259 : vector<32xbf16>
          %unpack3A_261 = tpu.unpack_subelements %mul3A_260, 0 {pack_format = #tpu.pack_format<interleaved>} : vector<32xbf16> -> vector<16xf32>
          %unpack3A_262 = tpu.unpack_subelements %mul3A_260, 1 {pack_format = #tpu.pack_format<interleaved>} : vector<32xbf16> -> vector<16xf32>
          %add3A_263 = arith.addf %unpack3A_261, %unpack3A_262 : vector<16xf32>
          %add3A_264 = arith.addf %add3A_253, %add3A_263 : vector<16xf32>
          %get3A_265 = arith.index_cast %add3A_203 : i32 to index
          %get3A_266 = arith.constant 192 : index
          %get3A_267 = tpu.vector_load %arg15[%get3A_265, %get3A_266] {strides = array<i32>} : memref<80x256xbf16, #tpu.memory_space<vmem>>, vector<32xbf16>,
          %get3A_268 = arith.index_cast %add3A_203 : i32 to index
          %get3A_269 = arith.constant 192 : index
          %get3A_270 = tpu.vector_load %arg19[%get3A_268, %get3A_269] {strides = array<i32>} : memref<80x256xbf16, #tpu.memory_space<vmem>>, vector<32xbf16>,
          %mul3A_271 = arith.mulf %get3A_267, %get3A_270 : vector<32xbf16>
          %unpack3A_272 = tpu.unpack_subelements %mul3A_271, 0 {pack_format = #tpu.pack_format<interleaved>} : vector<32xbf16> -> vector<16xf32>
          %unpack3A_273 = tpu.unpack_subelements %mul3A_271, 1 {pack_format = #tpu.pack_format<interleaved>} : vector<32xbf16> -> vector<16xf32>
          %add3A_274 = arith.addf %unpack3A_272, %unpack3A_273 : vector<16xf32>
          %get3A_275 = arith.index_cast %add3A_203 : i32 to index
          %get3A_276 = arith.constant 224 : index
          %get3A_277 = tpu.vector_load %arg15[%get3A_275, %get3A_276] {strides = array<i32>} : memref<80x256xbf16, #tpu.memory_space<vmem>>, vector<32xbf16>,
          %get3A_278 = arith.index_cast %add3A_203 : i32 to index
          %get3A_279 = arith.constant 224 : index
          %get3A_280 = tpu.vector_load %arg19[%get3A_278, %get3A_279] {strides = array<i32>} : memref<80x256xbf16, #tpu.memory_space<vmem>>, vector<32xbf16>,
          %mul3A_281 = arith.mulf %get3A_277, %get3A_280 : vector<32xbf16>
          %unpack3A_282 = tpu.unpack_subelements %mul3A_281, 0 {pack_format = #tpu.pack_format<interleaved>} : vector<32xbf16> -> vector<16xf32>
          %unpack3A_283 = tpu.unpack_subelements %mul3A_281, 1 {pack_format = #tpu.pack_format<interleaved>} : vector<32xbf16> -> vector<16xf32>
          %add3A_284 = arith.addf %unpack3A_282, %unpack3A_283 : vector<16xf32>
          %add3A_285 = arith.addf %add3A_274, %add3A_284 : vector<16xf32>
          %add3A_286 = arith.addf %add3A_222, %add3A_243 : vector<16xf32>
          %add3A_287 = arith.addf %add3A_264, %add3A_285 : vector<16xf32>
          %add3A_288 = arith.addf %add3A_286, %add3A_287 : vector<16xf32>
          %eq3A = vector.broadcast %scan3A_201 : i32 to vector<16xi32>
          %eq3A_289 = arith.cmpi eq, %iota3A, %eq3A : vector<16xi32>
          %reduce_sum3A = arith.constant true
          %reduce_sum3A_290 = vector.broadcast %reduce_sum3A : i1 to vector<16xi1>
          %reduce_sum3A_291 = tpu.scan <sum>, %add3A_288 masked %reduce_sum3A_290 : vector<16xf32>, vector<16xi1> -> vector<16xf32>
          %reduce_sum3A_292 = vector.extract %reduce_sum3A_291[15] : f32 from vector<16xf32>
          %broadcast_in_dim3A_293 = vector.broadcast %reduce_sum3A_292 : f32 to vector<16xf32>
          %select_n3A = arith.select %eq3A_289, %broadcast_in_dim3A_293, %scan3A_202 : vector<16xi1>, vector<16xf32>
          %scan3A_294 = arith.constant 1 : i32
          %scan3A_295 = arith.addi %scan3A_201, %scan3A_294 : i32
          %add3A_296 = arith.addi %mul3A_192, %scan3A_295 : i32
          %get3A_297 = arith.index_cast %add3A_296 : i32 to index
          %get3A_298 = arith.constant 0 : index
          %get3A_299 = tpu.vector_load %arg15[%get3A_297, %get3A_298] {strides = array<i32>} : memref<80x256xbf16, #tpu.memory_space<vmem>>, vector<32xbf16>,
          %get3A_300 = arith.index_cast %add3A_296 : i32 to index
          %get3A_301 = arith.constant 0 : index
          %get3A_302 = tpu.vector_load %arg19[%get3A_300, %get3A_301] {strides = array<i32>} : memref<80x256xbf16, #tpu.memory_space<vmem>>, vector<32xbf16>,
          %mul3A_303 = arith.mulf %get3A_299, %get3A_302 : vector<32xbf16>
          %unpack3A_304 = tpu.unpack_subelements %mul3A_303, 0 {pack_format = #tpu.pack_format<interleaved>} : vector<32xbf16> -> vector<16xf32>
          %unpack3A_305 = tpu.unpack_subelements %mul3A_303, 1 {pack_format = #tpu.pack_format<interleaved>} : vector<32xbf16> -> vector<16xf32>
          %add3A_306 = arith.addf %unpack3A_304, %unpack3A_305 : vector<16xf32>
          %get3A_307 = arith.index_cast %add3A_296 : i32 to index
          %get3A_308 = arith.constant 32 : index
          %get3A_309 = tpu.vector_load %arg15[%get3A_307, %get3A_308] {strides = array<i32>} : memref<80x256xbf16, #tpu.memory_space<vmem>>, vector<32xbf16>,
          %get3A_310 = arith.index_cast %add3A_296 : i32 to index
          %get3A_311 = arith.constant 32 : index
          %get3A_312 = tpu.vector_load %arg19[%get3A_310, %get3A_311] {strides = array<i32>} : memref<80x256xbf16, #tpu.memory_space<vmem>>, vector<32xbf16>,
          %mul3A_313 = arith.mulf %get3A_309, %get3A_312 : vector<32xbf16>
          %unpack3A_314 = tpu.unpack_subelements %mul3A_313, 0 {pack_format = #tpu.pack_format<interleaved>} : vector<32xbf16> -> vector<16xf32>
          %unpack3A_315 = tpu.unpack_subelements %mul3A_313, 1 {pack_format = #tpu.pack_format<interleaved>} : vector<32xbf16> -> vector<16xf32>
          %add3A_316 = arith.addf %unpack3A_314, %unpack3A_315 : vector<16xf32>
          %add3A_317 = arith.addf %add3A_306, %add3A_316 : vector<16xf32>
          %get3A_318 = arith.index_cast %add3A_296 : i32 to index
          %get3A_319 = arith.constant 64 : index
          %get3A_320 = tpu.vector_load %arg15[%get3A_318, %get3A_319] {strides = array<i32>} : memref<80x256xbf16, #tpu.memory_space<vmem>>, vector<32xbf16>,
          %get3A_321 = arith.index_cast %add3A_296 : i32 to index
          %get3A_322 = arith.constant 64 : index
          %get3A_323 = tpu.vector_load %arg19[%get3A_321, %get3A_322] {strides = array<i32>} : memref<80x256xbf16, #tpu.memory_space<vmem>>, vector<32xbf16>,
          %mul3A_324 = arith.mulf %get3A_320, %get3A_323 : vector<32xbf16>
          %unpack3A_325 = tpu.unpack_subelements %mul3A_324, 0 {pack_format = #tpu.pack_format<interleaved>} : vector<32xbf16> -> vector<16xf32>
          %unpack3A_326 = tpu.unpack_subelements %mul3A_324, 1 {pack_format = #tpu.pack_format<interleaved>} : vector<32xbf16> -> vector<16xf32>
          %add3A_327 = arith.addf %unpack3A_325, %unpack3A_326 : vector<16xf32>
          %get3A_328 = arith.index_cast %add3A_296 : i32 to index
          %get3A_329 = arith.constant 96 : index
          %get3A_330 = tpu.vector_load %arg15[%get3A_328, %get3A_329] {strides = array<i32>} : memref<80x256xbf16, #tpu.memory_space<vmem>>, vector<32xbf16>,
          %get3A_331 = arith.index_cast %add3A_296 : i32 to index
          %get3A_332 = arith.constant 96 : index
          %get3A_333 = tpu.vector_load %arg19[%get3A_331, %get3A_332] {strides = array<i32>} : memref<80x256xbf16, #tpu.memory_space<vmem>>, vector<32xbf16>,
          %mul3A_334 = arith.mulf %get3A_330, %get3A_333 : vector<32xbf16>
          %unpack3A_335 = tpu.unpack_subelements %mul3A_334, 0 {pack_format = #tpu.pack_format<interleaved>} : vector<32xbf16> -> vector<16xf32>
          %unpack3A_336 = tpu.unpack_subelements %mul3A_334, 1 {pack_format = #tpu.pack_format<interleaved>} : vector<32xbf16> -> vector<16xf32>
          %add3A_337 = arith.addf %unpack3A_335, %unpack3A_336 : vector<16xf32>
          %add3A_338 = arith.addf %add3A_327, %add3A_337 : vector<16xf32>
          %get3A_339 = arith.index_cast %add3A_296 : i32 to index
          %get3A_340 = arith.constant 128 : index
          %get3A_341 = tpu.vector_load %arg15[%get3A_339, %get3A_340] {strides = array<i32>} : memref<80x256xbf16, #tpu.memory_space<vmem>>, vector<32xbf16>,
          %get3A_342 = arith.index_cast %add3A_296 : i32 to index
          %get3A_343 = arith.constant 128 : index
          %get3A_344 = tpu.vector_load %arg19[%get3A_342, %get3A_343] {strides = array<i32>} : memref<80x256xbf16, #tpu.memory_space<vmem>>, vector<32xbf16>,
          %mul3A_345 = arith.mulf %get3A_341, %get3A_344 : vector<32xbf16>
          %unpack3A_346 = tpu.unpack_subelements %mul3A_345, 0 {pack_format = #tpu.pack_format<interleaved>} : vector<32xbf16> -> vector<16xf32>
          %unpack3A_347 = tpu.unpack_subelements %mul3A_345, 1 {pack_format = #tpu.pack_format<interleaved>} : vector<32xbf16> -> vector<16xf32>
          %add3A_348 = arith.addf %unpack3A_346, %unpack3A_347 : vector<16xf32>
          %get3A_349 = arith.index_cast %add3A_296 : i32 to index
          %get3A_350 = arith.constant 160 : index
          %get3A_351 = tpu.vector_load %arg15[%get3A_349, %get3A_350] {strides = array<i32>} : memref<80x256xbf16, #tpu.memory_space<vmem>>, vector<32xbf16>,
          %get3A_352 = arith.index_cast %add3A_296 : i32 to index
          %get3A_353 = arith.constant 160 : index
          %get3A_354 = tpu.vector_load %arg19[%get3A_352, %get3A_353] {strides = array<i32>} : memref<80x256xbf16, #tpu.memory_space<vmem>>, vector<32xbf16>,
          %mul3A_355 = arith.mulf %get3A_351, %get3A_354 : vector<32xbf16>
          %unpack3A_356 = tpu.unpack_subelements %mul3A_355, 0 {pack_format = #tpu.pack_format<interleaved>} : vector<32xbf16> -> vector<16xf32>
          %unpack3A_357 = tpu.unpack_subelements %mul3A_355, 1 {pack_format = #tpu.pack_format<interleaved>} : vector<32xbf16> -> vector<16xf32>
          %add3A_358 = arith.addf %unpack3A_356, %unpack3A_357 : vector<16xf32>
          %add3A_359 = arith.addf %add3A_348, %add3A_358 : vector<16xf32>
          %get3A_360 = arith.index_cast %add3A_296 : i32 to index
          %get3A_361 = arith.constant 192 : index
          %get3A_362 = tpu.vector_load %arg15[%get3A_360, %get3A_361] {strides = array<i32>} : memref<80x256xbf16, #tpu.memory_space<vmem>>, vector<32xbf16>,
          %get3A_363 = arith.index_cast %add3A_296 : i32 to index
          %get3A_364 = arith.constant 192 : index
          %get3A_365 = tpu.vector_load %arg19[%get3A_363, %get3A_364] {strides = array<i32>} : memref<80x256xbf16, #tpu.memory_space<vmem>>, vector<32xbf16>,
          %mul3A_366 = arith.mulf %get3A_362, %get3A_365 : vector<32xbf16>
          %unpack3A_367 = tpu.unpack_subelements %mul3A_366, 0 {pack_format = #tpu.pack_format<interleaved>} : vector<32xbf16> -> vector<16xf32>
          %unpack3A_368 = tpu.unpack_subelements %mul3A_366, 1 {pack_format = #tpu.pack_format<interleaved>} : vector<32xbf16> -> vector<16xf32>
          %add3A_369 = arith.addf %unpack3A_367, %unpack3A_368 : vector<16xf32>
          %get3A_370 = arith.index_cast %add3A_296 : i32 to index
          %get3A_371 = arith.constant 224 : index
          %get3A_372 = tpu.vector_load %arg15[%get3A_370, %get3A_371] {strides = array<i32>} : memref<80x256xbf16, #tpu.memory_space<vmem>>, vector<32xbf16>,
          %get3A_373 = arith.index_cast %add3A_296 : i32 to index
          %get3A_374 = arith.constant 224 : index
          %get3A_375 = tpu.vector_load %arg19[%get3A_373, %get3A_374] {strides = array<i32>} : memref<80x256xbf16, #tpu.memory_space<vmem>>, vector<32xbf16>,
          %mul3A_376 = arith.mulf %get3A_372, %get3A_375 : vector<32xbf16>
          %unpack3A_377 = tpu.unpack_subelements %mul3A_376, 0 {pack_format = #tpu.pack_format<interleaved>} : vector<32xbf16> -> vector<16xf32>
          %unpack3A_378 = tpu.unpack_subelements %mul3A_376, 1 {pack_format = #tpu.pack_format<interleaved>} : vector<32xbf16> -> vector<16xf32>
          %add3A_379 = arith.addf %unpack3A_377, %unpack3A_378 : vector<16xf32>
          %add3A_380 = arith.addf %add3A_369, %add3A_379 : vector<16xf32>
          %add3A_381 = arith.addf %add3A_317, %add3A_338 : vector<16xf32>
          %add3A_382 = arith.addf %add3A_359, %add3A_380 : vector<16xf32>
          %add3A_383 = arith.addf %add3A_381, %add3A_382 : vector<16xf32>
          %eq3A_384 = vector.broadcast %scan3A_295 : i32 to vector<16xi32>
          %eq3A_385 = arith.cmpi eq, %iota3A, %eq3A_384 : vector<16xi32>
          %reduce_sum3A_386 = arith.constant true
          %reduce_sum3A_387 = vector.broadcast %reduce_sum3A_386 : i1 to vector<16xi1>
          %reduce_sum3A_388 = tpu.scan <sum>, %add3A_383 masked %reduce_sum3A_387 : vector<16xf32>, vector<16xi1> -> vector<16xf32>
          %reduce_sum3A_389 = vector.extract %reduce_sum3A_388[15] : f32 from vector<16xf32>
          %broadcast_in_dim3A_390 = vector.broadcast %reduce_sum3A_389 : f32 to vector<16xf32>
          %select_n3A_391 = arith.select %eq3A_385, %broadcast_in_dim3A_390, %select_n3A : vector<16xi1>, vector<16xf32>
          %scan3A_392 = arith.constant 2 : i32
          %scan3A_393 = arith.addi %scan3A_201, %scan3A_392 : i32
          %add3A_394 = arith.addi %mul3A_192, %scan3A_393 : i32
          %get3A_395 = arith.index_cast %add3A_394 : i32 to index
          %get3A_396 = arith.constant 0 : index
          %get3A_397 = tpu.vector_load %arg15[%get3A_395, %get3A_396] {strides = array<i32>} : memref<80x256xbf16, #tpu.memory_space<vmem>>, vector<32xbf16>,
          %get3A_398 = arith.index_cast %add3A_394 : i32 to index
          %get3A_399 = arith.constant 0 : index
          %get3A_400 = tpu.vector_load %arg19[%get3A_398, %get3A_399] {strides = array<i32>} : memref<80x256xbf16, #tpu.memory_space<vmem>>, vector<32xbf16>,
          %mul3A_401 = arith.mulf %get3A_397, %get3A_400 : vector<32xbf16>
          %unpack3A_402 = tpu.unpack_subelements %mul3A_401, 0 {pack_format = #tpu.pack_format<interleaved>} : vector<32xbf16> -> vector<16xf32>
          %unpack3A_403 = tpu.unpack_subelements %mul3A_401, 1 {pack_format = #tpu.pack_format<interleaved>} : vector<32xbf16> -> vector<16xf32>
          %add3A_404 = arith.addf %unpack3A_402, %unpack3A_403 : vector<16xf32>
          %get3A_405 = arith.index_cast %add3A_394 : i32 to index
          %get3A_406 = arith.constant 32 : index
          %get3A_407 = tpu.vector_load %arg15[%get3A_405, %get3A_406] {strides = array<i32>} : memref<80x256xbf16, #tpu.memory_space<vmem>>, vector<32xbf16>,
          %get3A_408 = arith.index_cast %add3A_394 : i32 to index
          %get3A_409 = arith.constant 32 : index
          %get3A_410 = tpu.vector_load %arg19[%get3A_408, %get3A_409] {strides = array<i32>} : memref<80x256xbf16, #tpu.memory_space<vmem>>, vector<32xbf16>,
          %mul3A_411 = arith.mulf %get3A_407, %get3A_410 : vector<32xbf16>
          %unpack3A_412 = tpu.unpack_subelements %mul3A_411, 0 {pack_format = #tpu.pack_format<interleaved>} : vector<32xbf16> -> vector<16xf32>
          %unpack3A_413 = tpu.unpack_subelements %mul3A_411, 1 {pack_format = #tpu.pack_format<interleaved>} : vector<32xbf16> -> vector<16xf32>
          %add3A_414 = arith.addf %unpack3A_412, %unpack3A_413 : vector<16xf32>
          %add3A_415 = arith.addf %add3A_404, %add3A_414 : vector<16xf32>
          %get3A_416 = arith.index_cast %add3A_394 : i32 to index
          %get3A_417 = arith.constant 64 : index
          %get3A_418 = tpu.vector_load %arg15[%get3A_416, %get3A_417] {strides = array<i32>} : memref<80x256xbf16, #tpu.memory_space<vmem>>, vector<32xbf16>,
          %get3A_419 = arith.index_cast %add3A_394 : i32 to index
          %get3A_420 = arith.constant 64 : index
          %get3A_421 = tpu.vector_load %arg19[%get3A_419, %get3A_420] {strides = array<i32>} : memref<80x256xbf16, #tpu.memory_space<vmem>>, vector<32xbf16>,
          %mul3A_422 = arith.mulf %get3A_418, %get3A_421 : vector<32xbf16>
          %unpack3A_423 = tpu.unpack_subelements %mul3A_422, 0 {pack_format = #tpu.pack_format<interleaved>} : vector<32xbf16> -> vector<16xf32>
          %unpack3A_424 = tpu.unpack_subelements %mul3A_422, 1 {pack_format = #tpu.pack_format<interleaved>} : vector<32xbf16> -> vector<16xf32>
          %add3A_425 = arith.addf %unpack3A_423, %unpack3A_424 : vector<16xf32>
          %get3A_426 = arith.index_cast %add3A_394 : i32 to index
          %get3A_427 = arith.constant 96 : index
          %get3A_428 = tpu.vector_load %arg15[%get3A_426, %get3A_427] {strides = array<i32>} : memref<80x256xbf16, #tpu.memory_space<vmem>>, vector<32xbf16>,
          %get3A_429 = arith.index_cast %add3A_394 : i32 to index
          %get3A_430 = arith.constant 96 : index
          %get3A_431 = tpu.vector_load %arg19[%get3A_429, %get3A_430] {strides = array<i32>} : memref<80x256xbf16, #tpu.memory_space<vmem>>, vector<32xbf16>,
          %mul3A_432 = arith.mulf %get3A_428, %get3A_431 : vector<32xbf16>
          %unpack3A_433 = tpu.unpack_subelements %mul3A_432, 0 {pack_format = #tpu.pack_format<interleaved>} : vector<32xbf16> -> vector<16xf32>
          %unpack3A_434 = tpu.unpack_subelements %mul3A_432, 1 {pack_format = #tpu.pack_format<interleaved>} : vector<32xbf16> -> vector<16xf32>
          %add3A_435 = arith.addf %unpack3A_433, %unpack3A_434 : vector<16xf32>
          %add3A_436 = arith.addf %add3A_425, %add3A_435 : vector<16xf32>
          %get3A_437 = arith.index_cast %add3A_394 : i32 to index
          %get3A_438 = arith.constant 128 : index
          %get3A_439 = tpu.vector_load %arg15[%get3A_437, %get3A_438] {strides = array<i32>} : memref<80x256xbf16, #tpu.memory_space<vmem>>, vector<32xbf16>,
          %get3A_440 = arith.index_cast %add3A_394 : i32 to index
          %get3A_441 = arith.constant 128 : index
          %get3A_442 = tpu.vector_load %arg19[%get3A_440, %get3A_441] {strides = array<i32>} : memref<80x256xbf16, #tpu.memory_space<vmem>>, vector<32xbf16>,
          %mul3A_443 = arith.mulf %get3A_439, %get3A_442 : vector<32xbf16>
          %unpack3A_444 = tpu.unpack_subelements %mul3A_443, 0 {pack_format = #tpu.pack_format<interleaved>} : vector<32xbf16> -> vector<16xf32>
          %unpack3A_445 = tpu.unpack_subelements %mul3A_443, 1 {pack_format = #tpu.pack_format<interleaved>} : vector<32xbf16> -> vector<16xf32>
          %add3A_446 = arith.addf %unpack3A_444, %unpack3A_445 : vector<16xf32>
          %get3A_447 = arith.index_cast %add3A_394 : i32 to index
          %get3A_448 = arith.constant 160 : index
          %get3A_449 = tpu.vector_load %arg15[%get3A_447, %get3A_448] {strides = array<i32>} : memref<80x256xbf16, #tpu.memory_space<vmem>>, vector<32xbf16>,
          %get3A_450 = arith.index_cast %add3A_394 : i32 to index
          %get3A_451 = arith.constant 160 : index
          %get3A_452 = tpu.vector_load %arg19[%get3A_450, %get3A_451] {strides = array<i32>} : memref<80x256xbf16, #tpu.memory_space<vmem>>, vector<32xbf16>,
          %mul3A_453 = arith.mulf %get3A_449, %get3A_452 : vector<32xbf16>
          %unpack3A_454 = tpu.unpack_subelements %mul3A_453, 0 {pack_format = #tpu.pack_format<interleaved>} : vector<32xbf16> -> vector<16xf32>
          %unpack3A_455 = tpu.unpack_subelements %mul3A_453, 1 {pack_format = #tpu.pack_format<interleaved>} : vector<32xbf16> -> vector<16xf32>
          %add3A_456 = arith.addf %unpack3A_454, %unpack3A_455 : vector<16xf32>
          %add3A_457 = arith.addf %add3A_446, %add3A_456 : vector<16xf32>
          %get3A_458 = arith.index_cast %add3A_394 : i32 to index
          %get3A_459 = arith.constant 192 : index
          %get3A_460 = tpu.vector_load %arg15[%get3A_458, %get3A_459] {strides = array<i32>} : memref<80x256xbf16, #tpu.memory_space<vmem>>, vector<32xbf16>,
          %get3A_461 = arith.index_cast %add3A_394 : i32 to index
          %get3A_462 = arith.constant 192 : index
          %get3A_463 = tpu.vector_load %arg19[%get3A_461, %get3A_462] {strides = array<i32>} : memref<80x256xbf16, #tpu.memory_space<vmem>>, vector<32xbf16>,
          %mul3A_464 = arith.mulf %get3A_460, %get3A_463 : vector<32xbf16>
          %unpack3A_465 = tpu.unpack_subelements %mul3A_464, 0 {pack_format = #tpu.pack_format<interleaved>} : vector<32xbf16> -> vector<16xf32>
          %unpack3A_466 = tpu.unpack_subelements %mul3A_464, 1 {pack_format = #tpu.pack_format<interleaved>} : vector<32xbf16> -> vector<16xf32>
          %add3A_467 = arith.addf %unpack3A_465, %unpack3A_466 : vector<16xf32>
          %get3A_468 = arith.index_cast %add3A_394 : i32 to index
          %get3A_469 = arith.constant 224 : index
          %get3A_470 = tpu.vector_load %arg15[%get3A_468, %get3A_469] {strides = array<i32>} : memref<80x256xbf16, #tpu.memory_space<vmem>>, vector<32xbf16>,
          %get3A_471 = arith.index_cast %add3A_394 : i32 to index
          %get3A_472 = arith.constant 224 : index
          %get3A_473 = tpu.vector_load %arg19[%get3A_471, %get3A_472] {strides = array<i32>} : memref<80x256xbf16, #tpu.memory_space<vmem>>, vector<32xbf16>,
          %mul3A_474 = arith.mulf %get3A_470, %get3A_473 : vector<32xbf16>
          %unpack3A_475 = tpu.unpack_subelements %mul3A_474, 0 {pack_format = #tpu.pack_format<interleaved>} : vector<32xbf16> -> vector<16xf32>
          %unpack3A_476 = tpu.unpack_subelements %mul3A_474, 1 {pack_format = #tpu.pack_format<interleaved>} : vector<32xbf16> -> vector<16xf32>
          %add3A_477 = arith.addf %unpack3A_475, %unpack3A_476 : vector<16xf32>
          %add3A_478 = arith.addf %add3A_467, %add3A_477 : vector<16xf32>
          %add3A_479 = arith.addf %add3A_415, %add3A_436 : vector<16xf32>
          %add3A_480 = arith.addf %add3A_457, %add3A_478 : vector<16xf32>
          %add3A_481 = arith.addf %add3A_479, %add3A_480 : vector<16xf32>
          %eq3A_482 = vector.broadcast %scan3A_393 : i32 to vector<16xi32>
          %eq3A_483 = arith.cmpi eq, %iota3A, %eq3A_482 : vector<16xi32>
          %reduce_sum3A_484 = arith.constant true
          %reduce_sum3A_485 = vector.broadcast %reduce_sum3A_484 : i1 to vector<16xi1>
          %reduce_sum3A_486 = tpu.scan <sum>, %add3A_481 masked %reduce_sum3A_485 : vector<16xf32>, vector<16xi1> -> vector<16xf32>
          %reduce_sum3A_487 = vector.extract %reduce_sum3A_486[15] : f32 from vector<16xf32>
          %broadcast_in_dim3A_488 = vector.broadcast %reduce_sum3A_487 : f32 to vector<16xf32>
          %select_n3A_489 = arith.select %eq3A_483, %broadcast_in_dim3A_488, %select_n3A_391 : vector<16xi1>, vector<16xf32>
          %scan3A_490 = arith.constant 3 : i32
          %scan3A_491 = arith.addi %scan3A_201, %scan3A_490 : i32
          %add3A_492 = arith.addi %mul3A_192, %scan3A_491 : i32
          %get3A_493 = arith.index_cast %add3A_492 : i32 to index
          %get3A_494 = arith.constant 0 : index
          %get3A_495 = tpu.vector_load %arg15[%get3A_493, %get3A_494] {strides = array<i32>} : memref<80x256xbf16, #tpu.memory_space<vmem>>, vector<32xbf16>,
          %get3A_496 = arith.index_cast %add3A_492 : i32 to index
          %get3A_497 = arith.constant 0 : index
          %get3A_498 = tpu.vector_load %arg19[%get3A_496, %get3A_497] {strides = array<i32>} : memref<80x256xbf16, #tpu.memory_space<vmem>>, vector<32xbf16>,
          %mul3A_499 = arith.mulf %get3A_495, %get3A_498 : vector<32xbf16>
          %unpack3A_500 = tpu.unpack_subelements %mul3A_499, 0 {pack_format = #tpu.pack_format<interleaved>} : vector<32xbf16> -> vector<16xf32>
          %unpack3A_501 = tpu.unpack_subelements %mul3A_499, 1 {pack_format = #tpu.pack_format<interleaved>} : vector<32xbf16> -> vector<16xf32>
          %add3A_502 = arith.addf %unpack3A_500, %unpack3A_501 : vector<16xf32>
          %get3A_503 = arith.index_cast %add3A_492 : i32 to index
          %get3A_504 = arith.constant 32 : index
          %get3A_505 = tpu.vector_load %arg15[%get3A_503, %get3A_504] {strides = array<i32>} : memref<80x256xbf16, #tpu.memory_space<vmem>>, vector<32xbf16>,
          %get3A_506 = arith.index_cast %add3A_492 : i32 to index
          %get3A_507 = arith.constant 32 : index
          %get3A_508 = tpu.vector_load %arg19[%get3A_506, %get3A_507] {strides = array<i32>} : memref<80x256xbf16, #tpu.memory_space<vmem>>, vector<32xbf16>,
          %mul3A_509 = arith.mulf %get3A_505, %get3A_508 : vector<32xbf16>
          %unpack3A_510 = tpu.unpack_subelements %mul3A_509, 0 {pack_format = #tpu.pack_format<interleaved>} : vector<32xbf16> -> vector<16xf32>
          %unpack3A_511 = tpu.unpack_subelements %mul3A_509, 1 {pack_format = #tpu.pack_format<interleaved>} : vector<32xbf16> -> vector<16xf32>
          %add3A_512 = arith.addf %unpack3A_510, %unpack3A_511 : vector<16xf32>
          %add3A_513 = arith.addf %add3A_502, %add3A_512 : vector<16xf32>
          %get3A_514 = arith.index_cast %add3A_492 : i32 to index
          %get3A_515 = arith.constant 64 : index
          %get3A_516 = tpu.vector_load %arg15[%get3A_514, %get3A_515] {strides = array<i32>} : memref<80x256xbf16, #tpu.memory_space<vmem>>, vector<32xbf16>,
          %get3A_517 = arith.index_cast %add3A_492 : i32 to index
          %get3A_518 = arith.constant 64 : index
          %get3A_519 = tpu.vector_load %arg19[%get3A_517, %get3A_518] {strides = array<i32>} : memref<80x256xbf16, #tpu.memory_space<vmem>>, vector<32xbf16>,
          %mul3A_520 = arith.mulf %get3A_516, %get3A_519 : vector<32xbf16>
          %unpack3A_521 = tpu.unpack_subelements %mul3A_520, 0 {pack_format = #tpu.pack_format<interleaved>} : vector<32xbf16> -> vector<16xf32>
          %unpack3A_522 = tpu.unpack_subelements %mul3A_520, 1 {pack_format = #tpu.pack_format<interleaved>} : vector<32xbf16> -> vector<16xf32>
          %add3A_523 = arith.addf %unpack3A_521, %unpack3A_522 : vector<16xf32>
          %get3A_524 = arith.index_cast %add3A_492 : i32 to index
          %get3A_525 = arith.constant 96 : index
          %get3A_526 = tpu.vector_load %arg15[%get3A_524, %get3A_525] {strides = array<i32>} : memref<80x256xbf16, #tpu.memory_space<vmem>>, vector<32xbf16>,
          %get3A_527 = arith.index_cast %add3A_492 : i32 to index
          %get3A_528 = arith.constant 96 : index
          %get3A_529 = tpu.vector_load %arg19[%get3A_527, %get3A_528] {strides = array<i32>} : memref<80x256xbf16, #tpu.memory_space<vmem>>, vector<32xbf16>,
          %mul3A_530 = arith.mulf %get3A_526, %get3A_529 : vector<32xbf16>
          %unpack3A_531 = tpu.unpack_subelements %mul3A_530, 0 {pack_format = #tpu.pack_format<interleaved>} : vector<32xbf16> -> vector<16xf32>
          %unpack3A_532 = tpu.unpack_subelements %mul3A_530, 1 {pack_format = #tpu.pack_format<interleaved>} : vector<32xbf16> -> vector<16xf32>
          %add3A_533 = arith.addf %unpack3A_531, %unpack3A_532 : vector<16xf32>
          %add3A_534 = arith.addf %add3A_523, %add3A_533 : vector<16xf32>
          %get3A_535 = arith.index_cast %add3A_492 : i32 to index
          %get3A_536 = arith.constant 128 : index
          %get3A_537 = tpu.vector_load %arg15[%get3A_535, %get3A_536] {strides = array<i32>} : memref<80x256xbf16, #tpu.memory_space<vmem>>, vector<32xbf16>,
          %get3A_538 = arith.index_cast %add3A_492 : i32 to index
          %get3A_539 = arith.constant 128 : index
          %get3A_540 = tpu.vector_load %arg19[%get3A_538, %get3A_539] {strides = array<i32>} : memref<80x256xbf16, #tpu.memory_space<vmem>>, vector<32xbf16>,
          %mul3A_541 = arith.mulf %get3A_537, %get3A_540 : vector<32xbf16>
          %unpack3A_542 = tpu.unpack_subelements %mul3A_541, 0 {pack_format = #tpu.pack_format<interleaved>} : vector<32xbf16> -> vector<16xf32>
          %unpack3A_543 = tpu.unpack_subelements %mul3A_541, 1 {pack_format = #tpu.pack_format<interleaved>} : vector<32xbf16> -> vector<16xf32>
          %add3A_544 = arith.addf %unpack3A_542, %unpack3A_543 : vector<16xf32>
          %get3A_545 = arith.index_cast %add3A_492 : i32 to index
          %get3A_546 = arith.constant 160 : index
          %get3A_547 = tpu.vector_load %arg15[%get3A_545, %get3A_546] {strides = array<i32>} : memref<80x256xbf16, #tpu.memory_space<vmem>>, vector<32xbf16>,
          %get3A_548 = arith.index_cast %add3A_492 : i32 to index
          %get3A_549 = arith.constant 160 : index
          %get3A_550 = tpu.vector_load %arg19[%get3A_548, %get3A_549] {strides = array<i32>} : memref<80x256xbf16, #tpu.memory_space<vmem>>, vector<32xbf16>,
          %mul3A_551 = arith.mulf %get3A_547, %get3A_550 : vector<32xbf16>
          %unpack3A_552 = tpu.unpack_subelements %mul3A_551, 0 {pack_format = #tpu.pack_format<interleaved>} : vector<32xbf16> -> vector<16xf32>
          %unpack3A_553 = tpu.unpack_subelements %mul3A_551, 1 {pack_format = #tpu.pack_format<interleaved>} : vector<32xbf16> -> vector<16xf32>
          %add3A_554 = arith.addf %unpack3A_552, %unpack3A_553 : vector<16xf32>
          %add3A_555 = arith.addf %add3A_544, %add3A_554 : vector<16xf32>
          %get3A_556 = arith.index_cast %add3A_492 : i32 to index
          %get3A_557 = arith.constant 192 : index
          %get3A_558 = tpu.vector_load %arg15[%get3A_556, %get3A_557] {strides = array<i32>} : memref<80x256xbf16, #tpu.memory_space<vmem>>, vector<32xbf16>,
          %get3A_559 = arith.index_cast %add3A_492 : i32 to index
          %get3A_560 = arith.constant 192 : index
          %get3A_561 = tpu.vector_load %arg19[%get3A_559, %get3A_560] {strides = array<i32>} : memref<80x256xbf16, #tpu.memory_space<vmem>>, vector<32xbf16>,
          %mul3A_562 = arith.mulf %get3A_558, %get3A_561 : vector<32xbf16>
          %unpack3A_563 = tpu.unpack_subelements %mul3A_562, 0 {pack_format = #tpu.pack_format<interleaved>} : vector<32xbf16> -> vector<16xf32>
          %unpack3A_564 = tpu.unpack_subelements %mul3A_562, 1 {pack_format = #tpu.pack_format<interleaved>} : vector<32xbf16> -> vector<16xf32>
          %add3A_565 = arith.addf %unpack3A_563, %unpack3A_564 : vector<16xf32>
          %get3A_566 = arith.index_cast %add3A_492 : i32 to index
          %get3A_567 = arith.constant 224 : index
          %get3A_568 = tpu.vector_load %arg15[%get3A_566, %get3A_567] {strides = array<i32>} : memref<80x256xbf16, #tpu.memory_space<vmem>>, vector<32xbf16>,
          %get3A_569 = arith.index_cast %add3A_492 : i32 to index
          %get3A_570 = arith.constant 224 : index
          %get3A_571 = tpu.vector_load %arg19[%get3A_569, %get3A_570] {strides = array<i32>} : memref<80x256xbf16, #tpu.memory_space<vmem>>, vector<32xbf16>,
          %mul3A_572 = arith.mulf %get3A_568, %get3A_571 : vector<32xbf16>
          %unpack3A_573 = tpu.unpack_subelements %mul3A_572, 0 {pack_format = #tpu.pack_format<interleaved>} : vector<32xbf16> -> vector<16xf32>
          %unpack3A_574 = tpu.unpack_subelements %mul3A_572, 1 {pack_format = #tpu.pack_format<interleaved>} : vector<32xbf16> -> vector<16xf32>
          %add3A_575 = arith.addf %unpack3A_573, %unpack3A_574 : vector<16xf32>
          %add3A_576 = arith.addf %add3A_565, %add3A_575 : vector<16xf32>
          %add3A_577 = arith.addf %add3A_513, %add3A_534 : vector<16xf32>
          %add3A_578 = arith.addf %add3A_555, %add3A_576 : vector<16xf32>
          %add3A_579 = arith.addf %add3A_577, %add3A_578 : vector<16xf32>
          %eq3A_580 = vector.broadcast %scan3A_491 : i32 to vector<16xi32>
          %eq3A_581 = arith.cmpi eq, %iota3A, %eq3A_580 : vector<16xi32>
          %reduce_sum3A_582 = arith.constant true
          %reduce_sum3A_583 = vector.broadcast %reduce_sum3A_582 : i1 to vector<16xi1>
          %reduce_sum3A_584 = tpu.scan <sum>, %add3A_579 masked %reduce_sum3A_583 : vector<16xf32>, vector<16xi1> -> vector<16xf32>
          %reduce_sum3A_585 = vector.extract %reduce_sum3A_584[15] : f32 from vector<16xf32>
          %broadcast_in_dim3A_586 = vector.broadcast %reduce_sum3A_585 : f32 to vector<16xf32>
          %select_n3A_587 = arith.select %eq3A_581, %broadcast_in_dim3A_586, %select_n3A_489 : vector<16xi1>, vector<16xf32>
          scf.yield %select_n3A_587 : vector<16xf32>
        }
        %scan3A_199 = arith.constant 16 : i32
        %swap3A = arith.index_cast %mul3A_192 : i32 to index
        %swap3A_200 = tpu.vector_load %arg22[%swap3A] {strides = array<i32>} : memref<80xf32, #tpu.memory_space<vmem>>, vector<16xf32>,
        tpu.vector_store %arg22[%swap3A], %scan3A_198 {strides = array<i32>} : memref<80xf32, #tpu.memory_space<vmem>>, vector<16xf32>,
      }
      %scan3A_127 = arith.constant 5 : i32
      "tpu.region"() ({
        %run_scoped3A = tpu.sem_alloc : memref<!tpu.dma_semaphore, #tpu.memory_space<semaphore_mem>>
        %dma_start3A_190 = tpu.memref_slice %arg5[%add3A_121] : memref<1280000xf32, #tpu.memory_space<hbm>> -> memref<80xf32, #tpu.memory_space<hbm>>
        %dma_start3A_191 = tpu.memref_slice %arg5[%add3A_121] : memref<1280000xf32, #tpu.memory_space<hbm>> -> memref<80xf32, #tpu.memory_space<hbm>>
        tpu.enqueue_dma source(%arg22 : memref<80xf32, #tpu.memory_space<vmem>>) target(%dma_start3A_191 : memref<80xf32, #tpu.memory_space<hbm>>) target_semaphore(%run_scoped3A : memref<!tpu.dma_semaphore, #tpu.memory_space<semaphore_mem>>)
        %dma_wait3A_192 = tpu.memref_slice %arg5[%add3A_121] : memref<1280000xf32, #tpu.memory_space<hbm>> -> memref<80xf32, #tpu.memory_space<hbm>>
        %dma_wait3A_193 = tpu.memref_slice %arg5[%add3A_121] : memref<1280000xf32, #tpu.memory_space<hbm>> -> memref<80xf32, #tpu.memory_space<hbm>>
        tpu.wait_dma2 semaphore(%run_scoped3A : memref<!tpu.dma_semaphore, #tpu.memory_space<semaphore_mem>>) src(%arg22 : memref<80xf32, #tpu.memory_space<vmem>>) dst(%dma_wait3A_193 : memref<80xf32, #tpu.memory_space<hbm>>)
        tpu.yield
      }) : () -> ()
      %add3A_128 = arith.constant 2 : i32
      %add3A_129 = arith.addi %mul3A_68, %add3A_128 : i32
      %dma_wait3A_130 = arith.constant 0 : i32
      %dma_wait3A_131 = arith.constant 0 : i32
      %dma_wait3A_132 = tpu.memref_slice %arg2[%dma_wait3A_130, %dma_wait3A_131] : memref<40000x256xbf16, #tpu.memory_space<hbm>> -> memref<40000x256xbf16, #tpu.memory_space<hbm>>
      tpu.wait_indirect_dma semaphore(%arg33 : memref<!tpu.dma_semaphore, #tpu.memory_space<semaphore_mem>>) src(%dma_wait3A_132 : memref<40000x256xbf16, #tpu.memory_space<hbm>>) dst(%arg16 : memref<80x256xbf16, #tpu.memory_space<vmem>>)
      %dma_wait3A_133 = arith.constant 0 : i32
      %dma_wait3A_134 = arith.constant 0 : i32
      %dma_wait3A_135 = tpu.memref_slice %arg2[%dma_wait3A_133, %dma_wait3A_134] : memref<40000x256xbf16, #tpu.memory_space<hbm>> -> memref<40000x256xbf16, #tpu.memory_space<hbm>>
      tpu.wait_indirect_dma semaphore(%arg37 : memref<!tpu.dma_semaphore, #tpu.memory_space<semaphore_mem>>) src(%dma_wait3A_135 : memref<40000x256xbf16, #tpu.memory_space<hbm>>) dst(%arg20 : memref<80x256xbf16, #tpu.memory_space<vmem>>)
      %add3A_136 = arith.constant 4 : i32
      %add3A_137 = arith.addi %add3A_129, %add3A_136 : i32
      %lt3A_138 = arith.constant 500 : i32
      %lt3A_139 = arith.cmpi slt, %add3A_137, %lt3A_138 : i32
      %convert_element_type3A_140 = arith.extui %lt3A_139 : i1 to i32
      %cond3A_141 = arith.constant 0 : i32
      %cond3A_142 = arith.cmpi ne, %convert_element_type3A_140, %cond3A_141 : i32
      scf.if %cond3A_142 {
        %add3A_190 = arith.constant 4 : i32
        %add3A_191 = arith.addi %add3A_129, %add3A_190 : i32
        %mul3A_192 = arith.constant 80 : i32
        %mul3A_193 = arith.muli %add3A_191, %mul3A_192 : i32
        %add3A_194 = arith.addi %mul3A_2, %mul3A_193 : i32
        %dma_start3A_195 = tpu.memref_slice %arg3[%add3A_194] : memref<1280000xi32, #tpu.memory_space<hbm>> -> memref<80xi32, #tpu.memory_space<hbm>>
        %dma_start3A_196 = tpu.memref_slice %arg3[%add3A_194] : memref<1280000xi32, #tpu.memory_space<hbm>> -> memref<80xi32, #tpu.memory_space<hbm>>
        tpu.enqueue_dma source(%dma_start3A_196 : memref<80xi32, #tpu.memory_space<hbm>>) target(%arg8 : memref<80xi32, #tpu.memory_space<vmem>>) target_semaphore(%arg25 : memref<!tpu.dma_semaphore, #tpu.memory_space<semaphore_mem>>)
        %dma_start3A_197 = tpu.memref_slice %arg4[%add3A_194] : memref<1280000xi32, #tpu.memory_space<hbm>> -> memref<80xi32, #tpu.memory_space<hbm>>
        %dma_start3A_198 = tpu.memref_slice %arg4[%add3A_194] : memref<1280000xi32, #tpu.memory_space<hbm>> -> memref<80xi32, #tpu.memory_space<hbm>>
        tpu.enqueue_dma source(%dma_start3A_198 : memref<80xi32, #tpu.memory_space<hbm>>) target(%arg12 : memref<80xi32, #tpu.memory_space<vmem>>) target_semaphore(%arg29 : memref<!tpu.dma_semaphore, #tpu.memory_space<semaphore_mem>>)
      } else {
      }
      %add3A_143 = arith.constant 3 : i32
      %add3A_144 = arith.addi %add3A_129, %add3A_143 : i32
      %lt3A_145 = arith.constant 500 : i32
      %lt3A_146 = arith.cmpi slt, %add3A_144, %lt3A_145 : i32
      %convert_element_type3A_147 = arith.extui %lt3A_146 : i1 to i32
      %cond3A_148 = arith.constant 0 : i32
      %cond3A_149 = arith.cmpi ne, %convert_element_type3A_147, %cond3A_148 : i32
      scf.if %cond3A_149 {
        %add3A_190 = arith.constant 3 : i32
        %add3A_191 = arith.addi %add3A_129, %add3A_190 : i32
        %mul3A_192 = arith.constant 80 : i32
        %mul3A_193 = arith.muli %add3A_191, %mul3A_192 : i32
        %add3A_194 = arith.addi %mul3A_2, %mul3A_193 : i32
        %dma_wait3A_195 = tpu.memref_slice %arg3[%add3A_194] : memref<1280000xi32, #tpu.memory_space<hbm>> -> memref<80xi32, #tpu.memory_space<hbm>>
        %dma_wait3A_196 = tpu.memref_slice %arg3[%add3A_194] : memref<1280000xi32, #tpu.memory_space<hbm>> -> memref<80xi32, #tpu.memory_space<hbm>>
        tpu.wait_dma2 semaphore(%arg24 : memref<!tpu.dma_semaphore, #tpu.memory_space<semaphore_mem>>) src(%dma_wait3A_196 : memref<80xi32, #tpu.memory_space<hbm>>) dst(%arg7 : memref<80xi32, #tpu.memory_space<vmem>>)
        %dma_wait3A_197 = tpu.memref_slice %arg4[%add3A_194] : memref<1280000xi32, #tpu.memory_space<hbm>> -> memref<80xi32, #tpu.memory_space<hbm>>
        %dma_wait3A_198 = tpu.memref_slice %arg4[%add3A_194] : memref<1280000xi32, #tpu.memory_space<hbm>> -> memref<80xi32, #tpu.memory_space<hbm>>
        tpu.wait_dma2 semaphore(%arg28 : memref<!tpu.dma_semaphore, #tpu.memory_space<semaphore_mem>>) src(%dma_wait3A_198 : memref<80xi32, #tpu.memory_space<hbm>>) dst(%arg11 : memref<80xi32, #tpu.memory_space<vmem>>)
        %add3A_199 = arith.constant 3 : i32
        %add3A_200 = arith.addi %add3A_129, %add3A_199 : i32
        %dma_start3A_201 = arith.constant 0 : i32
        %dma_start3A_202 = arith.constant 0 : i32
        %dma_start3A_203 = tpu.memref_slice %arg2[%dma_start3A_201, %dma_start3A_202] : memref<40000x256xbf16, #tpu.memory_space<hbm>> -> memref<40000x256xbf16, #tpu.memory_space<hbm>>
        tpu.enqueue_indirect_dma source(%dma_start3A_203 : memref<40000x256xbf16, #tpu.memory_space<hbm>>) target(%arg15 : memref<80x256xbf16, #tpu.memory_space<vmem>>) offsets(%arg7 : memref<80xi32, #tpu.memory_space<vmem>>) semaphore(%arg32 : memref<!tpu.dma_semaphore, #tpu.memory_space<semaphore_mem>>)
        %dma_start3A_204 = arith.constant 0 : i32
        %dma_start3A_205 = arith.constant 0 : i32
        %dma_start3A_206 = tpu.memref_slice %arg2[%dma_start3A_204, %dma_start3A_205] : memref<40000x256xbf16, #tpu.memory_space<hbm>> -> memref<40000x256xbf16, #tpu.memory_space<hbm>>
        tpu.enqueue_indirect_dma source(%dma_start3A_206 : memref<40000x256xbf16, #tpu.memory_space<hbm>>) target(%arg19 : memref<80x256xbf16, #tpu.memory_space<vmem>>) offsets(%arg11 : memref<80xi32, #tpu.memory_space<vmem>>) semaphore(%arg36 : memref<!tpu.dma_semaphore, #tpu.memory_space<semaphore_mem>>)
      } else {
      }
      %mul3A_150 = arith.constant 80 : i32
      %mul3A_151 = arith.muli %add3A_129, %mul3A_150 : i32
      %add3A_152 = arith.addi %mul3A_2, %mul3A_151 : i32
      %scan3A_153 = arith.constant 0 : i32
      %scan3A_154 = arith.constant 0 : i32
      %scan3A_155 = arith.constant 5 : i32
      %scan3A_156 = arith.addi %scan3A_154, %scan3A_155 : i32
      %scan3A_157 = arith.constant 1 : i32
      scf.for %scan3A_190 = %scan3A_154 to %scan3A_156 step %scan3A_157  : i32 {
        %mul3A_191 = arith.constant 16 : i32
        %mul3A_192 = arith.muli %scan3A_190, %mul3A_191 : i32
        %broadcast_in_dim3A = arith.constant 0.000000e+00 : f32
        %broadcast_in_dim3A_193 = vector.broadcast %broadcast_in_dim3A : f32 to vector<16xf32>
        %scan3A_194 = arith.constant 0 : i32
        %scan3A_195 = arith.constant 16 : i32
        %scan3A_196 = arith.addi %scan3A_194, %scan3A_195 : i32
        %scan3A_197 = arith.constant 4 : i32
        %scan3A_198 = scf.for %scan3A_201 = %scan3A_194 to %scan3A_196 step %scan3A_197 iter_args(%scan3A_202 = %broadcast_in_dim3A_193) -> (vector<16xf32>)  : i32 {
          %add3A_203 = arith.addi %mul3A_192, %scan3A_201 : i32
          %get3A = arith.index_cast %add3A_203 : i32 to index
          %get3A_204 = arith.constant 0 : index
          %get3A_205 = tpu.vector_load %arg16[%get3A, %get3A_204] {strides = array<i32>} : memref<80x256xbf16, #tpu.memory_space<vmem>>, vector<32xbf16>,
          %get3A_206 = arith.index_cast %add3A_203 : i32 to index
          %get3A_207 = arith.constant 0 : index
          %get3A_208 = tpu.vector_load %arg20[%get3A_206, %get3A_207] {strides = array<i32>} : memref<80x256xbf16, #tpu.memory_space<vmem>>, vector<32xbf16>,
          %mul3A_209 = arith.mulf %get3A_205, %get3A_208 : vector<32xbf16>
          %unpack3A = tpu.unpack_subelements %mul3A_209, 0 {pack_format = #tpu.pack_format<interleaved>} : vector<32xbf16> -> vector<16xf32>
          %unpack3A_210 = tpu.unpack_subelements %mul3A_209, 1 {pack_format = #tpu.pack_format<interleaved>} : vector<32xbf16> -> vector<16xf32>
          %add3A_211 = arith.addf %unpack3A, %unpack3A_210 : vector<16xf32>
          %get3A_212 = arith.index_cast %add3A_203 : i32 to index
          %get3A_213 = arith.constant 32 : index
          %get3A_214 = tpu.vector_load %arg16[%get3A_212, %get3A_213] {strides = array<i32>} : memref<80x256xbf16, #tpu.memory_space<vmem>>, vector<32xbf16>,
          %get3A_215 = arith.index_cast %add3A_203 : i32 to index
          %get3A_216 = arith.constant 32 : index
          %get3A_217 = tpu.vector_load %arg20[%get3A_215, %get3A_216] {strides = array<i32>} : memref<80x256xbf16, #tpu.memory_space<vmem>>, vector<32xbf16>,
          %mul3A_218 = arith.mulf %get3A_214, %get3A_217 : vector<32xbf16>
          %unpack3A_219 = tpu.unpack_subelements %mul3A_218, 0 {pack_format = #tpu.pack_format<interleaved>} : vector<32xbf16> -> vector<16xf32>
          %unpack3A_220 = tpu.unpack_subelements %mul3A_218, 1 {pack_format = #tpu.pack_format<interleaved>} : vector<32xbf16> -> vector<16xf32>
          %add3A_221 = arith.addf %unpack3A_219, %unpack3A_220 : vector<16xf32>
          %add3A_222 = arith.addf %add3A_211, %add3A_221 : vector<16xf32>
          %get3A_223 = arith.index_cast %add3A_203 : i32 to index
          %get3A_224 = arith.constant 64 : index
          %get3A_225 = tpu.vector_load %arg16[%get3A_223, %get3A_224] {strides = array<i32>} : memref<80x256xbf16, #tpu.memory_space<vmem>>, vector<32xbf16>,
          %get3A_226 = arith.index_cast %add3A_203 : i32 to index
          %get3A_227 = arith.constant 64 : index
          %get3A_228 = tpu.vector_load %arg20[%get3A_226, %get3A_227] {strides = array<i32>} : memref<80x256xbf16, #tpu.memory_space<vmem>>, vector<32xbf16>,
          %mul3A_229 = arith.mulf %get3A_225, %get3A_228 : vector<32xbf16>
          %unpack3A_230 = tpu.unpack_subelements %mul3A_229, 0 {pack_format = #tpu.pack_format<interleaved>} : vector<32xbf16> -> vector<16xf32>
          %unpack3A_231 = tpu.unpack_subelements %mul3A_229, 1 {pack_format = #tpu.pack_format<interleaved>} : vector<32xbf16> -> vector<16xf32>
          %add3A_232 = arith.addf %unpack3A_230, %unpack3A_231 : vector<16xf32>
          %get3A_233 = arith.index_cast %add3A_203 : i32 to index
          %get3A_234 = arith.constant 96 : index
          %get3A_235 = tpu.vector_load %arg16[%get3A_233, %get3A_234] {strides = array<i32>} : memref<80x256xbf16, #tpu.memory_space<vmem>>, vector<32xbf16>,
          %get3A_236 = arith.index_cast %add3A_203 : i32 to index
          %get3A_237 = arith.constant 96 : index
          %get3A_238 = tpu.vector_load %arg20[%get3A_236, %get3A_237] {strides = array<i32>} : memref<80x256xbf16, #tpu.memory_space<vmem>>, vector<32xbf16>,
          %mul3A_239 = arith.mulf %get3A_235, %get3A_238 : vector<32xbf16>
          %unpack3A_240 = tpu.unpack_subelements %mul3A_239, 0 {pack_format = #tpu.pack_format<interleaved>} : vector<32xbf16> -> vector<16xf32>
          %unpack3A_241 = tpu.unpack_subelements %mul3A_239, 1 {pack_format = #tpu.pack_format<interleaved>} : vector<32xbf16> -> vector<16xf32>
          %add3A_242 = arith.addf %unpack3A_240, %unpack3A_241 : vector<16xf32>
          %add3A_243 = arith.addf %add3A_232, %add3A_242 : vector<16xf32>
          %get3A_244 = arith.index_cast %add3A_203 : i32 to index
          %get3A_245 = arith.constant 128 : index
          %get3A_246 = tpu.vector_load %arg16[%get3A_244, %get3A_245] {strides = array<i32>} : memref<80x256xbf16, #tpu.memory_space<vmem>>, vector<32xbf16>,
          %get3A_247 = arith.index_cast %add3A_203 : i32 to index
          %get3A_248 = arith.constant 128 : index
          %get3A_249 = tpu.vector_load %arg20[%get3A_247, %get3A_248] {strides = array<i32>} : memref<80x256xbf16, #tpu.memory_space<vmem>>, vector<32xbf16>,
          %mul3A_250 = arith.mulf %get3A_246, %get3A_249 : vector<32xbf16>
          %unpack3A_251 = tpu.unpack_subelements %mul3A_250, 0 {pack_format = #tpu.pack_format<interleaved>} : vector<32xbf16> -> vector<16xf32>
          %unpack3A_252 = tpu.unpack_subelements %mul3A_250, 1 {pack_format = #tpu.pack_format<interleaved>} : vector<32xbf16> -> vector<16xf32>
          %add3A_253 = arith.addf %unpack3A_251, %unpack3A_252 : vector<16xf32>
          %get3A_254 = arith.index_cast %add3A_203 : i32 to index
          %get3A_255 = arith.constant 160 : index
          %get3A_256 = tpu.vector_load %arg16[%get3A_254, %get3A_255] {strides = array<i32>} : memref<80x256xbf16, #tpu.memory_space<vmem>>, vector<32xbf16>,
          %get3A_257 = arith.index_cast %add3A_203 : i32 to index
          %get3A_258 = arith.constant 160 : index
          %get3A_259 = tpu.vector_load %arg20[%get3A_257, %get3A_258] {strides = array<i32>} : memref<80x256xbf16, #tpu.memory_space<vmem>>, vector<32xbf16>,
          %mul3A_260 = arith.mulf %get3A_256, %get3A_259 : vector<32xbf16>
          %unpack3A_261 = tpu.unpack_subelements %mul3A_260, 0 {pack_format = #tpu.pack_format<interleaved>} : vector<32xbf16> -> vector<16xf32>
          %unpack3A_262 = tpu.unpack_subelements %mul3A_260, 1 {pack_format = #tpu.pack_format<interleaved>} : vector<32xbf16> -> vector<16xf32>
          %add3A_263 = arith.addf %unpack3A_261, %unpack3A_262 : vector<16xf32>
          %add3A_264 = arith.addf %add3A_253, %add3A_263 : vector<16xf32>
          %get3A_265 = arith.index_cast %add3A_203 : i32 to index
          %get3A_266 = arith.constant 192 : index
          %get3A_267 = tpu.vector_load %arg16[%get3A_265, %get3A_266] {strides = array<i32>} : memref<80x256xbf16, #tpu.memory_space<vmem>>, vector<32xbf16>,
          %get3A_268 = arith.index_cast %add3A_203 : i32 to index
          %get3A_269 = arith.constant 192 : index
          %get3A_270 = tpu.vector_load %arg20[%get3A_268, %get3A_269] {strides = array<i32>} : memref<80x256xbf16, #tpu.memory_space<vmem>>, vector<32xbf16>,
          %mul3A_271 = arith.mulf %get3A_267, %get3A_270 : vector<32xbf16>
          %unpack3A_272 = tpu.unpack_subelements %mul3A_271, 0 {pack_format = #tpu.pack_format<interleaved>} : vector<32xbf16> -> vector<16xf32>
          %unpack3A_273 = tpu.unpack_subelements %mul3A_271, 1 {pack_format = #tpu.pack_format<interleaved>} : vector<32xbf16> -> vector<16xf32>
          %add3A_274 = arith.addf %unpack3A_272, %unpack3A_273 : vector<16xf32>
          %get3A_275 = arith.index_cast %add3A_203 : i32 to index
          %get3A_276 = arith.constant 224 : index
          %get3A_277 = tpu.vector_load %arg16[%get3A_275, %get3A_276] {strides = array<i32>} : memref<80x256xbf16, #tpu.memory_space<vmem>>, vector<32xbf16>,
          %get3A_278 = arith.index_cast %add3A_203 : i32 to index
          %get3A_279 = arith.constant 224 : index
          %get3A_280 = tpu.vector_load %arg20[%get3A_278, %get3A_279] {strides = array<i32>} : memref<80x256xbf16, #tpu.memory_space<vmem>>, vector<32xbf16>,
          %mul3A_281 = arith.mulf %get3A_277, %get3A_280 : vector<32xbf16>
          %unpack3A_282 = tpu.unpack_subelements %mul3A_281, 0 {pack_format = #tpu.pack_format<interleaved>} : vector<32xbf16> -> vector<16xf32>
          %unpack3A_283 = tpu.unpack_subelements %mul3A_281, 1 {pack_format = #tpu.pack_format<interleaved>} : vector<32xbf16> -> vector<16xf32>
          %add3A_284 = arith.addf %unpack3A_282, %unpack3A_283 : vector<16xf32>
          %add3A_285 = arith.addf %add3A_274, %add3A_284 : vector<16xf32>
          %add3A_286 = arith.addf %add3A_222, %add3A_243 : vector<16xf32>
          %add3A_287 = arith.addf %add3A_264, %add3A_285 : vector<16xf32>
          %add3A_288 = arith.addf %add3A_286, %add3A_287 : vector<16xf32>
          %eq3A = vector.broadcast %scan3A_201 : i32 to vector<16xi32>
          %eq3A_289 = arith.cmpi eq, %iota3A, %eq3A : vector<16xi32>
          %reduce_sum3A = arith.constant true
          %reduce_sum3A_290 = vector.broadcast %reduce_sum3A : i1 to vector<16xi1>
          %reduce_sum3A_291 = tpu.scan <sum>, %add3A_288 masked %reduce_sum3A_290 : vector<16xf32>, vector<16xi1> -> vector<16xf32>
          %reduce_sum3A_292 = vector.extract %reduce_sum3A_291[15] : f32 from vector<16xf32>
          %broadcast_in_dim3A_293 = vector.broadcast %reduce_sum3A_292 : f32 to vector<16xf32>
          %select_n3A = arith.select %eq3A_289, %broadcast_in_dim3A_293, %scan3A_202 : vector<16xi1>, vector<16xf32>
          %scan3A_294 = arith.constant 1 : i32
          %scan3A_295 = arith.addi %scan3A_201, %scan3A_294 : i32
          %add3A_296 = arith.addi %mul3A_192, %scan3A_295 : i32
          %get3A_297 = arith.index_cast %add3A_296 : i32 to index
          %get3A_298 = arith.constant 0 : index
          %get3A_299 = tpu.vector_load %arg16[%get3A_297, %get3A_298] {strides = array<i32>} : memref<80x256xbf16, #tpu.memory_space<vmem>>, vector<32xbf16>,
          %get3A_300 = arith.index_cast %add3A_296 : i32 to index
          %get3A_301 = arith.constant 0 : index
          %get3A_302 = tpu.vector_load %arg20[%get3A_300, %get3A_301] {strides = array<i32>} : memref<80x256xbf16, #tpu.memory_space<vmem>>, vector<32xbf16>,
          %mul3A_303 = arith.mulf %get3A_299, %get3A_302 : vector<32xbf16>
          %unpack3A_304 = tpu.unpack_subelements %mul3A_303, 0 {pack_format = #tpu.pack_format<interleaved>} : vector<32xbf16> -> vector<16xf32>
          %unpack3A_305 = tpu.unpack_subelements %mul3A_303, 1 {pack_format = #tpu.pack_format<interleaved>} : vector<32xbf16> -> vector<16xf32>
          %add3A_306 = arith.addf %unpack3A_304, %unpack3A_305 : vector<16xf32>
          %get3A_307 = arith.index_cast %add3A_296 : i32 to index
          %get3A_308 = arith.constant 32 : index
          %get3A_309 = tpu.vector_load %arg16[%get3A_307, %get3A_308] {strides = array<i32>} : memref<80x256xbf16, #tpu.memory_space<vmem>>, vector<32xbf16>,
          %get3A_310 = arith.index_cast %add3A_296 : i32 to index
          %get3A_311 = arith.constant 32 : index
          %get3A_312 = tpu.vector_load %arg20[%get3A_310, %get3A_311] {strides = array<i32>} : memref<80x256xbf16, #tpu.memory_space<vmem>>, vector<32xbf16>,
          %mul3A_313 = arith.mulf %get3A_309, %get3A_312 : vector<32xbf16>
          %unpack3A_314 = tpu.unpack_subelements %mul3A_313, 0 {pack_format = #tpu.pack_format<interleaved>} : vector<32xbf16> -> vector<16xf32>
          %unpack3A_315 = tpu.unpack_subelements %mul3A_313, 1 {pack_format = #tpu.pack_format<interleaved>} : vector<32xbf16> -> vector<16xf32>
          %add3A_316 = arith.addf %unpack3A_314, %unpack3A_315 : vector<16xf32>
          %add3A_317 = arith.addf %add3A_306, %add3A_316 : vector<16xf32>
          %get3A_318 = arith.index_cast %add3A_296 : i32 to index
          %get3A_319 = arith.constant 64 : index
          %get3A_320 = tpu.vector_load %arg16[%get3A_318, %get3A_319] {strides = array<i32>} : memref<80x256xbf16, #tpu.memory_space<vmem>>, vector<32xbf16>,
          %get3A_321 = arith.index_cast %add3A_296 : i32 to index
          %get3A_322 = arith.constant 64 : index
          %get3A_323 = tpu.vector_load %arg20[%get3A_321, %get3A_322] {strides = array<i32>} : memref<80x256xbf16, #tpu.memory_space<vmem>>, vector<32xbf16>,
          %mul3A_324 = arith.mulf %get3A_320, %get3A_323 : vector<32xbf16>
          %unpack3A_325 = tpu.unpack_subelements %mul3A_324, 0 {pack_format = #tpu.pack_format<interleaved>} : vector<32xbf16> -> vector<16xf32>
          %unpack3A_326 = tpu.unpack_subelements %mul3A_324, 1 {pack_format = #tpu.pack_format<interleaved>} : vector<32xbf16> -> vector<16xf32>
          %add3A_327 = arith.addf %unpack3A_325, %unpack3A_326 : vector<16xf32>
          %get3A_328 = arith.index_cast %add3A_296 : i32 to index
          %get3A_329 = arith.constant 96 : index
          %get3A_330 = tpu.vector_load %arg16[%get3A_328, %get3A_329] {strides = array<i32>} : memref<80x256xbf16, #tpu.memory_space<vmem>>, vector<32xbf16>,
          %get3A_331 = arith.index_cast %add3A_296 : i32 to index
          %get3A_332 = arith.constant 96 : index
          %get3A_333 = tpu.vector_load %arg20[%get3A_331, %get3A_332] {strides = array<i32>} : memref<80x256xbf16, #tpu.memory_space<vmem>>, vector<32xbf16>,
          %mul3A_334 = arith.mulf %get3A_330, %get3A_333 : vector<32xbf16>
          %unpack3A_335 = tpu.unpack_subelements %mul3A_334, 0 {pack_format = #tpu.pack_format<interleaved>} : vector<32xbf16> -> vector<16xf32>
          %unpack3A_336 = tpu.unpack_subelements %mul3A_334, 1 {pack_format = #tpu.pack_format<interleaved>} : vector<32xbf16> -> vector<16xf32>
          %add3A_337 = arith.addf %unpack3A_335, %unpack3A_336 : vector<16xf32>
          %add3A_338 = arith.addf %add3A_327, %add3A_337 : vector<16xf32>
          %get3A_339 = arith.index_cast %add3A_296 : i32 to index
          %get3A_340 = arith.constant 128 : index
          %get3A_341 = tpu.vector_load %arg16[%get3A_339, %get3A_340] {strides = array<i32>} : memref<80x256xbf16, #tpu.memory_space<vmem>>, vector<32xbf16>,
          %get3A_342 = arith.index_cast %add3A_296 : i32 to index
          %get3A_343 = arith.constant 128 : index
          %get3A_344 = tpu.vector_load %arg20[%get3A_342, %get3A_343] {strides = array<i32>} : memref<80x256xbf16, #tpu.memory_space<vmem>>, vector<32xbf16>,
          %mul3A_345 = arith.mulf %get3A_341, %get3A_344 : vector<32xbf16>
          %unpack3A_346 = tpu.unpack_subelements %mul3A_345, 0 {pack_format = #tpu.pack_format<interleaved>} : vector<32xbf16> -> vector<16xf32>
          %unpack3A_347 = tpu.unpack_subelements %mul3A_345, 1 {pack_format = #tpu.pack_format<interleaved>} : vector<32xbf16> -> vector<16xf32>
          %add3A_348 = arith.addf %unpack3A_346, %unpack3A_347 : vector<16xf32>
          %get3A_349 = arith.index_cast %add3A_296 : i32 to index
          %get3A_350 = arith.constant 160 : index
          %get3A_351 = tpu.vector_load %arg16[%get3A_349, %get3A_350] {strides = array<i32>} : memref<80x256xbf16, #tpu.memory_space<vmem>>, vector<32xbf16>,
          %get3A_352 = arith.index_cast %add3A_296 : i32 to index
          %get3A_353 = arith.constant 160 : index
          %get3A_354 = tpu.vector_load %arg20[%get3A_352, %get3A_353] {strides = array<i32>} : memref<80x256xbf16, #tpu.memory_space<vmem>>, vector<32xbf16>,
          %mul3A_355 = arith.mulf %get3A_351, %get3A_354 : vector<32xbf16>
          %unpack3A_356 = tpu.unpack_subelements %mul3A_355, 0 {pack_format = #tpu.pack_format<interleaved>} : vector<32xbf16> -> vector<16xf32>
          %unpack3A_357 = tpu.unpack_subelements %mul3A_355, 1 {pack_format = #tpu.pack_format<interleaved>} : vector<32xbf16> -> vector<16xf32>
          %add3A_358 = arith.addf %unpack3A_356, %unpack3A_357 : vector<16xf32>
          %add3A_359 = arith.addf %add3A_348, %add3A_358 : vector<16xf32>
          %get3A_360 = arith.index_cast %add3A_296 : i32 to index
          %get3A_361 = arith.constant 192 : index
          %get3A_362 = tpu.vector_load %arg16[%get3A_360, %get3A_361] {strides = array<i32>} : memref<80x256xbf16, #tpu.memory_space<vmem>>, vector<32xbf16>,
          %get3A_363 = arith.index_cast %add3A_296 : i32 to index
          %get3A_364 = arith.constant 192 : index
          %get3A_365 = tpu.vector_load %arg20[%get3A_363, %get3A_364] {strides = array<i32>} : memref<80x256xbf16, #tpu.memory_space<vmem>>, vector<32xbf16>,
          %mul3A_366 = arith.mulf %get3A_362, %get3A_365 : vector<32xbf16>
          %unpack3A_367 = tpu.unpack_subelements %mul3A_366, 0 {pack_format = #tpu.pack_format<interleaved>} : vector<32xbf16> -> vector<16xf32>
          %unpack3A_368 = tpu.unpack_subelements %mul3A_366, 1 {pack_format = #tpu.pack_format<interleaved>} : vector<32xbf16> -> vector<16xf32>
          %add3A_369 = arith.addf %unpack3A_367, %unpack3A_368 : vector<16xf32>
          %get3A_370 = arith.index_cast %add3A_296 : i32 to index
          %get3A_371 = arith.constant 224 : index
          %get3A_372 = tpu.vector_load %arg16[%get3A_370, %get3A_371] {strides = array<i32>} : memref<80x256xbf16, #tpu.memory_space<vmem>>, vector<32xbf16>,
          %get3A_373 = arith.index_cast %add3A_296 : i32 to index
          %get3A_374 = arith.constant 224 : index
          %get3A_375 = tpu.vector_load %arg20[%get3A_373, %get3A_374] {strides = array<i32>} : memref<80x256xbf16, #tpu.memory_space<vmem>>, vector<32xbf16>,
          %mul3A_376 = arith.mulf %get3A_372, %get3A_375 : vector<32xbf16>
          %unpack3A_377 = tpu.unpack_subelements %mul3A_376, 0 {pack_format = #tpu.pack_format<interleaved>} : vector<32xbf16> -> vector<16xf32>
          %unpack3A_378 = tpu.unpack_subelements %mul3A_376, 1 {pack_format = #tpu.pack_format<interleaved>} : vector<32xbf16> -> vector<16xf32>
          %add3A_379 = arith.addf %unpack3A_377, %unpack3A_378 : vector<16xf32>
          %add3A_380 = arith.addf %add3A_369, %add3A_379 : vector<16xf32>
          %add3A_381 = arith.addf %add3A_317, %add3A_338 : vector<16xf32>
          %add3A_382 = arith.addf %add3A_359, %add3A_380 : vector<16xf32>
          %add3A_383 = arith.addf %add3A_381, %add3A_382 : vector<16xf32>
          %eq3A_384 = vector.broadcast %scan3A_295 : i32 to vector<16xi32>
          %eq3A_385 = arith.cmpi eq, %iota3A, %eq3A_384 : vector<16xi32>
          %reduce_sum3A_386 = arith.constant true
          %reduce_sum3A_387 = vector.broadcast %reduce_sum3A_386 : i1 to vector<16xi1>
          %reduce_sum3A_388 = tpu.scan <sum>, %add3A_383 masked %reduce_sum3A_387 : vector<16xf32>, vector<16xi1> -> vector<16xf32>
          %reduce_sum3A_389 = vector.extract %reduce_sum3A_388[15] : f32 from vector<16xf32>
          %broadcast_in_dim3A_390 = vector.broadcast %reduce_sum3A_389 : f32 to vector<16xf32>
          %select_n3A_391 = arith.select %eq3A_385, %broadcast_in_dim3A_390, %select_n3A : vector<16xi1>, vector<16xf32>
          %scan3A_392 = arith.constant 2 : i32
          %scan3A_393 = arith.addi %scan3A_201, %scan3A_392 : i32
          %add3A_394 = arith.addi %mul3A_192, %scan3A_393 : i32
          %get3A_395 = arith.index_cast %add3A_394 : i32 to index
          %get3A_396 = arith.constant 0 : index
          %get3A_397 = tpu.vector_load %arg16[%get3A_395, %get3A_396] {strides = array<i32>} : memref<80x256xbf16, #tpu.memory_space<vmem>>, vector<32xbf16>,
          %get3A_398 = arith.index_cast %add3A_394 : i32 to index
          %get3A_399 = arith.constant 0 : index
          %get3A_400 = tpu.vector_load %arg20[%get3A_398, %get3A_399] {strides = array<i32>} : memref<80x256xbf16, #tpu.memory_space<vmem>>, vector<32xbf16>,
          %mul3A_401 = arith.mulf %get3A_397, %get3A_400 : vector<32xbf16>
          %unpack3A_402 = tpu.unpack_subelements %mul3A_401, 0 {pack_format = #tpu.pack_format<interleaved>} : vector<32xbf16> -> vector<16xf32>
          %unpack3A_403 = tpu.unpack_subelements %mul3A_401, 1 {pack_format = #tpu.pack_format<interleaved>} : vector<32xbf16> -> vector<16xf32>
          %add3A_404 = arith.addf %unpack3A_402, %unpack3A_403 : vector<16xf32>
          %get3A_405 = arith.index_cast %add3A_394 : i32 to index
          %get3A_406 = arith.constant 32 : index
          %get3A_407 = tpu.vector_load %arg16[%get3A_405, %get3A_406] {strides = array<i32>} : memref<80x256xbf16, #tpu.memory_space<vmem>>, vector<32xbf16>,
          %get3A_408 = arith.index_cast %add3A_394 : i32 to index
          %get3A_409 = arith.constant 32 : index
          %get3A_410 = tpu.vector_load %arg20[%get3A_408, %get3A_409] {strides = array<i32>} : memref<80x256xbf16, #tpu.memory_space<vmem>>, vector<32xbf16>,
          %mul3A_411 = arith.mulf %get3A_407, %get3A_410 : vector<32xbf16>
          %unpack3A_412 = tpu.unpack_subelements %mul3A_411, 0 {pack_format = #tpu.pack_format<interleaved>} : vector<32xbf16> -> vector<16xf32>
          %unpack3A_413 = tpu.unpack_subelements %mul3A_411, 1 {pack_format = #tpu.pack_format<interleaved>} : vector<32xbf16> -> vector<16xf32>
          %add3A_414 = arith.addf %unpack3A_412, %unpack3A_413 : vector<16xf32>
          %add3A_415 = arith.addf %add3A_404, %add3A_414 : vector<16xf32>
          %get3A_416 = arith.index_cast %add3A_394 : i32 to index
          %get3A_417 = arith.constant 64 : index
          %get3A_418 = tpu.vector_load %arg16[%get3A_416, %get3A_417] {strides = array<i32>} : memref<80x256xbf16, #tpu.memory_space<vmem>>, vector<32xbf16>,
          %get3A_419 = arith.index_cast %add3A_394 : i32 to index
          %get3A_420 = arith.constant 64 : index
          %get3A_421 = tpu.vector_load %arg20[%get3A_419, %get3A_420] {strides = array<i32>} : memref<80x256xbf16, #tpu.memory_space<vmem>>, vector<32xbf16>,
          %mul3A_422 = arith.mulf %get3A_418, %get3A_421 : vector<32xbf16>
          %unpack3A_423 = tpu.unpack_subelements %mul3A_422, 0 {pack_format = #tpu.pack_format<interleaved>} : vector<32xbf16> -> vector<16xf32>
          %unpack3A_424 = tpu.unpack_subelements %mul3A_422, 1 {pack_format = #tpu.pack_format<interleaved>} : vector<32xbf16> -> vector<16xf32>
          %add3A_425 = arith.addf %unpack3A_423, %unpack3A_424 : vector<16xf32>
          %get3A_426 = arith.index_cast %add3A_394 : i32 to index
          %get3A_427 = arith.constant 96 : index
          %get3A_428 = tpu.vector_load %arg16[%get3A_426, %get3A_427] {strides = array<i32>} : memref<80x256xbf16, #tpu.memory_space<vmem>>, vector<32xbf16>,
          %get3A_429 = arith.index_cast %add3A_394 : i32 to index
          %get3A_430 = arith.constant 96 : index
          %get3A_431 = tpu.vector_load %arg20[%get3A_429, %get3A_430] {strides = array<i32>} : memref<80x256xbf16, #tpu.memory_space<vmem>>, vector<32xbf16>,
          %mul3A_432 = arith.mulf %get3A_428, %get3A_431 : vector<32xbf16>
          %unpack3A_433 = tpu.unpack_subelements %mul3A_432, 0 {pack_format = #tpu.pack_format<interleaved>} : vector<32xbf16> -> vector<16xf32>
          %unpack3A_434 = tpu.unpack_subelements %mul3A_432, 1 {pack_format = #tpu.pack_format<interleaved>} : vector<32xbf16> -> vector<16xf32>
          %add3A_435 = arith.addf %unpack3A_433, %unpack3A_434 : vector<16xf32>
          %add3A_436 = arith.addf %add3A_425, %add3A_435 : vector<16xf32>
          %get3A_437 = arith.index_cast %add3A_394 : i32 to index
          %get3A_438 = arith.constant 128 : index
          %get3A_439 = tpu.vector_load %arg16[%get3A_437, %get3A_438] {strides = array<i32>} : memref<80x256xbf16, #tpu.memory_space<vmem>>, vector<32xbf16>,
          %get3A_440 = arith.index_cast %add3A_394 : i32 to index
          %get3A_441 = arith.constant 128 : index
          %get3A_442 = tpu.vector_load %arg20[%get3A_440, %get3A_441] {strides = array<i32>} : memref<80x256xbf16, #tpu.memory_space<vmem>>, vector<32xbf16>,
          %mul3A_443 = arith.mulf %get3A_439, %get3A_442 : vector<32xbf16>
          %unpack3A_444 = tpu.unpack_subelements %mul3A_443, 0 {pack_format = #tpu.pack_format<interleaved>} : vector<32xbf16> -> vector<16xf32>
          %unpack3A_445 = tpu.unpack_subelements %mul3A_443, 1 {pack_format = #tpu.pack_format<interleaved>} : vector<32xbf16> -> vector<16xf32>
          %add3A_446 = arith.addf %unpack3A_444, %unpack3A_445 : vector<16xf32>
          %get3A_447 = arith.index_cast %add3A_394 : i32 to index
          %get3A_448 = arith.constant 160 : index
          %get3A_449 = tpu.vector_load %arg16[%get3A_447, %get3A_448] {strides = array<i32>} : memref<80x256xbf16, #tpu.memory_space<vmem>>, vector<32xbf16>,
          %get3A_450 = arith.index_cast %add3A_394 : i32 to index
          %get3A_451 = arith.constant 160 : index
          %get3A_452 = tpu.vector_load %arg20[%get3A_450, %get3A_451] {strides = array<i32>} : memref<80x256xbf16, #tpu.memory_space<vmem>>, vector<32xbf16>,
          %mul3A_453 = arith.mulf %get3A_449, %get3A_452 : vector<32xbf16>
          %unpack3A_454 = tpu.unpack_subelements %mul3A_453, 0 {pack_format = #tpu.pack_format<interleaved>} : vector<32xbf16> -> vector<16xf32>
          %unpack3A_455 = tpu.unpack_subelements %mul3A_453, 1 {pack_format = #tpu.pack_format<interleaved>} : vector<32xbf16> -> vector<16xf32>
          %add3A_456 = arith.addf %unpack3A_454, %unpack3A_455 : vector<16xf32>
          %add3A_457 = arith.addf %add3A_446, %add3A_456 : vector<16xf32>
          %get3A_458 = arith.index_cast %add3A_394 : i32 to index
          %get3A_459 = arith.constant 192 : index
          %get3A_460 = tpu.vector_load %arg16[%get3A_458, %get3A_459] {strides = array<i32>} : memref<80x256xbf16, #tpu.memory_space<vmem>>, vector<32xbf16>,
          %get3A_461 = arith.index_cast %add3A_394 : i32 to index
          %get3A_462 = arith.constant 192 : index
          %get3A_463 = tpu.vector_load %arg20[%get3A_461, %get3A_462] {strides = array<i32>} : memref<80x256xbf16, #tpu.memory_space<vmem>>, vector<32xbf16>,
          %mul3A_464 = arith.mulf %get3A_460, %get3A_463 : vector<32xbf16>
          %unpack3A_465 = tpu.unpack_subelements %mul3A_464, 0 {pack_format = #tpu.pack_format<interleaved>} : vector<32xbf16> -> vector<16xf32>
          %unpack3A_466 = tpu.unpack_subelements %mul3A_464, 1 {pack_format = #tpu.pack_format<interleaved>} : vector<32xbf16> -> vector<16xf32>
          %add3A_467 = arith.addf %unpack3A_465, %unpack3A_466 : vector<16xf32>
          %get3A_468 = arith.index_cast %add3A_394 : i32 to index
          %get3A_469 = arith.constant 224 : index
          %get3A_470 = tpu.vector_load %arg16[%get3A_468, %get3A_469] {strides = array<i32>} : memref<80x256xbf16, #tpu.memory_space<vmem>>, vector<32xbf16>,
          %get3A_471 = arith.index_cast %add3A_394 : i32 to index
          %get3A_472 = arith.constant 224 : index
          %get3A_473 = tpu.vector_load %arg20[%get3A_471, %get3A_472] {strides = array<i32>} : memref<80x256xbf16, #tpu.memory_space<vmem>>, vector<32xbf16>,
          %mul3A_474 = arith.mulf %get3A_470, %get3A_473 : vector<32xbf16>
          %unpack3A_475 = tpu.unpack_subelements %mul3A_474, 0 {pack_format = #tpu.pack_format<interleaved>} : vector<32xbf16> -> vector<16xf32>
          %unpack3A_476 = tpu.unpack_subelements %mul3A_474, 1 {pack_format = #tpu.pack_format<interleaved>} : vector<32xbf16> -> vector<16xf32>
          %add3A_477 = arith.addf %unpack3A_475, %unpack3A_476 : vector<16xf32>
          %add3A_478 = arith.addf %add3A_467, %add3A_477 : vector<16xf32>
          %add3A_479 = arith.addf %add3A_415, %add3A_436 : vector<16xf32>
          %add3A_480 = arith.addf %add3A_457, %add3A_478 : vector<16xf32>
          %add3A_481 = arith.addf %add3A_479, %add3A_480 : vector<16xf32>
          %eq3A_482 = vector.broadcast %scan3A_393 : i32 to vector<16xi32>
          %eq3A_483 = arith.cmpi eq, %iota3A, %eq3A_482 : vector<16xi32>
          %reduce_sum3A_484 = arith.constant true
          %reduce_sum3A_485 = vector.broadcast %reduce_sum3A_484 : i1 to vector<16xi1>
          %reduce_sum3A_486 = tpu.scan <sum>, %add3A_481 masked %reduce_sum3A_485 : vector<16xf32>, vector<16xi1> -> vector<16xf32>
          %reduce_sum3A_487 = vector.extract %reduce_sum3A_486[15] : f32 from vector<16xf32>
          %broadcast_in_dim3A_488 = vector.broadcast %reduce_sum3A_487 : f32 to vector<16xf32>
          %select_n3A_489 = arith.select %eq3A_483, %broadcast_in_dim3A_488, %select_n3A_391 : vector<16xi1>, vector<16xf32>
          %scan3A_490 = arith.constant 3 : i32
          %scan3A_491 = arith.addi %scan3A_201, %scan3A_490 : i32
          %add3A_492 = arith.addi %mul3A_192, %scan3A_491 : i32
          %get3A_493 = arith.index_cast %add3A_492 : i32 to index
          %get3A_494 = arith.constant 0 : index
          %get3A_495 = tpu.vector_load %arg16[%get3A_493, %get3A_494] {strides = array<i32>} : memref<80x256xbf16, #tpu.memory_space<vmem>>, vector<32xbf16>,
          %get3A_496 = arith.index_cast %add3A_492 : i32 to index
          %get3A_497 = arith.constant 0 : index
          %get3A_498 = tpu.vector_load %arg20[%get3A_496, %get3A_497] {strides = array<i32>} : memref<80x256xbf16, #tpu.memory_space<vmem>>, vector<32xbf16>,
          %mul3A_499 = arith.mulf %get3A_495, %get3A_498 : vector<32xbf16>
          %unpack3A_500 = tpu.unpack_subelements %mul3A_499, 0 {pack_format = #tpu.pack_format<interleaved>} : vector<32xbf16> -> vector<16xf32>
          %unpack3A_501 = tpu.unpack_subelements %mul3A_499, 1 {pack_format = #tpu.pack_format<interleaved>} : vector<32xbf16> -> vector<16xf32>
          %add3A_502 = arith.addf %unpack3A_500, %unpack3A_501 : vector<16xf32>
          %get3A_503 = arith.index_cast %add3A_492 : i32 to index
          %get3A_504 = arith.constant 32 : index
          %get3A_505 = tpu.vector_load %arg16[%get3A_503, %get3A_504] {strides = array<i32>} : memref<80x256xbf16, #tpu.memory_space<vmem>>, vector<32xbf16>,
          %get3A_506 = arith.index_cast %add3A_492 : i32 to index
          %get3A_507 = arith.constant 32 : index
          %get3A_508 = tpu.vector_load %arg20[%get3A_506, %get3A_507] {strides = array<i32>} : memref<80x256xbf16, #tpu.memory_space<vmem>>, vector<32xbf16>,
          %mul3A_509 = arith.mulf %get3A_505, %get3A_508 : vector<32xbf16>
          %unpack3A_510 = tpu.unpack_subelements %mul3A_509, 0 {pack_format = #tpu.pack_format<interleaved>} : vector<32xbf16> -> vector<16xf32>
          %unpack3A_511 = tpu.unpack_subelements %mul3A_509, 1 {pack_format = #tpu.pack_format<interleaved>} : vector<32xbf16> -> vector<16xf32>
          %add3A_512 = arith.addf %unpack3A_510, %unpack3A_511 : vector<16xf32>
          %add3A_513 = arith.addf %add3A_502, %add3A_512 : vector<16xf32>
          %get3A_514 = arith.index_cast %add3A_492 : i32 to index
          %get3A_515 = arith.constant 64 : index
          %get3A_516 = tpu.vector_load %arg16[%get3A_514, %get3A_515] {strides = array<i32>} : memref<80x256xbf16, #tpu.memory_space<vmem>>, vector<32xbf16>,
          %get3A_517 = arith.index_cast %add3A_492 : i32 to index
          %get3A_518 = arith.constant 64 : index
          %get3A_519 = tpu.vector_load %arg20[%get3A_517, %get3A_518] {strides = array<i32>} : memref<80x256xbf16, #tpu.memory_space<vmem>>, vector<32xbf16>,
          %mul3A_520 = arith.mulf %get3A_516, %get3A_519 : vector<32xbf16>
          %unpack3A_521 = tpu.unpack_subelements %mul3A_520, 0 {pack_format = #tpu.pack_format<interleaved>} : vector<32xbf16> -> vector<16xf32>
          %unpack3A_522 = tpu.unpack_subelements %mul3A_520, 1 {pack_format = #tpu.pack_format<interleaved>} : vector<32xbf16> -> vector<16xf32>
          %add3A_523 = arith.addf %unpack3A_521, %unpack3A_522 : vector<16xf32>
          %get3A_524 = arith.index_cast %add3A_492 : i32 to index
          %get3A_525 = arith.constant 96 : index
          %get3A_526 = tpu.vector_load %arg16[%get3A_524, %get3A_525] {strides = array<i32>} : memref<80x256xbf16, #tpu.memory_space<vmem>>, vector<32xbf16>,
          %get3A_527 = arith.index_cast %add3A_492 : i32 to index
          %get3A_528 = arith.constant 96 : index
          %get3A_529 = tpu.vector_load %arg20[%get3A_527, %get3A_528] {strides = array<i32>} : memref<80x256xbf16, #tpu.memory_space<vmem>>, vector<32xbf16>,
          %mul3A_530 = arith.mulf %get3A_526, %get3A_529 : vector<32xbf16>
          %unpack3A_531 = tpu.unpack_subelements %mul3A_530, 0 {pack_format = #tpu.pack_format<interleaved>} : vector<32xbf16> -> vector<16xf32>
          %unpack3A_532 = tpu.unpack_subelements %mul3A_530, 1 {pack_format = #tpu.pack_format<interleaved>} : vector<32xbf16> -> vector<16xf32>
          %add3A_533 = arith.addf %unpack3A_531, %unpack3A_532 : vector<16xf32>
          %add3A_534 = arith.addf %add3A_523, %add3A_533 : vector<16xf32>
          %get3A_535 = arith.index_cast %add3A_492 : i32 to index
          %get3A_536 = arith.constant 128 : index
          %get3A_537 = tpu.vector_load %arg16[%get3A_535, %get3A_536] {strides = array<i32>} : memref<80x256xbf16, #tpu.memory_space<vmem>>, vector<32xbf16>,
          %get3A_538 = arith.index_cast %add3A_492 : i32 to index
          %get3A_539 = arith.constant 128 : index
          %get3A_540 = tpu.vector_load %arg20[%get3A_538, %get3A_539] {strides = array<i32>} : memref<80x256xbf16, #tpu.memory_space<vmem>>, vector<32xbf16>,
          %mul3A_541 = arith.mulf %get3A_537, %get3A_540 : vector<32xbf16>
          %unpack3A_542 = tpu.unpack_subelements %mul3A_541, 0 {pack_format = #tpu.pack_format<interleaved>} : vector<32xbf16> -> vector<16xf32>
          %unpack3A_543 = tpu.unpack_subelements %mul3A_541, 1 {pack_format = #tpu.pack_format<interleaved>} : vector<32xbf16> -> vector<16xf32>
          %add3A_544 = arith.addf %unpack3A_542, %unpack3A_543 : vector<16xf32>
          %get3A_545 = arith.index_cast %add3A_492 : i32 to index
          %get3A_546 = arith.constant 160 : index
          %get3A_547 = tpu.vector_load %arg16[%get3A_545, %get3A_546] {strides = array<i32>} : memref<80x256xbf16, #tpu.memory_space<vmem>>, vector<32xbf16>,
          %get3A_548 = arith.index_cast %add3A_492 : i32 to index
          %get3A_549 = arith.constant 160 : index
          %get3A_550 = tpu.vector_load %arg20[%get3A_548, %get3A_549] {strides = array<i32>} : memref<80x256xbf16, #tpu.memory_space<vmem>>, vector<32xbf16>,
          %mul3A_551 = arith.mulf %get3A_547, %get3A_550 : vector<32xbf16>
          %unpack3A_552 = tpu.unpack_subelements %mul3A_551, 0 {pack_format = #tpu.pack_format<interleaved>} : vector<32xbf16> -> vector<16xf32>
          %unpack3A_553 = tpu.unpack_subelements %mul3A_551, 1 {pack_format = #tpu.pack_format<interleaved>} : vector<32xbf16> -> vector<16xf32>
          %add3A_554 = arith.addf %unpack3A_552, %unpack3A_553 : vector<16xf32>
          %add3A_555 = arith.addf %add3A_544, %add3A_554 : vector<16xf32>
          %get3A_556 = arith.index_cast %add3A_492 : i32 to index
          %get3A_557 = arith.constant 192 : index
          %get3A_558 = tpu.vector_load %arg16[%get3A_556, %get3A_557] {strides = array<i32>} : memref<80x256xbf16, #tpu.memory_space<vmem>>, vector<32xbf16>,
          %get3A_559 = arith.index_cast %add3A_492 : i32 to index
          %get3A_560 = arith.constant 192 : index
          %get3A_561 = tpu.vector_load %arg20[%get3A_559, %get3A_560] {strides = array<i32>} : memref<80x256xbf16, #tpu.memory_space<vmem>>, vector<32xbf16>,
          %mul3A_562 = arith.mulf %get3A_558, %get3A_561 : vector<32xbf16>
          %unpack3A_563 = tpu.unpack_subelements %mul3A_562, 0 {pack_format = #tpu.pack_format<interleaved>} : vector<32xbf16> -> vector<16xf32>
          %unpack3A_564 = tpu.unpack_subelements %mul3A_562, 1 {pack_format = #tpu.pack_format<interleaved>} : vector<32xbf16> -> vector<16xf32>
          %add3A_565 = arith.addf %unpack3A_563, %unpack3A_564 : vector<16xf32>
          %get3A_566 = arith.index_cast %add3A_492 : i32 to index
          %get3A_567 = arith.constant 224 : index
          %get3A_568 = tpu.vector_load %arg16[%get3A_566, %get3A_567] {strides = array<i32>} : memref<80x256xbf16, #tpu.memory_space<vmem>>, vector<32xbf16>,
          %get3A_569 = arith.index_cast %add3A_492 : i32 to index
          %get3A_570 = arith.constant 224 : index
          %get3A_571 = tpu.vector_load %arg20[%get3A_569, %get3A_570] {strides = array<i32>} : memref<80x256xbf16, #tpu.memory_space<vmem>>, vector<32xbf16>,
          %mul3A_572 = arith.mulf %get3A_568, %get3A_571 : vector<32xbf16>
          %unpack3A_573 = tpu.unpack_subelements %mul3A_572, 0 {pack_format = #tpu.pack_format<interleaved>} : vector<32xbf16> -> vector<16xf32>
          %unpack3A_574 = tpu.unpack_subelements %mul3A_572, 1 {pack_format = #tpu.pack_format<interleaved>} : vector<32xbf16> -> vector<16xf32>
          %add3A_575 = arith.addf %unpack3A_573, %unpack3A_574 : vector<16xf32>
          %add3A_576 = arith.addf %add3A_565, %add3A_575 : vector<16xf32>
          %add3A_577 = arith.addf %add3A_513, %add3A_534 : vector<16xf32>
          %add3A_578 = arith.addf %add3A_555, %add3A_576 : vector<16xf32>
          %add3A_579 = arith.addf %add3A_577, %add3A_578 : vector<16xf32>
          %eq3A_580 = vector.broadcast %scan3A_491 : i32 to vector<16xi32>
          %eq3A_581 = arith.cmpi eq, %iota3A, %eq3A_580 : vector<16xi32>
          %reduce_sum3A_582 = arith.constant true
          %reduce_sum3A_583 = vector.broadcast %reduce_sum3A_582 : i1 to vector<16xi1>
          %reduce_sum3A_584 = tpu.scan <sum>, %add3A_579 masked %reduce_sum3A_583 : vector<16xf32>, vector<16xi1> -> vector<16xf32>
          %reduce_sum3A_585 = vector.extract %reduce_sum3A_584[15] : f32 from vector<16xf32>
          %broadcast_in_dim3A_586 = vector.broadcast %reduce_sum3A_585 : f32 to vector<16xf32>
          %select_n3A_587 = arith.select %eq3A_581, %broadcast_in_dim3A_586, %select_n3A_489 : vector<16xi1>, vector<16xf32>
          scf.yield %select_n3A_587 : vector<16xf32>
        }
        %scan3A_199 = arith.constant 16 : i32
        %swap3A = arith.index_cast %mul3A_192 : i32 to index
        %swap3A_200 = tpu.vector_load %arg22[%swap3A] {strides = array<i32>} : memref<80xf32, #tpu.memory_space<vmem>>, vector<16xf32>,
        tpu.vector_store %arg22[%swap3A], %scan3A_198 {strides = array<i32>} : memref<80xf32, #tpu.memory_space<vmem>>, vector<16xf32>,
      }
      %scan3A_158 = arith.constant 5 : i32
      "tpu.region"() ({
        %run_scoped3A = tpu.sem_alloc : memref<!tpu.dma_semaphore, #tpu.memory_space<semaphore_mem>>
        %dma_start3A_190 = tpu.memref_slice %arg5[%add3A_152] : memref<1280000xf32, #tpu.memory_space<hbm>> -> memref<80xf32, #tpu.memory_space<hbm>>
        %dma_start3A_191 = tpu.memref_slice %arg5[%add3A_152] : memref<1280000xf32, #tpu.memory_space<hbm>> -> memref<80xf32, #tpu.memory_space<hbm>>
        tpu.enqueue_dma source(%arg22 : memref<80xf32, #tpu.memory_space<vmem>>) target(%dma_start3A_191 : memref<80xf32, #tpu.memory_space<hbm>>) target_semaphore(%run_scoped3A : memref<!tpu.dma_semaphore, #tpu.memory_space<semaphore_mem>>)
        %dma_wait3A_192 = tpu.memref_slice %arg5[%add3A_152] : memref<1280000xf32, #tpu.memory_space<hbm>> -> memref<80xf32, #tpu.memory_space<hbm>>
        %dma_wait3A_193 = tpu.memref_slice %arg5[%add3A_152] : memref<1280000xf32, #tpu.memory_space<hbm>> -> memref<80xf32, #tpu.memory_space<hbm>>
        tpu.wait_dma2 semaphore(%run_scoped3A : memref<!tpu.dma_semaphore, #tpu.memory_space<semaphore_mem>>) src(%arg22 : memref<80xf32, #tpu.memory_space<vmem>>) dst(%dma_wait3A_193 : memref<80xf32, #tpu.memory_space<hbm>>)
        tpu.yield
      }) : () -> ()
      %add3A_159 = arith.constant 3 : i32
      %add3A_160 = arith.addi %mul3A_68, %add3A_159 : i32
      %dma_wait3A_161 = arith.constant 0 : i32
      %dma_wait3A_162 = arith.constant 0 : i32
      %dma_wait3A_163 = tpu.memref_slice %arg2[%dma_wait3A_161, %dma_wait3A_162] : memref<40000x256xbf16, #tpu.memory_space<hbm>> -> memref<40000x256xbf16, #tpu.memory_space<hbm>>
      tpu.wait_indirect_dma semaphore(%arg34 : memref<!tpu.dma_semaphore, #tpu.memory_space<semaphore_mem>>) src(%dma_wait3A_163 : memref<40000x256xbf16, #tpu.memory_space<hbm>>) dst(%arg17 : memref<80x256xbf16, #tpu.memory_space<vmem>>)
      %dma_wait3A_164 = arith.constant 0 : i32
      %dma_wait3A_165 = arith.constant 0 : i32
      %dma_wait3A_166 = tpu.memref_slice %arg2[%dma_wait3A_164, %dma_wait3A_165] : memref<40000x256xbf16, #tpu.memory_space<hbm>> -> memref<40000x256xbf16, #tpu.memory_space<hbm>>
      tpu.wait_indirect_dma semaphore(%arg38 : memref<!tpu.dma_semaphore, #tpu.memory_space<semaphore_mem>>) src(%dma_wait3A_166 : memref<40000x256xbf16, #tpu.memory_space<hbm>>) dst(%arg21 : memref<80x256xbf16, #tpu.memory_space<vmem>>)
      %add3A_167 = arith.constant 4 : i32
      %add3A_168 = arith.addi %add3A_160, %add3A_167 : i32
      %lt3A_169 = arith.constant 500 : i32
      %lt3A_170 = arith.cmpi slt, %add3A_168, %lt3A_169 : i32
      %convert_element_type3A_171 = arith.extui %lt3A_170 : i1 to i32
      %cond3A_172 = arith.constant 0 : i32
      %cond3A_173 = arith.cmpi ne, %convert_element_type3A_171, %cond3A_172 : i32
      scf.if %cond3A_173 {
        %add3A_190 = arith.constant 4 : i32
        %add3A_191 = arith.addi %add3A_160, %add3A_190 : i32
        %mul3A_192 = arith.constant 80 : i32
        %mul3A_193 = arith.muli %add3A_191, %mul3A_192 : i32
        %add3A_194 = arith.addi %mul3A_2, %mul3A_193 : i32
        %dma_start3A_195 = tpu.memref_slice %arg3[%add3A_194] : memref<1280000xi32, #tpu.memory_space<hbm>> -> memref<80xi32, #tpu.memory_space<hbm>>
        %dma_start3A_196 = tpu.memref_slice %arg3[%add3A_194] : memref<1280000xi32, #tpu.memory_space<hbm>> -> memref<80xi32, #tpu.memory_space<hbm>>
        tpu.enqueue_dma source(%dma_start3A_196 : memref<80xi32, #tpu.memory_space<hbm>>) target(%arg9 : memref<80xi32, #tpu.memory_space<vmem>>) target_semaphore(%arg26 : memref<!tpu.dma_semaphore, #tpu.memory_space<semaphore_mem>>)
        %dma_start3A_197 = tpu.memref_slice %arg4[%add3A_194] : memref<1280000xi32, #tpu.memory_space<hbm>> -> memref<80xi32, #tpu.memory_space<hbm>>
        %dma_start3A_198 = tpu.memref_slice %arg4[%add3A_194] : memref<1280000xi32, #tpu.memory_space<hbm>> -> memref<80xi32, #tpu.memory_space<hbm>>
        tpu.enqueue_dma source(%dma_start3A_198 : memref<80xi32, #tpu.memory_space<hbm>>) target(%arg13 : memref<80xi32, #tpu.memory_space<vmem>>) target_semaphore(%arg30 : memref<!tpu.dma_semaphore, #tpu.memory_space<semaphore_mem>>)
      } else {
      }
      %add3A_174 = arith.constant 3 : i32
      %add3A_175 = arith.addi %add3A_160, %add3A_174 : i32
      %lt3A_176 = arith.constant 500 : i32
      %lt3A_177 = arith.cmpi slt, %add3A_175, %lt3A_176 : i32
      %convert_element_type3A_178 = arith.extui %lt3A_177 : i1 to i32
      %cond3A_179 = arith.constant 0 : i32
      %cond3A_180 = arith.cmpi ne, %convert_element_type3A_178, %cond3A_179 : i32
      scf.if %cond3A_180 {
        %add3A_190 = arith.constant 3 : i32
        %add3A_191 = arith.addi %add3A_160, %add3A_190 : i32
        %mul3A_192 = arith.constant 80 : i32
        %mul3A_193 = arith.muli %add3A_191, %mul3A_192 : i32
        %add3A_194 = arith.addi %mul3A_2, %mul3A_193 : i32
        %dma_wait3A_195 = tpu.memref_slice %arg3[%add3A_194] : memref<1280000xi32, #tpu.memory_space<hbm>> -> memref<80xi32, #tpu.memory_space<hbm>>
        %dma_wait3A_196 = tpu.memref_slice %arg3[%add3A_194] : memref<1280000xi32, #tpu.memory_space<hbm>> -> memref<80xi32, #tpu.memory_space<hbm>>
        tpu.wait_dma2 semaphore(%arg25 : memref<!tpu.dma_semaphore, #tpu.memory_space<semaphore_mem>>) src(%dma_wait3A_196 : memref<80xi32, #tpu.memory_space<hbm>>) dst(%arg8 : memref<80xi32, #tpu.memory_space<vmem>>)
        %dma_wait3A_197 = tpu.memref_slice %arg4[%add3A_194] : memref<1280000xi32, #tpu.memory_space<hbm>> -> memref<80xi32, #tpu.memory_space<hbm>>
        %dma_wait3A_198 = tpu.memref_slice %arg4[%add3A_194] : memref<1280000xi32, #tpu.memory_space<hbm>> -> memref<80xi32, #tpu.memory_space<hbm>>
        tpu.wait_dma2 semaphore(%arg29 : memref<!tpu.dma_semaphore, #tpu.memory_space<semaphore_mem>>) src(%dma_wait3A_198 : memref<80xi32, #tpu.memory_space<hbm>>) dst(%arg12 : memref<80xi32, #tpu.memory_space<vmem>>)
        %add3A_199 = arith.constant 3 : i32
        %add3A_200 = arith.addi %add3A_160, %add3A_199 : i32
        %dma_start3A_201 = arith.constant 0 : i32
        %dma_start3A_202 = arith.constant 0 : i32
        %dma_start3A_203 = tpu.memref_slice %arg2[%dma_start3A_201, %dma_start3A_202] : memref<40000x256xbf16, #tpu.memory_space<hbm>> -> memref<40000x256xbf16, #tpu.memory_space<hbm>>
        tpu.enqueue_indirect_dma source(%dma_start3A_203 : memref<40000x256xbf16, #tpu.memory_space<hbm>>) target(%arg16 : memref<80x256xbf16, #tpu.memory_space<vmem>>) offsets(%arg8 : memref<80xi32, #tpu.memory_space<vmem>>) semaphore(%arg33 : memref<!tpu.dma_semaphore, #tpu.memory_space<semaphore_mem>>)
        %dma_start3A_204 = arith.constant 0 : i32
        %dma_start3A_205 = arith.constant 0 : i32
        %dma_start3A_206 = tpu.memref_slice %arg2[%dma_start3A_204, %dma_start3A_205] : memref<40000x256xbf16, #tpu.memory_space<hbm>> -> memref<40000x256xbf16, #tpu.memory_space<hbm>>
        tpu.enqueue_indirect_dma source(%dma_start3A_206 : memref<40000x256xbf16, #tpu.memory_space<hbm>>) target(%arg20 : memref<80x256xbf16, #tpu.memory_space<vmem>>) offsets(%arg12 : memref<80xi32, #tpu.memory_space<vmem>>) semaphore(%arg37 : memref<!tpu.dma_semaphore, #tpu.memory_space<semaphore_mem>>)
      } else {
      }
      %mul3A_181 = arith.constant 80 : i32
      %mul3A_182 = arith.muli %add3A_160, %mul3A_181 : i32
      %add3A_183 = arith.addi %mul3A_2, %mul3A_182 : i32
      %scan3A_184 = arith.constant 0 : i32
      %scan3A_185 = arith.constant 0 : i32
      %scan3A_186 = arith.constant 5 : i32
      %scan3A_187 = arith.addi %scan3A_185, %scan3A_186 : i32
      %scan3A_188 = arith.constant 1 : i32
      scf.for %scan3A_190 = %scan3A_185 to %scan3A_187 step %scan3A_188  : i32 {
        %mul3A_191 = arith.constant 16 : i32
        %mul3A_192 = arith.muli %scan3A_190, %mul3A_191 : i32
        %broadcast_in_dim3A = arith.constant 0.000000e+00 : f32
        %broadcast_in_dim3A_193 = vector.broadcast %broadcast_in_dim3A : f32 to vector<16xf32>
        %scan3A_194 = arith.constant 0 : i32
        %scan3A_195 = arith.constant 16 : i32
        %scan3A_196 = arith.addi %scan3A_194, %scan3A_195 : i32
        %scan3A_197 = arith.constant 4 : i32
        %scan3A_198 = scf.for %scan3A_201 = %scan3A_194 to %scan3A_196 step %scan3A_197 iter_args(%scan3A_202 = %broadcast_in_dim3A_193) -> (vector<16xf32>)  : i32 {
          %add3A_203 = arith.addi %mul3A_192, %scan3A_201 : i32
          %get3A = arith.index_cast %add3A_203 : i32 to index
          %get3A_204 = arith.constant 0 : index
          %get3A_205 = tpu.vector_load %arg17[%get3A, %get3A_204] {strides = array<i32>} : memref<80x256xbf16, #tpu.memory_space<vmem>>, vector<32xbf16>,
          %get3A_206 = arith.index_cast %add3A_203 : i32 to index
          %get3A_207 = arith.constant 0 : index
          %get3A_208 = tpu.vector_load %arg21[%get3A_206, %get3A_207] {strides = array<i32>} : memref<80x256xbf16, #tpu.memory_space<vmem>>, vector<32xbf16>,
          %mul3A_209 = arith.mulf %get3A_205, %get3A_208 : vector<32xbf16>
          %unpack3A = tpu.unpack_subelements %mul3A_209, 0 {pack_format = #tpu.pack_format<interleaved>} : vector<32xbf16> -> vector<16xf32>
          %unpack3A_210 = tpu.unpack_subelements %mul3A_209, 1 {pack_format = #tpu.pack_format<interleaved>} : vector<32xbf16> -> vector<16xf32>
          %add3A_211 = arith.addf %unpack3A, %unpack3A_210 : vector<16xf32>
          %get3A_212 = arith.index_cast %add3A_203 : i32 to index
          %get3A_213 = arith.constant 32 : index
          %get3A_214 = tpu.vector_load %arg17[%get3A_212, %get3A_213] {strides = array<i32>} : memref<80x256xbf16, #tpu.memory_space<vmem>>, vector<32xbf16>,
          %get3A_215 = arith.index_cast %add3A_203 : i32 to index
          %get3A_216 = arith.constant 32 : index
          %get3A_217 = tpu.vector_load %arg21[%get3A_215, %get3A_216] {strides = array<i32>} : memref<80x256xbf16, #tpu.memory_space<vmem>>, vector<32xbf16>,
          %mul3A_218 = arith.mulf %get3A_214, %get3A_217 : vector<32xbf16>
          %unpack3A_219 = tpu.unpack_subelements %mul3A_218, 0 {pack_format = #tpu.pack_format<interleaved>} : vector<32xbf16> -> vector<16xf32>
          %unpack3A_220 = tpu.unpack_subelements %mul3A_218, 1 {pack_format = #tpu.pack_format<interleaved>} : vector<32xbf16> -> vector<16xf32>
          %add3A_221 = arith.addf %unpack3A_219, %unpack3A_220 : vector<16xf32>
          %add3A_222 = arith.addf %add3A_211, %add3A_221 : vector<16xf32>
          %get3A_223 = arith.index_cast %add3A_203 : i32 to index
          %get3A_224 = arith.constant 64 : index
          %get3A_225 = tpu.vector_load %arg17[%get3A_223, %get3A_224] {strides = array<i32>} : memref<80x256xbf16, #tpu.memory_space<vmem>>, vector<32xbf16>,
          %get3A_226 = arith.index_cast %add3A_203 : i32 to index
          %get3A_227 = arith.constant 64 : index
          %get3A_228 = tpu.vector_load %arg21[%get3A_226, %get3A_227] {strides = array<i32>} : memref<80x256xbf16, #tpu.memory_space<vmem>>, vector<32xbf16>,
          %mul3A_229 = arith.mulf %get3A_225, %get3A_228 : vector<32xbf16>
          %unpack3A_230 = tpu.unpack_subelements %mul3A_229, 0 {pack_format = #tpu.pack_format<interleaved>} : vector<32xbf16> -> vector<16xf32>
          %unpack3A_231 = tpu.unpack_subelements %mul3A_229, 1 {pack_format = #tpu.pack_format<interleaved>} : vector<32xbf16> -> vector<16xf32>
          %add3A_232 = arith.addf %unpack3A_230, %unpack3A_231 : vector<16xf32>
          %get3A_233 = arith.index_cast %add3A_203 : i32 to index
          %get3A_234 = arith.constant 96 : index
          %get3A_235 = tpu.vector_load %arg17[%get3A_233, %get3A_234] {strides = array<i32>} : memref<80x256xbf16, #tpu.memory_space<vmem>>, vector<32xbf16>,
          %get3A_236 = arith.index_cast %add3A_203 : i32 to index
          %get3A_237 = arith.constant 96 : index
          %get3A_238 = tpu.vector_load %arg21[%get3A_236, %get3A_237] {strides = array<i32>} : memref<80x256xbf16, #tpu.memory_space<vmem>>, vector<32xbf16>,
          %mul3A_239 = arith.mulf %get3A_235, %get3A_238 : vector<32xbf16>
          %unpack3A_240 = tpu.unpack_subelements %mul3A_239, 0 {pack_format = #tpu.pack_format<interleaved>} : vector<32xbf16> -> vector<16xf32>
          %unpack3A_241 = tpu.unpack_subelements %mul3A_239, 1 {pack_format = #tpu.pack_format<interleaved>} : vector<32xbf16> -> vector<16xf32>
          %add3A_242 = arith.addf %unpack3A_240, %unpack3A_241 : vector<16xf32>
          %add3A_243 = arith.addf %add3A_232, %add3A_242 : vector<16xf32>
          %get3A_244 = arith.index_cast %add3A_203 : i32 to index
          %get3A_245 = arith.constant 128 : index
          %get3A_246 = tpu.vector_load %arg17[%get3A_244, %get3A_245] {strides = array<i32>} : memref<80x256xbf16, #tpu.memory_space<vmem>>, vector<32xbf16>,
          %get3A_247 = arith.index_cast %add3A_203 : i32 to index
          %get3A_248 = arith.constant 128 : index
          %get3A_249 = tpu.vector_load %arg21[%get3A_247, %get3A_248] {strides = array<i32>} : memref<80x256xbf16, #tpu.memory_space<vmem>>, vector<32xbf16>,
          %mul3A_250 = arith.mulf %get3A_246, %get3A_249 : vector<32xbf16>
          %unpack3A_251 = tpu.unpack_subelements %mul3A_250, 0 {pack_format = #tpu.pack_format<interleaved>} : vector<32xbf16> -> vector<16xf32>
          %unpack3A_252 = tpu.unpack_subelements %mul3A_250, 1 {pack_format = #tpu.pack_format<interleaved>} : vector<32xbf16> -> vector<16xf32>
          %add3A_253 = arith.addf %unpack3A_251, %unpack3A_252 : vector<16xf32>
          %get3A_254 = arith.index_cast %add3A_203 : i32 to index
          %get3A_255 = arith.constant 160 : index
          %get3A_256 = tpu.vector_load %arg17[%get3A_254, %get3A_255] {strides = array<i32>} : memref<80x256xbf16, #tpu.memory_space<vmem>>, vector<32xbf16>,
          %get3A_257 = arith.index_cast %add3A_203 : i32 to index
          %get3A_258 = arith.constant 160 : index
          %get3A_259 = tpu.vector_load %arg21[%get3A_257, %get3A_258] {strides = array<i32>} : memref<80x256xbf16, #tpu.memory_space<vmem>>, vector<32xbf16>,
          %mul3A_260 = arith.mulf %get3A_256, %get3A_259 : vector<32xbf16>
          %unpack3A_261 = tpu.unpack_subelements %mul3A_260, 0 {pack_format = #tpu.pack_format<interleaved>} : vector<32xbf16> -> vector<16xf32>
          %unpack3A_262 = tpu.unpack_subelements %mul3A_260, 1 {pack_format = #tpu.pack_format<interleaved>} : vector<32xbf16> -> vector<16xf32>
          %add3A_263 = arith.addf %unpack3A_261, %unpack3A_262 : vector<16xf32>
          %add3A_264 = arith.addf %add3A_253, %add3A_263 : vector<16xf32>
          %get3A_265 = arith.index_cast %add3A_203 : i32 to index
          %get3A_266 = arith.constant 192 : index
          %get3A_267 = tpu.vector_load %arg17[%get3A_265, %get3A_266] {strides = array<i32>} : memref<80x256xbf16, #tpu.memory_space<vmem>>, vector<32xbf16>,
          %get3A_268 = arith.index_cast %add3A_203 : i32 to index
          %get3A_269 = arith.constant 192 : index
          %get3A_270 = tpu.vector_load %arg21[%get3A_268, %get3A_269] {strides = array<i32>} : memref<80x256xbf16, #tpu.memory_space<vmem>>, vector<32xbf16>,
          %mul3A_271 = arith.mulf %get3A_267, %get3A_270 : vector<32xbf16>
          %unpack3A_272 = tpu.unpack_subelements %mul3A_271, 0 {pack_format = #tpu.pack_format<interleaved>} : vector<32xbf16> -> vector<16xf32>
          %unpack3A_273 = tpu.unpack_subelements %mul3A_271, 1 {pack_format = #tpu.pack_format<interleaved>} : vector<32xbf16> -> vector<16xf32>
          %add3A_274 = arith.addf %unpack3A_272, %unpack3A_273 : vector<16xf32>
          %get3A_275 = arith.index_cast %add3A_203 : i32 to index
          %get3A_276 = arith.constant 224 : index
          %get3A_277 = tpu.vector_load %arg17[%get3A_275, %get3A_276] {strides = array<i32>} : memref<80x256xbf16, #tpu.memory_space<vmem>>, vector<32xbf16>,
          %get3A_278 = arith.index_cast %add3A_203 : i32 to index
          %get3A_279 = arith.constant 224 : index
          %get3A_280 = tpu.vector_load %arg21[%get3A_278, %get3A_279] {strides = array<i32>} : memref<80x256xbf16, #tpu.memory_space<vmem>>, vector<32xbf16>,
          %mul3A_281 = arith.mulf %get3A_277, %get3A_280 : vector<32xbf16>
          %unpack3A_282 = tpu.unpack_subelements %mul3A_281, 0 {pack_format = #tpu.pack_format<interleaved>} : vector<32xbf16> -> vector<16xf32>
          %unpack3A_283 = tpu.unpack_subelements %mul3A_281, 1 {pack_format = #tpu.pack_format<interleaved>} : vector<32xbf16> -> vector<16xf32>
          %add3A_284 = arith.addf %unpack3A_282, %unpack3A_283 : vector<16xf32>
          %add3A_285 = arith.addf %add3A_274, %add3A_284 : vector<16xf32>
          %add3A_286 = arith.addf %add3A_222, %add3A_243 : vector<16xf32>
          %add3A_287 = arith.addf %add3A_264, %add3A_285 : vector<16xf32>
          %add3A_288 = arith.addf %add3A_286, %add3A_287 : vector<16xf32>
          %eq3A = vector.broadcast %scan3A_201 : i32 to vector<16xi32>
          %eq3A_289 = arith.cmpi eq, %iota3A, %eq3A : vector<16xi32>
          %reduce_sum3A = arith.constant true
          %reduce_sum3A_290 = vector.broadcast %reduce_sum3A : i1 to vector<16xi1>
          %reduce_sum3A_291 = tpu.scan <sum>, %add3A_288 masked %reduce_sum3A_290 : vector<16xf32>, vector<16xi1> -> vector<16xf32>
          %reduce_sum3A_292 = vector.extract %reduce_sum3A_291[15] : f32 from vector<16xf32>
          %broadcast_in_dim3A_293 = vector.broadcast %reduce_sum3A_292 : f32 to vector<16xf32>
          %select_n3A = arith.select %eq3A_289, %broadcast_in_dim3A_293, %scan3A_202 : vector<16xi1>, vector<16xf32>
          %scan3A_294 = arith.constant 1 : i32
          %scan3A_295 = arith.addi %scan3A_201, %scan3A_294 : i32
          %add3A_296 = arith.addi %mul3A_192, %scan3A_295 : i32
          %get3A_297 = arith.index_cast %add3A_296 : i32 to index
          %get3A_298 = arith.constant 0 : index
          %get3A_299 = tpu.vector_load %arg17[%get3A_297, %get3A_298] {strides = array<i32>} : memref<80x256xbf16, #tpu.memory_space<vmem>>, vector<32xbf16>,
          %get3A_300 = arith.index_cast %add3A_296 : i32 to index
          %get3A_301 = arith.constant 0 : index
          %get3A_302 = tpu.vector_load %arg21[%get3A_300, %get3A_301] {strides = array<i32>} : memref<80x256xbf16, #tpu.memory_space<vmem>>, vector<32xbf16>,
          %mul3A_303 = arith.mulf %get3A_299, %get3A_302 : vector<32xbf16>
          %unpack3A_304 = tpu.unpack_subelements %mul3A_303, 0 {pack_format = #tpu.pack_format<interleaved>} : vector<32xbf16> -> vector<16xf32>
          %unpack3A_305 = tpu.unpack_subelements %mul3A_303, 1 {pack_format = #tpu.pack_format<interleaved>} : vector<32xbf16> -> vector<16xf32>
          %add3A_306 = arith.addf %unpack3A_304, %unpack3A_305 : vector<16xf32>
          %get3A_307 = arith.index_cast %add3A_296 : i32 to index
          %get3A_308 = arith.constant 32 : index
          %get3A_309 = tpu.vector_load %arg17[%get3A_307, %get3A_308] {strides = array<i32>} : memref<80x256xbf16, #tpu.memory_space<vmem>>, vector<32xbf16>,
          %get3A_310 = arith.index_cast %add3A_296 : i32 to index
          %get3A_311 = arith.constant 32 : index
          %get3A_312 = tpu.vector_load %arg21[%get3A_310, %get3A_311] {strides = array<i32>} : memref<80x256xbf16, #tpu.memory_space<vmem>>, vector<32xbf16>,
          %mul3A_313 = arith.mulf %get3A_309, %get3A_312 : vector<32xbf16>
          %unpack3A_314 = tpu.unpack_subelements %mul3A_313, 0 {pack_format = #tpu.pack_format<interleaved>} : vector<32xbf16> -> vector<16xf32>
          %unpack3A_315 = tpu.unpack_subelements %mul3A_313, 1 {pack_format = #tpu.pack_format<interleaved>} : vector<32xbf16> -> vector<16xf32>
          %add3A_316 = arith.addf %unpack3A_314, %unpack3A_315 : vector<16xf32>
          %add3A_317 = arith.addf %add3A_306, %add3A_316 : vector<16xf32>
          %get3A_318 = arith.index_cast %add3A_296 : i32 to index
          %get3A_319 = arith.constant 64 : index
          %get3A_320 = tpu.vector_load %arg17[%get3A_318, %get3A_319] {strides = array<i32>} : memref<80x256xbf16, #tpu.memory_space<vmem>>, vector<32xbf16>,
          %get3A_321 = arith.index_cast %add3A_296 : i32 to index
          %get3A_322 = arith.constant 64 : index
          %get3A_323 = tpu.vector_load %arg21[%get3A_321, %get3A_322] {strides = array<i32>} : memref<80x256xbf16, #tpu.memory_space<vmem>>, vector<32xbf16>,
          %mul3A_324 = arith.mulf %get3A_320, %get3A_323 : vector<32xbf16>
          %unpack3A_325 = tpu.unpack_subelements %mul3A_324, 0 {pack_format = #tpu.pack_format<interleaved>} : vector<32xbf16> -> vector<16xf32>
          %unpack3A_326 = tpu.unpack_subelements %mul3A_324, 1 {pack_format = #tpu.pack_format<interleaved>} : vector<32xbf16> -> vector<16xf32>
          %add3A_327 = arith.addf %unpack3A_325, %unpack3A_326 : vector<16xf32>
          %get3A_328 = arith.index_cast %add3A_296 : i32 to index
          %get3A_329 = arith.constant 96 : index
          %get3A_330 = tpu.vector_load %arg17[%get3A_328, %get3A_329] {strides = array<i32>} : memref<80x256xbf16, #tpu.memory_space<vmem>>, vector<32xbf16>,
          %get3A_331 = arith.index_cast %add3A_296 : i32 to index
          %get3A_332 = arith.constant 96 : index
          %get3A_333 = tpu.vector_load %arg21[%get3A_331, %get3A_332] {strides = array<i32>} : memref<80x256xbf16, #tpu.memory_space<vmem>>, vector<32xbf16>,
          %mul3A_334 = arith.mulf %get3A_330, %get3A_333 : vector<32xbf16>
          %unpack3A_335 = tpu.unpack_subelements %mul3A_334, 0 {pack_format = #tpu.pack_format<interleaved>} : vector<32xbf16> -> vector<16xf32>
          %unpack3A_336 = tpu.unpack_subelements %mul3A_334, 1 {pack_format = #tpu.pack_format<interleaved>} : vector<32xbf16> -> vector<16xf32>
          %add3A_337 = arith.addf %unpack3A_335, %unpack3A_336 : vector<16xf32>
          %add3A_338 = arith.addf %add3A_327, %add3A_337 : vector<16xf32>
          %get3A_339 = arith.index_cast %add3A_296 : i32 to index
          %get3A_340 = arith.constant 128 : index
          %get3A_341 = tpu.vector_load %arg17[%get3A_339, %get3A_340] {strides = array<i32>} : memref<80x256xbf16, #tpu.memory_space<vmem>>, vector<32xbf16>,
          %get3A_342 = arith.index_cast %add3A_296 : i32 to index
          %get3A_343 = arith.constant 128 : index
          %get3A_344 = tpu.vector_load %arg21[%get3A_342, %get3A_343] {strides = array<i32>} : memref<80x256xbf16, #tpu.memory_space<vmem>>, vector<32xbf16>,
          %mul3A_345 = arith.mulf %get3A_341, %get3A_344 : vector<32xbf16>
          %unpack3A_346 = tpu.unpack_subelements %mul3A_345, 0 {pack_format = #tpu.pack_format<interleaved>} : vector<32xbf16> -> vector<16xf32>
          %unpack3A_347 = tpu.unpack_subelements %mul3A_345, 1 {pack_format = #tpu.pack_format<interleaved>} : vector<32xbf16> -> vector<16xf32>
          %add3A_348 = arith.addf %unpack3A_346, %unpack3A_347 : vector<16xf32>
          %get3A_349 = arith.index_cast %add3A_296 : i32 to index
          %get3A_350 = arith.constant 160 : index
          %get3A_351 = tpu.vector_load %arg17[%get3A_349, %get3A_350] {strides = array<i32>} : memref<80x256xbf16, #tpu.memory_space<vmem>>, vector<32xbf16>,
          %get3A_352 = arith.index_cast %add3A_296 : i32 to index
          %get3A_353 = arith.constant 160 : index
          %get3A_354 = tpu.vector_load %arg21[%get3A_352, %get3A_353] {strides = array<i32>} : memref<80x256xbf16, #tpu.memory_space<vmem>>, vector<32xbf16>,
          %mul3A_355 = arith.mulf %get3A_351, %get3A_354 : vector<32xbf16>
          %unpack3A_356 = tpu.unpack_subelements %mul3A_355, 0 {pack_format = #tpu.pack_format<interleaved>} : vector<32xbf16> -> vector<16xf32>
          %unpack3A_357 = tpu.unpack_subelements %mul3A_355, 1 {pack_format = #tpu.pack_format<interleaved>} : vector<32xbf16> -> vector<16xf32>
          %add3A_358 = arith.addf %unpack3A_356, %unpack3A_357 : vector<16xf32>
          %add3A_359 = arith.addf %add3A_348, %add3A_358 : vector<16xf32>
          %get3A_360 = arith.index_cast %add3A_296 : i32 to index
          %get3A_361 = arith.constant 192 : index
          %get3A_362 = tpu.vector_load %arg17[%get3A_360, %get3A_361] {strides = array<i32>} : memref<80x256xbf16, #tpu.memory_space<vmem>>, vector<32xbf16>,
          %get3A_363 = arith.index_cast %add3A_296 : i32 to index
          %get3A_364 = arith.constant 192 : index
          %get3A_365 = tpu.vector_load %arg21[%get3A_363, %get3A_364] {strides = array<i32>} : memref<80x256xbf16, #tpu.memory_space<vmem>>, vector<32xbf16>,
          %mul3A_366 = arith.mulf %get3A_362, %get3A_365 : vector<32xbf16>
          %unpack3A_367 = tpu.unpack_subelements %mul3A_366, 0 {pack_format = #tpu.pack_format<interleaved>} : vector<32xbf16> -> vector<16xf32>
          %unpack3A_368 = tpu.unpack_subelements %mul3A_366, 1 {pack_format = #tpu.pack_format<interleaved>} : vector<32xbf16> -> vector<16xf32>
          %add3A_369 = arith.addf %unpack3A_367, %unpack3A_368 : vector<16xf32>
          %get3A_370 = arith.index_cast %add3A_296 : i32 to index
          %get3A_371 = arith.constant 224 : index
          %get3A_372 = tpu.vector_load %arg17[%get3A_370, %get3A_371] {strides = array<i32>} : memref<80x256xbf16, #tpu.memory_space<vmem>>, vector<32xbf16>,
          %get3A_373 = arith.index_cast %add3A_296 : i32 to index
          %get3A_374 = arith.constant 224 : index
          %get3A_375 = tpu.vector_load %arg21[%get3A_373, %get3A_374] {strides = array<i32>} : memref<80x256xbf16, #tpu.memory_space<vmem>>, vector<32xbf16>,
          %mul3A_376 = arith.mulf %get3A_372, %get3A_375 : vector<32xbf16>
          %unpack3A_377 = tpu.unpack_subelements %mul3A_376, 0 {pack_format = #tpu.pack_format<interleaved>} : vector<32xbf16> -> vector<16xf32>
          %unpack3A_378 = tpu.unpack_subelements %mul3A_376, 1 {pack_format = #tpu.pack_format<interleaved>} : vector<32xbf16> -> vector<16xf32>
          %add3A_379 = arith.addf %unpack3A_377, %unpack3A_378 : vector<16xf32>
          %add3A_380 = arith.addf %add3A_369, %add3A_379 : vector<16xf32>
          %add3A_381 = arith.addf %add3A_317, %add3A_338 : vector<16xf32>
          %add3A_382 = arith.addf %add3A_359, %add3A_380 : vector<16xf32>
          %add3A_383 = arith.addf %add3A_381, %add3A_382 : vector<16xf32>
          %eq3A_384 = vector.broadcast %scan3A_295 : i32 to vector<16xi32>
          %eq3A_385 = arith.cmpi eq, %iota3A, %eq3A_384 : vector<16xi32>
          %reduce_sum3A_386 = arith.constant true
          %reduce_sum3A_387 = vector.broadcast %reduce_sum3A_386 : i1 to vector<16xi1>
          %reduce_sum3A_388 = tpu.scan <sum>, %add3A_383 masked %reduce_sum3A_387 : vector<16xf32>, vector<16xi1> -> vector<16xf32>
          %reduce_sum3A_389 = vector.extract %reduce_sum3A_388[15] : f32 from vector<16xf32>
          %broadcast_in_dim3A_390 = vector.broadcast %reduce_sum3A_389 : f32 to vector<16xf32>
          %select_n3A_391 = arith.select %eq3A_385, %broadcast_in_dim3A_390, %select_n3A : vector<16xi1>, vector<16xf32>
          %scan3A_392 = arith.constant 2 : i32
          %scan3A_393 = arith.addi %scan3A_201, %scan3A_392 : i32
          %add3A_394 = arith.addi %mul3A_192, %scan3A_393 : i32
          %get3A_395 = arith.index_cast %add3A_394 : i32 to index
          %get3A_396 = arith.constant 0 : index
          %get3A_397 = tpu.vector_load %arg17[%get3A_395, %get3A_396] {strides = array<i32>} : memref<80x256xbf16, #tpu.memory_space<vmem>>, vector<32xbf16>,
          %get3A_398 = arith.index_cast %add3A_394 : i32 to index
          %get3A_399 = arith.constant 0 : index
          %get3A_400 = tpu.vector_load %arg21[%get3A_398, %get3A_399] {strides = array<i32>} : memref<80x256xbf16, #tpu.memory_space<vmem>>, vector<32xbf16>,
          %mul3A_401 = arith.mulf %get3A_397, %get3A_400 : vector<32xbf16>
          %unpack3A_402 = tpu.unpack_subelements %mul3A_401, 0 {pack_format = #tpu.pack_format<interleaved>} : vector<32xbf16> -> vector<16xf32>
          %unpack3A_403 = tpu.unpack_subelements %mul3A_401, 1 {pack_format = #tpu.pack_format<interleaved>} : vector<32xbf16> -> vector<16xf32>
          %add3A_404 = arith.addf %unpack3A_402, %unpack3A_403 : vector<16xf32>
          %get3A_405 = arith.index_cast %add3A_394 : i32 to index
          %get3A_406 = arith.constant 32 : index
          %get3A_407 = tpu.vector_load %arg17[%get3A_405, %get3A_406] {strides = array<i32>} : memref<80x256xbf16, #tpu.memory_space<vmem>>, vector<32xbf16>,
          %get3A_408 = arith.index_cast %add3A_394 : i32 to index
          %get3A_409 = arith.constant 32 : index
          %get3A_410 = tpu.vector_load %arg21[%get3A_408, %get3A_409] {strides = array<i32>} : memref<80x256xbf16, #tpu.memory_space<vmem>>, vector<32xbf16>,
          %mul3A_411 = arith.mulf %get3A_407, %get3A_410 : vector<32xbf16>
          %unpack3A_412 = tpu.unpack_subelements %mul3A_411, 0 {pack_format = #tpu.pack_format<interleaved>} : vector<32xbf16> -> vector<16xf32>
          %unpack3A_413 = tpu.unpack_subelements %mul3A_411, 1 {pack_format = #tpu.pack_format<interleaved>} : vector<32xbf16> -> vector<16xf32>
          %add3A_414 = arith.addf %unpack3A_412, %unpack3A_413 : vector<16xf32>
          %add3A_415 = arith.addf %add3A_404, %add3A_414 : vector<16xf32>
          %get3A_416 = arith.index_cast %add3A_394 : i32 to index
          %get3A_417 = arith.constant 64 : index
          %get3A_418 = tpu.vector_load %arg17[%get3A_416, %get3A_417] {strides = array<i32>} : memref<80x256xbf16, #tpu.memory_space<vmem>>, vector<32xbf16>,
          %get3A_419 = arith.index_cast %add3A_394 : i32 to index
          %get3A_420 = arith.constant 64 : index
          %get3A_421 = tpu.vector_load %arg21[%get3A_419, %get3A_420] {strides = array<i32>} : memref<80x256xbf16, #tpu.memory_space<vmem>>, vector<32xbf16>,
          %mul3A_422 = arith.mulf %get3A_418, %get3A_421 : vector<32xbf16>
          %unpack3A_423 = tpu.unpack_subelements %mul3A_422, 0 {pack_format = #tpu.pack_format<interleaved>} : vector<32xbf16> -> vector<16xf32>
          %unpack3A_424 = tpu.unpack_subelements %mul3A_422, 1 {pack_format = #tpu.pack_format<interleaved>} : vector<32xbf16> -> vector<16xf32>
          %add3A_425 = arith.addf %unpack3A_423, %unpack3A_424 : vector<16xf32>
          %get3A_426 = arith.index_cast %add3A_394 : i32 to index
          %get3A_427 = arith.constant 96 : index
          %get3A_428 = tpu.vector_load %arg17[%get3A_426, %get3A_427] {strides = array<i32>} : memref<80x256xbf16, #tpu.memory_space<vmem>>, vector<32xbf16>,
          %get3A_429 = arith.index_cast %add3A_394 : i32 to index
          %get3A_430 = arith.constant 96 : index
          %get3A_431 = tpu.vector_load %arg21[%get3A_429, %get3A_430] {strides = array<i32>} : memref<80x256xbf16, #tpu.memory_space<vmem>>, vector<32xbf16>,
          %mul3A_432 = arith.mulf %get3A_428, %get3A_431 : vector<32xbf16>
          %unpack3A_433 = tpu.unpack_subelements %mul3A_432, 0 {pack_format = #tpu.pack_format<interleaved>} : vector<32xbf16> -> vector<16xf32>
          %unpack3A_434 = tpu.unpack_subelements %mul3A_432, 1 {pack_format = #tpu.pack_format<interleaved>} : vector<32xbf16> -> vector<16xf32>
          %add3A_435 = arith.addf %unpack3A_433, %unpack3A_434 : vector<16xf32>
          %add3A_436 = arith.addf %add3A_425, %add3A_435 : vector<16xf32>
          %get3A_437 = arith.index_cast %add3A_394 : i32 to index
          %get3A_438 = arith.constant 128 : index
          %get3A_439 = tpu.vector_load %arg17[%get3A_437, %get3A_438] {strides = array<i32>} : memref<80x256xbf16, #tpu.memory_space<vmem>>, vector<32xbf16>,
          %get3A_440 = arith.index_cast %add3A_394 : i32 to index
          %get3A_441 = arith.constant 128 : index
          %get3A_442 = tpu.vector_load %arg21[%get3A_440, %get3A_441] {strides = array<i32>} : memref<80x256xbf16, #tpu.memory_space<vmem>>, vector<32xbf16>,
          %mul3A_443 = arith.mulf %get3A_439, %get3A_442 : vector<32xbf16>
          %unpack3A_444 = tpu.unpack_subelements %mul3A_443, 0 {pack_format = #tpu.pack_format<interleaved>} : vector<32xbf16> -> vector<16xf32>
          %unpack3A_445 = tpu.unpack_subelements %mul3A_443, 1 {pack_format = #tpu.pack_format<interleaved>} : vector<32xbf16> -> vector<16xf32>
          %add3A_446 = arith.addf %unpack3A_444, %unpack3A_445 : vector<16xf32>
          %get3A_447 = arith.index_cast %add3A_394 : i32 to index
          %get3A_448 = arith.constant 160 : index
          %get3A_449 = tpu.vector_load %arg17[%get3A_447, %get3A_448] {strides = array<i32>} : memref<80x256xbf16, #tpu.memory_space<vmem>>, vector<32xbf16>,
          %get3A_450 = arith.index_cast %add3A_394 : i32 to index
          %get3A_451 = arith.constant 160 : index
          %get3A_452 = tpu.vector_load %arg21[%get3A_450, %get3A_451] {strides = array<i32>} : memref<80x256xbf16, #tpu.memory_space<vmem>>, vector<32xbf16>,
          %mul3A_453 = arith.mulf %get3A_449, %get3A_452 : vector<32xbf16>
          %unpack3A_454 = tpu.unpack_subelements %mul3A_453, 0 {pack_format = #tpu.pack_format<interleaved>} : vector<32xbf16> -> vector<16xf32>
          %unpack3A_455 = tpu.unpack_subelements %mul3A_453, 1 {pack_format = #tpu.pack_format<interleaved>} : vector<32xbf16> -> vector<16xf32>
          %add3A_456 = arith.addf %unpack3A_454, %unpack3A_455 : vector<16xf32>
          %add3A_457 = arith.addf %add3A_446, %add3A_456 : vector<16xf32>
          %get3A_458 = arith.index_cast %add3A_394 : i32 to index
          %get3A_459 = arith.constant 192 : index
          %get3A_460 = tpu.vector_load %arg17[%get3A_458, %get3A_459] {strides = array<i32>} : memref<80x256xbf16, #tpu.memory_space<vmem>>, vector<32xbf16>,
          %get3A_461 = arith.index_cast %add3A_394 : i32 to index
          %get3A_462 = arith.constant 192 : index
          %get3A_463 = tpu.vector_load %arg21[%get3A_461, %get3A_462] {strides = array<i32>} : memref<80x256xbf16, #tpu.memory_space<vmem>>, vector<32xbf16>,
          %mul3A_464 = arith.mulf %get3A_460, %get3A_463 : vector<32xbf16>
          %unpack3A_465 = tpu.unpack_subelements %mul3A_464, 0 {pack_format = #tpu.pack_format<interleaved>} : vector<32xbf16> -> vector<16xf32>
          %unpack3A_466 = tpu.unpack_subelements %mul3A_464, 1 {pack_format = #tpu.pack_format<interleaved>} : vector<32xbf16> -> vector<16xf32>
          %add3A_467 = arith.addf %unpack3A_465, %unpack3A_466 : vector<16xf32>
          %get3A_468 = arith.index_cast %add3A_394 : i32 to index
          %get3A_469 = arith.constant 224 : index
          %get3A_470 = tpu.vector_load %arg17[%get3A_468, %get3A_469] {strides = array<i32>} : memref<80x256xbf16, #tpu.memory_space<vmem>>, vector<32xbf16>,
          %get3A_471 = arith.index_cast %add3A_394 : i32 to index
          %get3A_472 = arith.constant 224 : index
          %get3A_473 = tpu.vector_load %arg21[%get3A_471, %get3A_472] {strides = array<i32>} : memref<80x256xbf16, #tpu.memory_space<vmem>>, vector<32xbf16>,
          %mul3A_474 = arith.mulf %get3A_470, %get3A_473 : vector<32xbf16>
          %unpack3A_475 = tpu.unpack_subelements %mul3A_474, 0 {pack_format = #tpu.pack_format<interleaved>} : vector<32xbf16> -> vector<16xf32>
          %unpack3A_476 = tpu.unpack_subelements %mul3A_474, 1 {pack_format = #tpu.pack_format<interleaved>} : vector<32xbf16> -> vector<16xf32>
          %add3A_477 = arith.addf %unpack3A_475, %unpack3A_476 : vector<16xf32>
          %add3A_478 = arith.addf %add3A_467, %add3A_477 : vector<16xf32>
          %add3A_479 = arith.addf %add3A_415, %add3A_436 : vector<16xf32>
          %add3A_480 = arith.addf %add3A_457, %add3A_478 : vector<16xf32>
          %add3A_481 = arith.addf %add3A_479, %add3A_480 : vector<16xf32>
          %eq3A_482 = vector.broadcast %scan3A_393 : i32 to vector<16xi32>
          %eq3A_483 = arith.cmpi eq, %iota3A, %eq3A_482 : vector<16xi32>
          %reduce_sum3A_484 = arith.constant true
          %reduce_sum3A_485 = vector.broadcast %reduce_sum3A_484 : i1 to vector<16xi1>
          %reduce_sum3A_486 = tpu.scan <sum>, %add3A_481 masked %reduce_sum3A_485 : vector<16xf32>, vector<16xi1> -> vector<16xf32>
          %reduce_sum3A_487 = vector.extract %reduce_sum3A_486[15] : f32 from vector<16xf32>
          %broadcast_in_dim3A_488 = vector.broadcast %reduce_sum3A_487 : f32 to vector<16xf32>
          %select_n3A_489 = arith.select %eq3A_483, %broadcast_in_dim3A_488, %select_n3A_391 : vector<16xi1>, vector<16xf32>
          %scan3A_490 = arith.constant 3 : i32
          %scan3A_491 = arith.addi %scan3A_201, %scan3A_490 : i32
          %add3A_492 = arith.addi %mul3A_192, %scan3A_491 : i32
          %get3A_493 = arith.index_cast %add3A_492 : i32 to index
          %get3A_494 = arith.constant 0 : index
          %get3A_495 = tpu.vector_load %arg17[%get3A_493, %get3A_494] {strides = array<i32>} : memref<80x256xbf16, #tpu.memory_space<vmem>>, vector<32xbf16>,
          %get3A_496 = arith.index_cast %add3A_492 : i32 to index
          %get3A_497 = arith.constant 0 : index
          %get3A_498 = tpu.vector_load %arg21[%get3A_496, %get3A_497] {strides = array<i32>} : memref<80x256xbf16, #tpu.memory_space<vmem>>, vector<32xbf16>,
          %mul3A_499 = arith.mulf %get3A_495, %get3A_498 : vector<32xbf16>
          %unpack3A_500 = tpu.unpack_subelements %mul3A_499, 0 {pack_format = #tpu.pack_format<interleaved>} : vector<32xbf16> -> vector<16xf32>
          %unpack3A_501 = tpu.unpack_subelements %mul3A_499, 1 {pack_format = #tpu.pack_format<interleaved>} : vector<32xbf16> -> vector<16xf32>
          %add3A_502 = arith.addf %unpack3A_500, %unpack3A_501 : vector<16xf32>
          %get3A_503 = arith.index_cast %add3A_492 : i32 to index
          %get3A_504 = arith.constant 32 : index
          %get3A_505 = tpu.vector_load %arg17[%get3A_503, %get3A_504] {strides = array<i32>} : memref<80x256xbf16, #tpu.memory_space<vmem>>, vector<32xbf16>,
          %get3A_506 = arith.index_cast %add3A_492 : i32 to index
          %get3A_507 = arith.constant 32 : index
          %get3A_508 = tpu.vector_load %arg21[%get3A_506, %get3A_507] {strides = array<i32>} : memref<80x256xbf16, #tpu.memory_space<vmem>>, vector<32xbf16>,
          %mul3A_509 = arith.mulf %get3A_505, %get3A_508 : vector<32xbf16>
          %unpack3A_510 = tpu.unpack_subelements %mul3A_509, 0 {pack_format = #tpu.pack_format<interleaved>} : vector<32xbf16> -> vector<16xf32>
          %unpack3A_511 = tpu.unpack_subelements %mul3A_509, 1 {pack_format = #tpu.pack_format<interleaved>} : vector<32xbf16> -> vector<16xf32>
          %add3A_512 = arith.addf %unpack3A_510, %unpack3A_511 : vector<16xf32>
          %add3A_513 = arith.addf %add3A_502, %add3A_512 : vector<16xf32>
          %get3A_514 = arith.index_cast %add3A_492 : i32 to index
          %get3A_515 = arith.constant 64 : index
          %get3A_516 = tpu.vector_load %arg17[%get3A_514, %get3A_515] {strides = array<i32>} : memref<80x256xbf16, #tpu.memory_space<vmem>>, vector<32xbf16>,
          %get3A_517 = arith.index_cast %add3A_492 : i32 to index
          %get3A_518 = arith.constant 64 : index
          %get3A_519 = tpu.vector_load %arg21[%get3A_517, %get3A_518] {strides = array<i32>} : memref<80x256xbf16, #tpu.memory_space<vmem>>, vector<32xbf16>,
          %mul3A_520 = arith.mulf %get3A_516, %get3A_519 : vector<32xbf16>
          %unpack3A_521 = tpu.unpack_subelements %mul3A_520, 0 {pack_format = #tpu.pack_format<interleaved>} : vector<32xbf16> -> vector<16xf32>
          %unpack3A_522 = tpu.unpack_subelements %mul3A_520, 1 {pack_format = #tpu.pack_format<interleaved>} : vector<32xbf16> -> vector<16xf32>
          %add3A_523 = arith.addf %unpack3A_521, %unpack3A_522 : vector<16xf32>
          %get3A_524 = arith.index_cast %add3A_492 : i32 to index
          %get3A_525 = arith.constant 96 : index
          %get3A_526 = tpu.vector_load %arg17[%get3A_524, %get3A_525] {strides = array<i32>} : memref<80x256xbf16, #tpu.memory_space<vmem>>, vector<32xbf16>,
          %get3A_527 = arith.index_cast %add3A_492 : i32 to index
          %get3A_528 = arith.constant 96 : index
          %get3A_529 = tpu.vector_load %arg21[%get3A_527, %get3A_528] {strides = array<i32>} : memref<80x256xbf16, #tpu.memory_space<vmem>>, vector<32xbf16>,
          %mul3A_530 = arith.mulf %get3A_526, %get3A_529 : vector<32xbf16>
          %unpack3A_531 = tpu.unpack_subelements %mul3A_530, 0 {pack_format = #tpu.pack_format<interleaved>} : vector<32xbf16> -> vector<16xf32>
          %unpack3A_532 = tpu.unpack_subelements %mul3A_530, 1 {pack_format = #tpu.pack_format<interleaved>} : vector<32xbf16> -> vector<16xf32>
          %add3A_533 = arith.addf %unpack3A_531, %unpack3A_532 : vector<16xf32>
          %add3A_534 = arith.addf %add3A_523, %add3A_533 : vector<16xf32>
          %get3A_535 = arith.index_cast %add3A_492 : i32 to index
          %get3A_536 = arith.constant 128 : index
          %get3A_537 = tpu.vector_load %arg17[%get3A_535, %get3A_536] {strides = array<i32>} : memref<80x256xbf16, #tpu.memory_space<vmem>>, vector<32xbf16>,
          %get3A_538 = arith.index_cast %add3A_492 : i32 to index
          %get3A_539 = arith.constant 128 : index
          %get3A_540 = tpu.vector_load %arg21[%get3A_538, %get3A_539] {strides = array<i32>} : memref<80x256xbf16, #tpu.memory_space<vmem>>, vector<32xbf16>,
          %mul3A_541 = arith.mulf %get3A_537, %get3A_540 : vector<32xbf16>
          %unpack3A_542 = tpu.unpack_subelements %mul3A_541, 0 {pack_format = #tpu.pack_format<interleaved>} : vector<32xbf16> -> vector<16xf32>
          %unpack3A_543 = tpu.unpack_subelements %mul3A_541, 1 {pack_format = #tpu.pack_format<interleaved>} : vector<32xbf16> -> vector<16xf32>
          %add3A_544 = arith.addf %unpack3A_542, %unpack3A_543 : vector<16xf32>
          %get3A_545 = arith.index_cast %add3A_492 : i32 to index
          %get3A_546 = arith.constant 160 : index
          %get3A_547 = tpu.vector_load %arg17[%get3A_545, %get3A_546] {strides = array<i32>} : memref<80x256xbf16, #tpu.memory_space<vmem>>, vector<32xbf16>,
          %get3A_548 = arith.index_cast %add3A_492 : i32 to index
          %get3A_549 = arith.constant 160 : index
          %get3A_550 = tpu.vector_load %arg21[%get3A_548, %get3A_549] {strides = array<i32>} : memref<80x256xbf16, #tpu.memory_space<vmem>>, vector<32xbf16>,
          %mul3A_551 = arith.mulf %get3A_547, %get3A_550 : vector<32xbf16>
          %unpack3A_552 = tpu.unpack_subelements %mul3A_551, 0 {pack_format = #tpu.pack_format<interleaved>} : vector<32xbf16> -> vector<16xf32>
          %unpack3A_553 = tpu.unpack_subelements %mul3A_551, 1 {pack_format = #tpu.pack_format<interleaved>} : vector<32xbf16> -> vector<16xf32>
          %add3A_554 = arith.addf %unpack3A_552, %unpack3A_553 : vector<16xf32>
          %add3A_555 = arith.addf %add3A_544, %add3A_554 : vector<16xf32>
          %get3A_556 = arith.index_cast %add3A_492 : i32 to index
          %get3A_557 = arith.constant 192 : index
          %get3A_558 = tpu.vector_load %arg17[%get3A_556, %get3A_557] {strides = array<i32>} : memref<80x256xbf16, #tpu.memory_space<vmem>>, vector<32xbf16>,
          %get3A_559 = arith.index_cast %add3A_492 : i32 to index
          %get3A_560 = arith.constant 192 : index
          %get3A_561 = tpu.vector_load %arg21[%get3A_559, %get3A_560] {strides = array<i32>} : memref<80x256xbf16, #tpu.memory_space<vmem>>, vector<32xbf16>,
          %mul3A_562 = arith.mulf %get3A_558, %get3A_561 : vector<32xbf16>
          %unpack3A_563 = tpu.unpack_subelements %mul3A_562, 0 {pack_format = #tpu.pack_format<interleaved>} : vector<32xbf16> -> vector<16xf32>
          %unpack3A_564 = tpu.unpack_subelements %mul3A_562, 1 {pack_format = #tpu.pack_format<interleaved>} : vector<32xbf16> -> vector<16xf32>
          %add3A_565 = arith.addf %unpack3A_563, %unpack3A_564 : vector<16xf32>
          %get3A_566 = arith.index_cast %add3A_492 : i32 to index
          %get3A_567 = arith.constant 224 : index
          %get3A_568 = tpu.vector_load %arg17[%get3A_566, %get3A_567] {strides = array<i32>} : memref<80x256xbf16, #tpu.memory_space<vmem>>, vector<32xbf16>,
          %get3A_569 = arith.index_cast %add3A_492 : i32 to index
          %get3A_570 = arith.constant 224 : index
          %get3A_571 = tpu.vector_load %arg21[%get3A_569, %get3A_570] {strides = array<i32>} : memref<80x256xbf16, #tpu.memory_space<vmem>>, vector<32xbf16>,
          %mul3A_572 = arith.mulf %get3A_568, %get3A_571 : vector<32xbf16>
          %unpack3A_573 = tpu.unpack_subelements %mul3A_572, 0 {pack_format = #tpu.pack_format<interleaved>} : vector<32xbf16> -> vector<16xf32>
          %unpack3A_574 = tpu.unpack_subelements %mul3A_572, 1 {pack_format = #tpu.pack_format<interleaved>} : vector<32xbf16> -> vector<16xf32>
          %add3A_575 = arith.addf %unpack3A_573, %unpack3A_574 : vector<16xf32>
          %add3A_576 = arith.addf %add3A_565, %add3A_575 : vector<16xf32>
          %add3A_577 = arith.addf %add3A_513, %add3A_534 : vector<16xf32>
          %add3A_578 = arith.addf %add3A_555, %add3A_576 : vector<16xf32>
          %add3A_579 = arith.addf %add3A_577, %add3A_578 : vector<16xf32>
          %eq3A_580 = vector.broadcast %scan3A_491 : i32 to vector<16xi32>
          %eq3A_581 = arith.cmpi eq, %iota3A, %eq3A_580 : vector<16xi32>
          %reduce_sum3A_582 = arith.constant true
          %reduce_sum3A_583 = vector.broadcast %reduce_sum3A_582 : i1 to vector<16xi1>
          %reduce_sum3A_584 = tpu.scan <sum>, %add3A_579 masked %reduce_sum3A_583 : vector<16xf32>, vector<16xi1> -> vector<16xf32>
          %reduce_sum3A_585 = vector.extract %reduce_sum3A_584[15] : f32 from vector<16xf32>
          %broadcast_in_dim3A_586 = vector.broadcast %reduce_sum3A_585 : f32 to vector<16xf32>
          %select_n3A_587 = arith.select %eq3A_581, %broadcast_in_dim3A_586, %select_n3A_489 : vector<16xi1>, vector<16xf32>
          scf.yield %select_n3A_587 : vector<16xf32>
        }
        %scan3A_199 = arith.constant 16 : i32
        %swap3A = arith.index_cast %mul3A_192 : i32 to index
        %swap3A_200 = tpu.vector_load %arg22[%swap3A] {strides = array<i32>} : memref<80xf32, #tpu.memory_space<vmem>>, vector<16xf32>,
        tpu.vector_store %arg22[%swap3A], %scan3A_198 {strides = array<i32>} : memref<80xf32, #tpu.memory_space<vmem>>, vector<16xf32>,
      }
      %scan3A_189 = arith.constant 5 : i32
      "tpu.region"() ({
        %run_scoped3A = tpu.sem_alloc : memref<!tpu.dma_semaphore, #tpu.memory_space<semaphore_mem>>
        %dma_start3A_190 = tpu.memref_slice %arg5[%add3A_183] : memref<1280000xf32, #tpu.memory_space<hbm>> -> memref<80xf32, #tpu.memory_space<hbm>>
        %dma_start3A_191 = tpu.memref_slice %arg5[%add3A_183] : memref<1280000xf32, #tpu.memory_space<hbm>> -> memref<80xf32, #tpu.memory_space<hbm>>
        tpu.enqueue_dma source(%arg22 : memref<80xf32, #tpu.memory_space<vmem>>) target(%dma_start3A_191 : memref<80xf32, #tpu.memory_space<hbm>>) target_semaphore(%run_scoped3A : memref<!tpu.dma_semaphore, #tpu.memory_space<semaphore_mem>>)
        %dma_wait3A_192 = tpu.memref_slice %arg5[%add3A_183] : memref<1280000xf32, #tpu.memory_space<hbm>> -> memref<80xf32, #tpu.memory_space<hbm>>
        %dma_wait3A_193 = tpu.memref_slice %arg5[%add3A_183] : memref<1280000xf32, #tpu.memory_space<hbm>> -> memref<80xf32, #tpu.memory_space<hbm>>
        tpu.wait_dma2 semaphore(%run_scoped3A : memref<!tpu.dma_semaphore, #tpu.memory_space<semaphore_mem>>) src(%arg22 : memref<80xf32, #tpu.memory_space<vmem>>) dst(%dma_wait3A_193 : memref<80xf32, #tpu.memory_space<hbm>>)
        tpu.yield
      }) : () -> ()
    }
    %scan3A_65 = arith.constant 125 : i32
    return
  }
}

module attributes {stable_mosaic.version = 14 : i64} {
  func.func @_loss_body(%arg0: memref<4x160000xf32, #tpu.memory_space<vmem>>, %arg1: memref<4x160000xf32, #tpu.memory_space<vmem>>, %arg2: memref<1x1xf32, #tpu.memory_space<smem>>) attributes {dimension_semantics = [], scalar_prefetch = 0 : i64, scratch_operands = 0 : i64, tpu.core_type = #tpu.core_type<tc>} {
    %get3A = arith.constant 0 : index
    %get3A_0 = arith.constant 0 : index
    %get3A_1 = vector.load %arg0[%get3A, %get3A_0] : memref<4x160000xf32, #tpu.memory_space<vmem>>, vector<4x160000xf32>
    %get3A_2 = arith.constant 0 : index
    %get3A_3 = arith.constant 0 : index
    %get3A_4 = vector.load %arg1[%get3A_2, %get3A_3] : memref<4x160000xf32, #tpu.memory_space<vmem>>, vector<4x160000xf32>
    %neg3A = arith.constant 0.000000e+00 : f32
    %neg3A_5 = vector.broadcast %neg3A : f32 to vector<4x160000xf32>
    %neg3A_6 = arith.subf %neg3A_5, %get3A_1 : vector<4x160000xf32>
    %exp3A = math.exp %neg3A_6 : vector<4x160000xf32>
    %add3A = arith.constant 1.000000e+00 : f32
    %add3A_7 = vector.broadcast %add3A : f32 to vector<4x160000xf32>
    %add3A_8 = arith.addf %add3A_7, %exp3A : vector<4x160000xf32>
    %div3A = arith.constant 1.000000e+00 : f32
    %div3A_9 = vector.broadcast %div3A : f32 to vector<4x160000xf32>
    %div3A_10 = arith.divf %div3A_9, %add3A_8 : vector<4x160000xf32>
    %neg3A_11 = arith.constant 0.000000e+00 : f32
    %neg3A_12 = vector.broadcast %neg3A_11 : f32 to vector<4x160000xf32>
    %neg3A_13 = arith.subf %neg3A_12, %get3A_4 : vector<4x160000xf32>
    %exp3A_14 = math.exp %neg3A_13 : vector<4x160000xf32>
    %add3A_15 = arith.constant 1.000000e+00 : f32
    %add3A_16 = vector.broadcast %add3A_15 : f32 to vector<4x160000xf32>
    %add3A_17 = arith.addf %add3A_16, %exp3A_14 : vector<4x160000xf32>
    %div3A_18 = arith.constant 1.000000e+00 : f32
    %div3A_19 = vector.broadcast %div3A_18 : f32 to vector<4x160000xf32>
    %div3A_20 = arith.divf %div3A_19, %add3A_17 : vector<4x160000xf32>
    %add3A_21 = arith.constant 9.99999997E-7 : f32
    %add3A_22 = vector.broadcast %add3A_21 : f32 to vector<4x160000xf32>
    %add3A_23 = arith.addf %div3A_10, %add3A_22 : vector<4x160000xf32>
    %log3A = math.log %add3A_23 : vector<4x160000xf32>
    %sub3A = arith.constant 1.000000e+00 : f32
    %sub3A_24 = vector.broadcast %sub3A : f32 to vector<4x160000xf32>
    %sub3A_25 = arith.subf %sub3A_24, %div3A_20 : vector<4x160000xf32>
    %add3A_26 = arith.constant 9.99999997E-7 : f32
    %add3A_27 = vector.broadcast %add3A_26 : f32 to vector<4x160000xf32>
    %add3A_28 = arith.addf %sub3A_25, %add3A_27 : vector<4x160000xf32>
    %log3A_29 = math.log %add3A_28 : vector<4x160000xf32>
    %reduce_sum3A = vector.shape_cast %log3A : vector<4x160000xf32> to vector<1x4x160000xf32>
    %reduce_sum3A_30 = arith.constant dense<0.000000e+00> : vector<1xf32>
    %reduce_sum3A_31 = vector.multi_reduction <add>, %reduce_sum3A, %reduce_sum3A_30 [1, 2] : vector<1x4x160000xf32> to vector<1xf32>
    %reduce_sum3A_32 = vector.shape_cast %reduce_sum3A_31 : vector<1xf32> to vector<1x1x1xf32>
    %reduce_sum3A_33 = vector.extract %reduce_sum3A_32[0, 0, 0] : f32 from vector<1x1x1xf32>
    %reduce_sum3A_34 = vector.shape_cast %log3A_29 : vector<4x160000xf32> to vector<1x4x160000xf32>
    %reduce_sum3A_35 = arith.constant dense<0.000000e+00> : vector<1xf32>
    %reduce_sum3A_36 = vector.multi_reduction <add>, %reduce_sum3A_34, %reduce_sum3A_35 [1, 2] : vector<1x4x160000xf32> to vector<1xf32>
    %reduce_sum3A_37 = vector.shape_cast %reduce_sum3A_36 : vector<1xf32> to vector<1x1x1xf32>
    %reduce_sum3A_38 = vector.extract %reduce_sum3A_37[0, 0, 0] : f32 from vector<1x1x1xf32>
    %add3A_39 = arith.addf %reduce_sum3A_33, %reduce_sum3A_38 : f32
    %neg3A_40 = arith.constant 0.000000e+00 : f32
    %neg3A_41 = arith.subf %neg3A_40, %add3A_39 : f32
    %div3A_42 = arith.constant 6.400000e+05 : f32
    %div3A_43 = arith.divf %neg3A_41, %div3A_42 : f32
    %swap3A = arith.constant 0 : index
    %swap3A_44 = arith.constant 0 : index
    %swap3A_45 = memref.load %arg2[%swap3A, %swap3A_44] : memref<1x1xf32, #tpu.memory_space<smem>>
    memref.store %div3A_43, %arg2[%swap3A, %swap3A_44] : memref<1x1xf32, #tpu.memory_space<smem>>
    return
  }
}

</mosaic_0001>

<sc_bundles>
// kernel: kernel.4.cloned.1.call-start
scs
__scs_entry_jumppad:
0x0: {  	(pc) =	sbr.rel $0x88, $3  }
0x1: {  	(tag) =	ssettag $0x0;
	lr =	simm.s32 $0x1  }
0x2: {  	[smem:$0x3F9E] =	sst lr;
	_ =	strace $0xD0000000  }
0x3: {  	_ = 	snop  }
0x4: {  	_ = 	snop  }
0x5: {  	_ = 	snop  }
0x6: {  	_ = 	snop  }
0x7: {  	_ = 	snop  }
__scs_overlays_trampoline_lowered:
0x8: {  	[smem:$0x3FAD] =	sst s0  }
0x9: {  	[smem:$0x3FAE] =	sst s1  }
0xa: {  	[smem:$0x3FAF] =	sst s2  }
0xb: {  	[smem:$0x3FB0] =	sst s3  }
0xc: {  	[smem:$0x3FB1] =	sst s4  }
0xd: {  	[smem:$0x3FB2] =	sst s5  }
0xe: {  	[smem:$0x3FB3] =	sst s6  }
0xf: {  	[smem:$0x3FB4] =	sst s7  }
0x10: {  	[smem:$0x3FB5] =	sst s8  }
0x11: {  	[smem:$0x3FB6] =	sst s9;
	s0 =	simm.s32 @!p0 $0x0  }
0x12: {  	s1 =	sld [smem:$0x3F9C];
	s0 =	simm.s32 @p0 $0x1  }
0x13: {  	[smem:$0x3FB7] =	sst s0;
	s0 =	simm.s32 @!p1 $0x0  }
0x14: {  	s2 =	sld [smem:$0x3F9B];
	s0 =	simm.s32 @p1 $0x1  }
0x15: {  	[smem:$0x3FB8] =	sst s0;
	s0 =	simm.s32 @!p2 $0x0  }
0x16: {  	s3 =	sld [smem:$0x3FDB];
	s0 =	simm.s32 @p2 $0x1  }
0x17: {  	s4 =	simm.s32 $0x1BF5;
	[smem:$0x3FBA] =	sst s0  }
0x18: {  	s0 =	sld [smem:$0x3F9D];
	_ =	swait.ge [sflag:s4], $0x0  }
0x19: {  	s7 =	sld [smem:$0x3F9E]  }
0x1a: {  	s8 =	sadd.s32 $0xFFFFE003, lr  }
0x1b: {  	s9 =	sadd.s32 $0xFFFFFEF7, lr;
	s5 =	simm.s32 $0xFFFFFFFF;
	p2 =	slt.u32 s8, $0xFFFFF086  }
0x1c: {  	p1 =	slt.u32 s9, $0xF7A;
	s5 =	simm.s32 @!p2 $0x0  }
0x1d: {  	s5 =	simm.s32 @p1 $0x1;
	p0 =	seq.s32 s7, s2  }
0x1e: {  	s7 =	smul.u32 @!p0 $0xF7A, s2;
	p2 =	seq.s32 @!p0 s5, $0x0  }
0x1f: {  	s9 =	smul.u32 $0xF7A, s1;
	s8 =	simm.s32 @!p0 $0x1BF5;
	p2 =	por !p2, p0  }
0x20: {  	[sflag:s8] =	ssyncset.s32 @!p0 $0xFFFFF086;
	s6 =	sadd.s32 @!p0 s3, s7;
	s7 =	simm.s32 @!p0 $0x108  }
0x21: {  	s3 =	sadd.s32 s3, s9;
	s6 =	sadd.s32 @!p0 $0x88, s6;
	s7 =	simm.s32 @p2 $0x1082  }
0x22: {  	[simem:s7], [sflag:s8] =	dma.local @!p0 [hbm:s6], $0xF7A  }
0x23: {  	s9 =	sor.u32 $0xD0000000, s2;
	s6 =	simm.s32 $0x108;
	_ =	swait.ge @!p0 [sflag:s8], $0x0  }
0x24: {  	s3 =	sadd.s32 $0x88, s3;
	s6 =	simm.s32 @!p1 $0x1082;
	[sflag:s4] =	ssyncset.s32 $0xFFFFF086  }
0x25: {  	[simem:s6], [sflag:s4] =	dma.local [hbm:s3], $0xF7A  }
0x26: {  	[smem:$0x3F9E] =	sst s1;
	(tag) =	ssettag s2;
	_ =	strace s9  }
0x27: {  	s1 =	sld [smem:$0x3FAE]  }
0x28: {  	s2 =	sld [smem:$0x3FAF]  }
0x29: {  	s4 =	sld [smem:$0x3FB1]  }
0x2a: {  	p0 =	seq.s32 s5, $0x0;
	s5 =	sld [smem:$0x3FB2]  }
0x2b: {  	s6 =	sld [smem:$0x3FB3]  }
0x2c: {  	s7 =	sld [smem:$0x3FB4]  }
0x2d: {  	s3 =	simm.s32 $0x108;
	s8 =	sld [smem:$0x3FB5]  }
0x2e: {  	s3 =	simm.s32 @!p0 $0x1082;
	s9 =	sld [smem:$0x3FB6]  }
0x2f: {  	lr =	sadd.s32 s0, s3;
	s0 =	sld [smem:$0x3FAD]  }
0x30: {  	s3 =	sld [smem:$0x3FB0]  }
0x31: {  	[smem:$0x3FB9] =	sst s10  }
0x32: {  	s10 =	sld [smem:$0x3FB7];
	_ =	sdelay $0x3  }
0x33: {  	p0 =	seq.s32 s10, $0x1;
	s10 =	sld [smem:$0x3FB9];
	_ =	sdelay $0x3  }
0x34: {  	[smem:$0x3FB9] =	sst s10  }
0x35: {  	s10 =	sld [smem:$0x3FB8];
	_ =	sdelay $0x3  }
0x36: {  	p1 =	seq.s32 s10, $0x1;
	s10 =	sld [smem:$0x3FB9];
	_ =	sdelay $0x3  }
0x37: {  	[smem:$0x3FB9] =	sst s10  }
0x38: {  	s10 =	sld [smem:$0x3FBA]  }
0x39: {  	_ = 	snop;
	(pc) =	sbr.ind lr, $3  }
0x3a: {  	_ = 	snop  }
0x3b: {  	_ = 	snop  }
0x3c: {  	p2 =	seq.s32 s10, $0x1;
	s10 =	sld [smem:$0x3FB9]  }
0x3d: {  	_ =	shalt  }
0x3e: {  	_ =	shalt  }
0x3f: {  	_ =	shalt  }
0x40: {  	_ =	shalt  }
0x41: {  	_ =	shalt  }
0x42: {  	_ =	shalt  }
0x43: {  	_ =	shalt  }
0x44: {  	_ =	shalt  }
0x45: {  	_ =	shalt  }
0x46: {  	_ =	shalt  }
0x47: {  	_ =	shalt  }
0x48: {  	_ =	shalt  }
0x49: {  	_ =	shalt  }
0x4a: {  	_ =	shalt  }
0x4b: {  	_ =	shalt  }
0x4c: {  	_ =	shalt  }
0x4d: {  	_ =	shalt  }
0x4e: {  	_ =	shalt  }
0x4f: {  	_ =	shalt  }
0x50: {  	_ =	shalt  }
0x51: {  	_ =	shalt  }
0x52: {  	_ =	shalt  }
0x53: {  	_ =	shalt  }
0x54: {  	_ =	shalt  }
0x55: {  	_ =	shalt  }
0x56: {  	_ =	shalt  }
0x57: {  	_ =	shalt  }
0x58: {  	_ =	shalt  }
0x59: {  	_ =	shalt  }
0x5a: {  	_ =	shalt  }
0x5b: {  	_ =	shalt  }
0x5c: {  	_ =	shalt  }
0x5d: {  	_ =	shalt  }
0x5e: {  	_ =	shalt  }
0x5f: {  	_ =	shalt  }
0x60: {  	_ =	shalt  }
0x61: {  	_ =	shalt  }
0x62: {  	_ =	shalt  }
0x63: {  	_ =	shalt  }
0x64: {  	_ =	shalt  }
0x65: {  	_ =	shalt  }
0x66: {  	_ =	shalt  }
0x67: {  	_ =	shalt  }
0x68: {  	_ =	shalt  }
0x69: {  	_ =	shalt  }
0x6a: {  	_ =	shalt  }
0x6b: {  	_ =	shalt  }
0x6c: {  	_ =	shalt  }
0x6d: {  	_ =	shalt  }
0x6e: {  	_ =	shalt  }
0x6f: {  	_ =	shalt  }
0x70: {  	_ =	shalt  }
0x71: {  	_ =	shalt  }
0x72: {  	_ =	shalt  }
0x73: {  	_ =	shalt  }
0x74: {  	_ =	shalt  }
0x75: {  	_ =	shalt  }
0x76: {  	_ =	shalt  }
0x77: {  	_ =	shalt  }
0x78: {  	_ =	shalt  }
0x79: {  	_ =	shalt  }
0x7a: {  	_ =	shalt  }
0x7b: {  	_ =	shalt  }
0x7c: {  	_ =	shalt  }
0x7d: {  	_ =	shalt  }
0x7e: {  	_ =	shalt  }
0x7f: {  	_ =	shalt  }
0x80: {  	_ =	shalt  }
0x81: {  	_ =	shalt  }
0x82: {  	_ =	shalt  }
0x83: {  	_ =	shalt  }
0x84: {  	_ =	shalt  }
0x85: {  	_ =	shalt  }
0x86: {  	_ =	shalt  }
0x87: {  	_ =	shalt  }
.Lfunc_end0:
.L_simem_size_0:
called_computation_lowered:
.L_overlay_start_0:
0x88: {  	s2 =	sld [smem:$0x3FD9]  }
0x89: {  	s3 =	sld [smem:$0x3FFE];
	_ =	sdelay $0x1  }
0x8a: {  	s1 =	srdreg.scid  }
0x8b: {  	s0 =	sand.u32 $0x1, s1  }
0x8c: {  	s16 =	sshll.u32 s0, $0xA;
	s2 =	sadd.s32 s3, s2  }
0x8d: {  	s2 =	sadd.s32 s2, s16  }
0x8e: {  	[smem:$0x3FC5] =	sst s2  }
0x8f: {  	_ = 	snop  }
0x90: {  	(tm) =	ssettm $0x1  }
0x91: {  	s17 =	sld [smem:$0x3FFB];
	_ =	sdelay $0x3  }
0x92: {  	_ =	strace s17  }
0x93: {  	s2 =	sld [smem:$0x3FFC];
	_ =	sdelay $0x3  }
0x94: {  	_ =	strace s2  }
0x95: {  	s2 =	sld [smem:$0x3FFD];
	_ =	sdelay $0x3  }
0x96: {  	_ =	strace s2  }
0x97: {  	_ =	strace $0x8FFFFFFF  }
0x98: {  	s18 =	sld [smem:$0x3FDB];
	_ =	sdelay $0x1  }
0x99: {  	s19 =	simm.s32 $_scs_section_size  }
0x9a: {  	s4 =	simm.s32 $_size__tile_overlayer_lowered;
	s5 =	simm.s32 $_tile_overlayer_lowered  }
0x9b: {  	s22 =	simm.s32 $0x1BFF;
	s21 =	sshll.u32 s5, $0x1;
	s2 =	sadd.s32 s19, s18  }
0x9c: {  	s6 =	simm.s32 $0x0;
	s20 =	sshll.u32 s4, $0x1;
	s4 =	sadd.s32 s21, s2  }
0x9d: {  	[timem:s6], [sflag:s22] =	dma.local [hbm:s4], s20  }
0x9e: {  	_ =	swait.ge [sflag:s22], s20  }
0x9f: {  	s3 =	ssub.s32 $0x0, s20;
	[sflag:s22] =	ssyncset.done $0x0  }
0xa0: {  	[sflag:s22] =	ssyncadd.s32 s3;
	_ =	sdelay $0x1  }
0xa1: {  	s23 =	simm.s32 $0x1B8B  }
0xa2: {  	_ =	swait.ge [sflag:s23], $0x1  }
0xa3: {  	[sflag:s23] =	ssyncset.done $0x0  }
0xa4: {  	s25 =	simm.s32 $0x1B8E;
	s24 =	sld [smem:$0x3FFE];
	[sflag:s23] =	ssyncadd.s32 $0xFFFFFFFF  }
0xa5: {  	s26 =	simm.s32 $execute0_lowered;
	[smem:$0x3FD2] =	sst s25  }
0xa6: {  	s4 =	sshll.u32 s26, $0x1;
	_ =	strace $0x80000046;
	[dreg:$0x1] =	wrdreg $0xFFFFFFFF  }
0xa7: {  	s28 =	simm.s32 $_size_execute0_lowered;
	s2 =	sadd.s32 s2, s4;
	[dreg:$0x0] =	wrdreg $0x0  }
0xa8: {  	s4 =	sshll.u32 s28, $0x1;
	[dreg:$0x2] =	wrdreg s2  }
0xa9: {  	[dreg:$0x3] =	wrdreg s4  }
0xaa: {  	[dreg:$0x4] =	wrdreg $0xC0  }
0xab: {  	_ =	task [dreg:s6], $0x5FFFF  }
0xac: {  	[dreg:$0x1] =	wrdreg $0xFFFFFFFF  }
0xad: {  	[dreg:$0x0] =	wrdreg $0x60  }
0xae: {  	[dreg:$0x2] =	wrdreg s24  }
0xaf: {  	[dreg:$0x3] =	wrdreg $0x9  }
0xb0: {  	_ =	task.clear_ibuf [dreg:s6], $0x4FFFF;
	_ =	strace $0x90000046  }
0xb1: {  	s29 =	simm.s32 $0x9;
	_ =	strace $0x80000048  }
0xb2: {  	_ =	swait.ge [sflag:s29], $0x1  }
0xb3: {  	[sflag:s29] =	ssyncadd.s32 $0xFFFFFFFF  }
0xb4: {  	_ =	strace $0x90000048  }
0xb5: {  	_ =	sfence  }
0xb6: {  	s30 =	sld [smem:$0x0];
	_ =	sdelay $0x2  }
0xb7: {  	s31 =	sshll.u32 s1, $0xD;
	s1 =	sshrl.u32 s1, $0x2  }
0xb8: {  	s3 =	sand.u32 $0x4000, s31;
	s1 =	sadd.s32 s1, s30  }
0xb9: {  	s0 =	sor.u32 s3, s0;
	s1 =	sshll.u32 s1, $0x11  }
0xba: {  	s0 =	sor.u32 s1, s0  }
0xbb: {  	s0 =	sadd.s32 $0x8F2B, s0  }
0xbc: {  	[sflag:s0] =	ssyncadd.remote.s32 $0x1  }
0xbd: {  	_ =	sfence.sel $0xFFFF  }
0xbe: {  	[dreg:$0x0] =	wrdreg $0xFFFFFFFF;
	(pc) =	sbr.abs _section_cstart, $3  }
0xbf: {  	[dreg:$0x1] =	wrdreg $0xFFFFFFFF  }
0xc0: {  	_ =	task.clear_ibuf [dreg:s6], $0x2FFFF;
	_ =	strace $0x9FFFFFFF  }
0xc1: {  	(tm) =	ssettm $0x7FFFFFFF  }
tec
execute0_lowered:
.L_overlay_start_1:
0x0: {  	(tag) =	ssettag $0x1  }
0x1: {  	s0 =	rddreg [dreg:$0x0];
	s1 =	srdreg.scid  }
0x2: {  	s3 =	stileid.u32;
	s2 =	simm.s32 $0x0;
	s10 =	simm.s32 $0xD  }
0x3: {  	s12 =	simm.s32 $0x4;
	s1 =	sand.u32 $0x1, s1;
	s3 =	sshll.u32 s3, $0x1  }
0x4: {  	s14 =	simm.s32 $0x8;
	s30 =	simm.s32 $0xE;
	s4 =	sor.u32 s1, s3  }
0x5: {  	s31 =	simm.s32 $0xB;
	[smem:$0x7FF] =	sst s2;
	s8 =	smul.u32 $0x9C40, s4  }
0x6: {  	s5 =	sadd.s32 $0x9DE00, s0;
	s6 =	sadd.s32 $0xC5000, s0;
	s7 =	sadd.s32 $0xEC200, s0  }
0x7: {  	_ =	strace $0x80000047;
	s19 =	sadd.s32 $0x50, s8;
	[dreg:$0x2] =	wrdreg s8  }
0x8: {  	s3 =	sadd.s32 $0x1A00, s0;
	s20 =	sadd.s32 $0xA0, s8;
	[dreg:$0x4] =	wrdreg s19  }
0x9: {  	s1 =	ssub.s32 $0x2, s1;
	s21 =	sadd.s32 $0xF0, s8;
	[dreg:$0x6] =	wrdreg s20  }
0xa: {  	s17 =	sshrl.u32 s1, $0x1;
	s25 =	sadd.s32 $0x140, s8;
	[dreg:$0x8] =	wrdreg s21  }
0xb: {  	s0 =	ssub.s32 s1, s17;
	s26 =	sadd.s32 $0x190, s8;
	[dreg:$0xe] =	wrdreg s25  }
0xc: {  	s17 =	simm.s32 $0x14280;
	s28 =	sadd.s32 $0x1E0, s8;
	[dreg:$0xf] =	wrdreg s26  }
0xd: {  	s4 =	sshrl.u32 s8, $0x3;
	s29 =	sadd.s32 $0x230, s8;
	[dreg:$0x10] =	wrdreg s28  }
0xe: {  	s0 =	smax.u32 s0, $0x1;
	s8 =	simm.s32 $0x9;
	[dreg:$0x11] =	wrdreg s29  }
0xf: {  	s18 =	sadd.s32 s5, s4;
	s4 =	sadd.s32 s6, s4;
	[dreg:$0x12] =	wrdreg s0  }
0x10: {  	s1 =	sshrl.u32 s19, $0x3;
	s23 =	sshrl.u32 s21, $0x3;
	[dreg:$0x3] =	wrdreg s18  }
0x11: {  	s25 =	simm.s32 $0x50;
	[dreg:$0x5] =	wrdreg s4;
	s9 =	sadd.s32 s5, s1  }
0x12: {  	s0 =	simm.s32 $0xF;
	s1 =	sadd.s32 s6, s1;
	[dreg:$0x7] =	wrdreg s9  }
0x13: {  	s4 =	sshrl.u32 s20, $0x3;
	s24 =	sadd.s32 s5, s23;
	[dreg:$0x9] =	wrdreg s1  }
0x14: {  	s18 =	simm.s32 $0x11;
	s22 =	sadd.s32 s5, s4;
	[dreg:$0xc] =	wrdreg s24  }
0x15: {  	s4 =	sadd.s32 s6, s4;
	s1 =	sadd.s32 s6, s23;
	[dreg:$0xa] =	wrdreg s22  }
0x16: {  	s23 =	simm.s32 $0xA;
	s24 =	simm.s32 $0x10;
	[dreg:$0xb] =	wrdreg s4  }
0x17: {  	v0 =	vlaneseq.u32;
	s9 =	simm.s32 $0x0;
	[dreg:$0xd] =	wrdreg s1;
	s1 =	simm.s32 $0xC  }
.LBB2_1:
0x18: {  	[dreg:$0x13] =	wrdreg s9  }
0x19: {  	s4 =	rddreg [dreg:$0x3]  }
0x1a: {  	[tilespmem:s2], [sflag:$0x1] =	stream.linear.gather [hbm4b:s4+s2], $0x50, $0x38;
	[tilespmem:$0x142D0] =	vst v63  }
0x1b: {  	s28 =	rddreg [dreg:$0x5];
	s29 =	simm.s32 $0x140  }
0x1c: {  	[tilespmem:s29], [sflag:$0x5] =	stream.linear.gather [hbm4b:s28+s2], $0x50, $0x38;
	[tilespmem:$0x142D0] =	vst v63  }
0x1d: {  	s11 =	rddreg [dreg:$0x7]  }
0x1e: {  	[tilespmem:s25], [sflag:$0x2] =	stream.linear.gather [hbm4b:s11+s2], $0x50, $0x38;
	[tilespmem:$0x142D0] =	vst v63  }
0x1f: {  	s13 =	rddreg [dreg:$0x9];
	s11 =	simm.s32 $0x190  }
0x20: {  	[tilespmem:s11], [sflag:$0x6] =	stream.linear.gather [hbm4b:s13+s2], $0x50, $0x38;
	[tilespmem:$0x142D0] =	vst v63  }
0x21: {  	s15 =	rddreg [dreg:$0xa];
	s13 =	simm.s32 $0xA0  }
0x22: {  	[tilespmem:s13], [sflag:$0x3] =	stream.linear.gather [hbm4b:s15+s2], $0x50, $0x38;
	[tilespmem:$0x142D0] =	vst v63  }
0x23: {  	s16 =	rddreg [dreg:$0xb];
	s19 =	simm.s32 $0x1;
	s15 =	simm.s32 $0x1E0  }
0x24: {  	[tilespmem:s15], [sflag:$0x7] =	stream.linear.gather [hbm4b:s16+s2], $0x50, $0x38;
	[tilespmem:$0x142D0] =	vst v63  }
0x25: {  	_ =	swait.ge [sflag:s19], $0x50  }
0x26: {  	[sflag:s19] =	ssyncset.done $0x0  }
0x27: {  	s20 =	simm.s32 $0x5;
	[sflag:s19] =	ssyncadd.s32 $0xFFFFFFB0  }
0x28: {  	_ =	swait.ge [sflag:s20], $0x50  }
0x29: {  	[sflag:s20] =	ssyncset.done $0x0  }
0x2a: {  	s21 =	simm.s32 $0x280;
	[sflag:s20] =	ssyncadd.s32 $0xFFFFFFB0  }
0x2b: {  	[tilespmem:s21], [sflag:$0x9] =	stream.indirect.gather [hbm4b:s3+s25], $0x80, s2, s25, $0xb8;
	[tilespmem:$0x142D0] =	vst v63  }
0x2c: {  	s22 =	simm.s32 $0xA280;
	s26 =	simm.s32 $0x2  }
0x2d: {  	[tilespmem:s22], [sflag:$0xD] =	stream.indirect.gather [hbm4b:s3+s25], $0x80, s29, s25, $0xb8;
	[tilespmem:$0x142D0] =	vst v63  }
0x2e: {  	_ =	swait.ge [sflag:s26], $0x50  }
0x2f: {  	[sflag:s26] =	ssyncset.done $0x0  }
0x30: {  	s28 =	simm.s32 $0x6;
	[sflag:s26] =	ssyncadd.s32 $0xFFFFFFB0  }
0x31: {  	_ =	swait.ge [sflag:s28], $0x50  }
0x32: {  	[sflag:s28] =	ssyncset.done $0x0  }
0x33: {  	s29 =	simm.s32 $0x2A80;
	[sflag:s28] =	ssyncadd.s32 $0xFFFFFFB0  }
0x34: {  	[tilespmem:s29], [sflag:$0xA] =	stream.indirect.gather [hbm4b:s3+s25], $0x80, s25, s25, $0xb8;
	[tilespmem:$0x142D0] =	vst v63  }
0x35: {  	s9 =	simm.s32 $0xCA80;
	s16 =	simm.s32 $0x3  }
0x36: {  	[tilespmem:s9], [sflag:$0xE] =	stream.indirect.gather [hbm4b:s3+s25], $0x80, s11, s25, $0xb8;
	[tilespmem:$0x142D0] =	vst v63  }
0x37: {  	_ =	swait.ge [sflag:s16], $0x50  }
0x38: {  	[sflag:s16] =	ssyncset.done $0x0  }
0x39: {  	s19 =	simm.s32 $0x7;
	[sflag:s16] =	ssyncadd.s32 $0xFFFFFFB0  }
0x3a: {  	_ =	swait.ge [sflag:s19], $0x50  }
0x3b: {  	[sflag:s19] =	ssyncset.done $0x0  }
0x3c: {  	s20 =	simm.s32 $0x5280;
	[sflag:s19] =	ssyncadd.s32 $0xFFFFFFB0  }
0x3d: {  	[tilespmem:s20], [sflag:$0xB] =	stream.indirect.gather [hbm4b:s3+s25], $0x80, s13, s25, $0xb8;
	[tilespmem:$0x142D0] =	vst v63  }
0x3e: {  	s21 =	simm.s32 $0xF280  }
0x3f: {  	[tilespmem:s21], [sflag:$0xF] =	stream.indirect.gather [hbm4b:s3+s25], $0x80, s15, s25, $0xb8;
	[tilespmem:$0x142D0] =	vst v63  }
0x40: {  	s26 =	simm.s32 $0xF0;
	s22 =	rddreg [dreg:$0xc]  }
0x41: {  	[tilespmem:s26], [sflag:$0x4] =	stream.linear.gather [hbm4b:s22+s2], $0x50, $0x38;
	[tilespmem:$0x142D0] =	vst v63  }
0x42: {  	s29 =	simm.s32 $0x230;
	s28 =	rddreg [dreg:$0xd];
	s26 =	simm.s32 $0x0  }
0x43: {  	[tilespmem:s29], [sflag:$0x8] =	stream.linear.gather [hbm4b:s28+s2], $0x50, $0x38;
	[tilespmem:$0x142D0] =	vst v63  }
.LBB2_2:
0x44: {  	_ =	swait.ge [sflag:s8], $0x2800  }
0x45: {  	[sflag:s8] =	ssyncset.done $0x0  }
0x46: {  	p0 =	seq.s32 s26, $0x7C;
	[sflag:s8] =	ssyncadd.s32 $0xFFFFD800  }
0x47: {  	s4 =	smul.u32 @!p0 $0x140, s26;
	_ =	swait.ge [sflag:s10], $0x2800  }
0x48: {  	s9 =	rddreg [dreg:$0xe]  }
0x49: {  	s4 =	sadd.s32 @!p0 s4, s9  }
0x4a: {  	[sflag:s10] =	ssyncset.done $0x0;
	s4 =	sshrl.u32 @!p0 s4, $0x3  }
0x4b: {  	s11 =	simm.s32 @!p0 $0x0;
	[sflag:s10] =	ssyncadd.s32 $0xFFFFD800;
	s9 =	sadd.s32 @!p0 s5, s4  }
0x4c: {  	[tilespmem:s11], [sflag:$0x1] =	stream.linear.gather @!p0 [hbm4b:s9+s11], $0x50, $0x38;
	[tilespmem:$0x142D0] =	vst v63  }
0x4d: {  	s4 =	sadd.s32 @!p0 s6, s4;
	s9 =	simm.s32 @!p0 $0x140  }
0x4e: {  	[tilespmem:s9], [sflag:$0x5] =	stream.linear.gather @!p0 [hbm4b:s4+s11], $0x50, $0x38;
	[tilespmem:$0x142D0] =	vst v63  }
0x4f: {  	_ =	swait.ge [sflag:s12], $0x50  }
0x50: {  	[sflag:s12] =	ssyncset.done $0x0  }
0x51: {  	[sflag:s12] =	ssyncadd.s32 $0xFFFFFFB0  }
0x52: {  	s19 =	simm.s32 $0xF0;
	_ =	swait.ge [sflag:s14], $0x50  }
0x53: {  	s20 =	simm.s32 $0x7A80;
	s21 =	simm.s32 $0x230;
	[sflag:s14] =	ssyncset.done $0x0  }
0x54: {  	s22 =	simm.s32 $0x11A80;
	s15 =	simm.s32 $0x0;
	[sflag:s14] =	ssyncadd.s32 $0xFFFFFFB0  }
0x55: {  	[tilespmem:s20], [sflag:$0xC] =	stream.indirect.gather [hbm4b:s3+s25], $0x80, s19, s25, $0xb8;
	[tilespmem:$0x142D0] =	vst v63  }
0x56: {  	s16 =	simm.s32 $0xA380;
	s28 =	simm.s32 $0x380;
	s29 =	simm.s32 $0x0  }
0x57: {  	[tilespmem:s22], [sflag:$0x10] =	stream.indirect.gather [hbm4b:s3+s25], $0x80, s21, s25, $0xb8;
	[tilespmem:$0x142D0] =	vst v63  }
.LBB2_3:
0x58: {  	v5 =	vld [tilespmem:s28+$0x40]  }
0x59: {  	v2 =	vld [tilespmem:s28+$0xFFFFFF30]  }
0x5a: {  	v3 =	vld [tilespmem:s16+$0xFFFFFF30]  }
0x5b: {  	v4 =	vld [tilespmem:s28+$0xFFFFFF40]  }
0x5c: {  	v8 =	vld [tilespmem:s16+$0xFFFFFF40]  }
0x5d: {  	v9 =	vld [tilespmem:s28+$0xFFFFFF50]  }
0x5e: {  	v10 =	vld [tilespmem:s16+$0xFFFFFF50]  }
0x5f: {  	v11 =	vld [tilespmem:s28+$0xFFFFFF60]  }
0x60: {  	v12 =	vld [tilespmem:s16+$0xFFFFFF60]  }
0x61: {  	v13 =	vld [tilespmem:s28+$0xFFFFFF70]  }
0x62: {  	v14 =	vld [tilespmem:s16+$0xFFFFFF70]  }
0x63: {  	v7 =	vld [tilespmem:s16+$0xC0]  }
0x64: {  	v15 =	vld [tilespmem:s28+$0xFFFFFF00]  }
0x65: {  	v17 =	vld [tilespmem:s28+$0xFFFFFF90]  }
0x66: {  	v18 =	vld [tilespmem:s16+$0xFFFFFF90]  }
0x67: {  	v1 =	vld [tilespmem:s28+$0xFFFFFFA0]  }
0x68: {  	v19 =	vld [tilespmem:s16+$0xFFFFFFA0]  }
0x69: {  	v20 =	vld [tilespmem:s28+$0xFFFFFFB0]  }
0x6a: {  	v21 =	vld [tilespmem:s16+$0xFFFFFFB0]  }
0x6b: {  	v16 =	vld [tilespmem:s16+$0xFFFFFF80]  }
0x6c: {  	v6 =	vld [tilespmem:s16+$0xFFFFFFC0]  }
0x6d: {  	v33 =	vld [tilespmem:s16+$0x40]  }
0x6e: {  	v22 =	vld [tilespmem:s28+$0xFFFFFFD0];
	v19 =	vmul.bf16 v19, v1  }
0x6f: {  	v23 =	vld [tilespmem:s16+$0xFFFFFFD0];
	v20 =	vmul.bf16 v21, v20;
	v17 =	vmul.bf16 v18, v17  }
0x70: {  	v24 =	vld [tilespmem:s28+$0xFFFFFFE0];
	v9 =	vmul.bf16 v10, v9;
	v13 =	vmul.bf16 v14, v13  }
0x71: {  	v27 =	vld [tilespmem:s16+$0xFFFFFFF0];
	v11 =	vmul.bf16 v12, v11;
	v32 =	vmul.bf16 v3, v2  }
0x72: {  	v29 =	vld [tilespmem:s16+$0x70];
	v1 =	vimm.f32 $0.0e+00;
	v4 =	vmul.bf16 v8, v4;
	v5 =	vmul.bf16 v33, v5  }
0x73: {  	v30 =	vld [tilespmem:s16+$0xFFFFFF20];
	v25 =	vunpack.i.u.bf16.f32 v19;
	v19 =	vunpack.i.l.bf16.f32 v19;
	v26 =	vunpack.i.u.bf16.f32 v20  }
0x74: {  	v21 =	vld [tilespmem:s16+$0xFFFFFFE0];
	v10 =	vunpack.i.l.bf16.f32 v20;
	v20 =	vmul.bf16 v23, v22;
	v14 =	vunpack.i.l.bf16.f32 v9  }
0x75: {  	v18 =	vld [tilespmem:s28+$0xFFFFFFF0];
	v12 =	vunpack.i.l.bf16.f32 v13;
	v13 =	vunpack.i.u.bf16.f32 v13;
	v31 =	vunpack.i.u.bf16.f32 v11  }
0x76: {  	v56 =	vld [tilespmem:s28+$0x60];
	v11 =	vunpack.i.l.bf16.f32 v11;
	v2 =	vunpack.i.u.bf16.f32 v9;
	v54 =	vunpack.i.l.bf16.f32 v17  }
0x77: {  	v22 =	vld [tilespmem:s16+$0x0];
	v55 =	vunpack.i.u.bf16.f32 v32;
	v19 =	vadd.f32 v19, v25;
	v10 =	vadd.f32 v10, v26  }
0x78: {  	v9 =	vld [tilespmem:s28+$0xFFFFFF10];
	v17 =	vunpack.i.u.bf16.f32 v17;
	v11 =	vadd.f32 v11, v31;
	v8 =	vadd.f32 v12, v13  }
0x79: {  	v12 =	vadd.f32 v14, v2;
	v14 =	vld [tilespmem:s16+$0xFFFFFF00];
	v25 =	vunpack.i.u.bf16.f32 v20;
	v20 =	vunpack.i.l.bf16.f32 v20  }
0x7a: {  	v21 =	vmul.bf16 v21, v24;
	v18 =	vmul.bf16 v27, v18;
	v27 =	vld [tilespmem:s28+$0xFFFFFF20];
	v3 =	vadd.f32 v20, v25  }
0x7b: {  	v20 =	vld [tilespmem:s16+$0xFFFFFF10];
	v25 =	vunpack.i.u.bf16.f32 v4;
	v4 =	vunpack.i.l.bf16.f32 v4;
	v8 =	vadd.f32 v8, v11  }
0x7c: {  	v11 =	vld [tilespmem:s28+$0x0];
	v4 =	vadd.f32 v4, v25;
	v28 =	vunpack.i.l.bf16.f32 v21;
	v21 =	vunpack.i.u.bf16.f32 v21  }
0x7d: {  	v25 =	vld [tilespmem:s28+$0xFFFFFF80];
	v13 =	vunpack.i.u.bf16.f32 v18;
	v18 =	vunpack.i.l.bf16.f32 v18;
	v21 =	vadd.f32 v28, v21  }
0x7e: {  	v59 =	vld [tilespmem:s16+$0x60];
	v2 =	vmov s15;
	v12 =	vadd.f32 v12, v4;
	v4 =	vadd.f32 v18, v13  }
0x7f: {  	v26 =	vld [tilespmem:s28+$0x30];
	v17 =	vadd.f32 v54, v17;
	v10 =	vadd.f32 v10, v19;
	v14 =	vmul.bf16 v14, v15  }
0x80: {  	v24 =	vld [tilespmem:s28+$0x20];
	v27 =	vmul.bf16 v30, v27;
	v9 =	vmul.bf16 v20, v9;
	v4 =	vadd.f32 v4, v21  }
0x81: {  	v19 =	vld [tilespmem:s16+$0x50];
	v11 =	vmul.bf16 v22, v11;
	v34 =	vadd.f32 v8, v12;
	v12 =	vunpack.i.l.bf16.f32 v14  }
0x82: {  	v13 =	vld [tilespmem:s16+$0x20];
	v16 =	vmul.bf16 v16, v25;
	v25 =	vunpack.i.l.bf16.f32 v32;
	v18 =	vunpack.i.u.bf16.f32 v27  }
0x83: {  	v20 =	vld [tilespmem:s28+$0x50];
	v15 =	vunpack.i.l.bf16.f32 v27;
	v21 =	vunpack.i.l.bf16.f32 v9;
	v9 =	vunpack.i.u.bf16.f32 v9  }
0x84: {  	v22 =	vld [tilespmem:s28+$0x70];
	v25 =	vadd.f32 v25, v55;
	v58 =	vunpack.i.u.bf16.f32 v11;
	v11 =	vunpack.i.l.bf16.f32 v11  }
0x85: {  	v27 =	vld [tilespmem:s16+$0x30];
	v15 =	vadd.f32 v15, v18;
	v18 =	vunpack.i.u.bf16.f32 v14;
	v57 =	vunpack.i.u.bf16.f32 v16  }
0x86: {  	v23 =	vld [tilespmem:s16+$0x10];
	v16 =	vunpack.i.l.bf16.f32 v16;
	v11 =	vadd.f32 v11, v58;
	v9 =	vadd.f32 v21, v9  }
0x87: {  	v14 =	vld [tilespmem:s28+$0x10];
	v13 =	vmul.bf16 v13, v24;
	v8 =	vadd.f32 v16, v57;
	v12 =	vadd.f32 v12, v18  }
0x88: {  	v60 =	vld [tilespmem:s16+$0x90];
	v18 =	vmul.bf16 v59, v56;
	v16 =	vmul.bf16 v19, v20;
	v15 =	vadd.f32 v25, v15  }
0x89: {  	v19 =	vld [tilespmem:s28+$0xC0];
	v25 =	vunpack.i.u.bf16.f32 v13;
	v13 =	vunpack.i.l.bf16.f32 v13;
	v8 =	vadd.f32 v17, v8  }
0x8a: {  	v62 =	vld [tilespmem:s28+$0x80];
	v17 =	vmul.bf16 v29, v22;
	v13 =	vadd.f32 v13, v25;
	v21 =	vmul.bf16 v27, v26  }
0x8b: {  	v20 =	vld [tilespmem:s16+$0xB0];
	v12 =	vadd.f32 v9, v12;
	v27 =	vunpack.i.l.bf16.f32 v16;
	v16 =	vunpack.i.u.bf16.f32 v16  }
0x8c: {  	v22 =	vld [tilespmem:s28+$0xB0];
	v14 =	vmul.bf16 v23, v14;
	v26 =	vunpack.i.u.bf16.f32 v21;
	v21 =	vunpack.i.l.bf16.f32 v21  }
0x8d: {  	v24 =	vunpack.i.l.bf16.f32 v17;
	v23 =	vld [tilespmem:s28+$0x90];
	v17 =	vunpack.i.u.bf16.f32 v17;
	v21 =	vadd.f32 v21, v26  }
0x8e: {  	v26 =	vld [tilespmem:s16+$0x80];
	v61 =	vmul.bf16 v7, v19;
	v7 =	vadd.f32 v10, v8;
	v8 =	vunpack.i.l.bf16.f32 v14  }
0x8f: {  	v19 =	vunpack.i.u.bf16.f32 v18;
	v10 =	vadd.f32 v27, v16;
	v16 =	vunpack.i.l.bf16.f32 v18;
	v18 =	vld [tilespmem:s28+$0xFFFFFFC0]  }
0x90: {  	v63 =	vld [tilespmem:s16+$0xA0];
	v9 =	vunpack.i.u.bf16.f32 v14;
	v14 =	vadd.f32 v24, v17;
	v16 =	vadd.f32 v16, v19  }
0x91: {  	v19 =	vld [tilespmem:s28+$0xA0];
	v17 =	vadd.f32 v8, v9;
	v20 =	vmul.bf16 v20, v22;
	v8 =	vadd.f32 v21, v13  }
0x92: {  	v13 =	vadd.f32 v15, v12;
	v23 =	vmul.bf16 v60, v23;
	v9 =	vadd.f32 v14, v16  }
0x93: {  	v12 =	vadd.f32 v17, v11;
	v11 =	vunpack.i.l.bf16.f32 v20;
	v16 =	vunpack.i.u.bf16.f32 v20  }
0x94: {  	v22 =	vld [tilespmem:s16+$0xD0];
	v25 =	vadd.f32 v34, v13;
	v14 =	vmul.bf16 v26, v62;
	v17 =	vmul.bf16 v6, v18  }
0x95: {  	v6 =	vunpack.i.u.bf16.f32 v5;
	v26 =	vld [tilespmem:s28+$0xD0];
	v13 =	vunpack.i.l.bf16.f32 v23;
	v15 =	vunpack.i.u.bf16.f32 v23  }
0x96: {  	v18 =	vld [tilespmem:s16+$0xE0];
	v24 =	vmul.bf16 v63, v19;
	v21 =	vunpack.i.u.bf16.f32 v14;
	v14 =	vunpack.i.l.bf16.f32 v14  }
0x97: {  	v5 =	vunpack.i.l.bf16.f32 v5;
	v23 =	vunpack.i.l.bf16.f32 v61;
	v14 =	vadd.f32 v14, v21;
	v21 =	vld [tilespmem:s28+$0xE0]  }
0x98: {  	v19 =	vadd.f32 v5, v6;
	(xrf2) =	vadd.scan.msk.f32 $0xffff, v25;
	v20 =	vunpack.i.u.bf16.f32 v24;
	v5 =	vunpack.i.l.bf16.f32 v24  }
0x99: {  	s9 =	sshll.u32 s29, $0x4;
	s13 =	simm.s32 $0x4;
	v25 =	vunpack.i.l.bf16.f32 v17;
	v6 =	vadd.f32 v5, v20;
	v5 =	vunpack.i.u.bf16.f32 v61;
	v20 =	vld [tilespmem:s16+$0xF0]  }
0x9a: {  	s4 =	sadd.s32 $0x200, s28;
	s19 =	smov.u32 s16;
	s11 =	simm.s32 $0x0;
	v24 =	vunpack.i.u.bf16.f32 v17;
	v17 =	vadd.f32 v23, v5;
	v23 =	vmul.bf16 v22, v26;
	v22 =	vld [tilespmem:s28+$0xF0]  }
.LBB2_4:
0x9b: {  	p1 =	slt.u32 s13, $0xC  }
0x9c: {  	v5 =	vld [tilespmem:s4+$0x40];
	v24 =	vadd.f32 v25, v24;
	v25 =	vadd.f32 v8, v12;
	v18 =	vmul.bf16 v18, v21;
	s19 =	sadd.s32 $0x200, s19;
	s20 =	smov.u32 s13;
	s13 =	sadd.s32 $0x4, s13  }
0x9d: {  	v12 =	vadd.f32 v13, v15;
	v13 =	vadd.f32 v11, v16;
	v8 =	vld [tilespmem:s4+$0xFFFFFF30];
	v15 =	vunpack.i.l.bf16.f32 v23  }
0x9e: {  	v16 =	vadd.f32 v10, v19;
	v19 =	vunpack.i.u.bf16.f32 v23;
	v11 =	vld [tilespmem:s19+$0xFFFFFF30];
	v3 =	vadd.f32 v3, v24  }
0x9f: {  	v14 =	vadd.f32 v12, v14;
	v15 =	vadd.f32 v15, v19;
	v19 =	vunpack.i.l.bf16.f32 v18;
	v10 =	vld [tilespmem:s4+$0xFFFFFF40]  }
0xa0: {  	v12 =	vld [tilespmem:s19+$0xFFFFFF40];
	v3 =	vadd.f32 v4, v3;
	v4 =	vunpack.i.u.bf16.f32 v18;
	v18 =	vmul.bf16 v20, v22  }
0xa1: {  	v15 =	vadd.f32 v15, v17;
	v20 =	vld [tilespmem:s4+$0xFFFFFF50]  }
0xa2: {  	v17 =	vld [tilespmem:s19+$0xFFFFFF50];
	v3 =	vadd.f32 v3, v7;
	v7 =	vadd.f32 v9, v16;
	v9 =	vunpack.i.u.bf16.f32 v18;
	v16, _, _ =	vpop (xrf2)  }
0xa3: {  	v4 =	vadd.f32 v19, v4;
	v18 =	vunpack.i.l.bf16.f32 v18;
	v21 =	vld [tilespmem:s4+$0xFFFFFF60];
	v16 =	vbroadcast v16, $0xF  }
0xa4: {  	v19 =	vld [tilespmem:s19+$0xFFFFFF60];
	v22 =	vadd.f32 v7, v25;
	v7 =	vadd.f32 v18, v9;
	(xrf2) =	vadd.scan.msk.f32 $0xffff, v3  }
0xa5: {  	v3 =	vld [tilespmem:s4+$0xFFFFFF70]  }
0xa6: {  	v6 =	vadd.f32 v13, v6;
	v18 =	vld [tilespmem:s19+$0xFFFFFF70];
	v9 =	vadd.f32 v7, v4  }
0xa7: {  	v7 =	vld [tilespmem:s19+$0xC0];
	(xrf2) =	vadd.scan.msk.f32 $0xffff, v22  }
0xa8: {  	v6 =	vadd.f32 v6, v14;
	v4 =	vld [tilespmem:s4+$0xFFFFFF00];
	v13 =	vadd.f32 v9, v15  }
0xa9: {  	v9 =	vld [tilespmem:s19+$0xFFFFFF80]  }
0xaa: {  	v14 =	vld [tilespmem:s4+$0xFFFFFF90];
	v6 =	vadd.f32 v13, v6  }
0xab: {  	v13 =	vld [tilespmem:s19+$0xFFFFFF90]  }
0xac: {  	v15 =	vld [tilespmem:s4+$0xFFFFFFA0];
	(xrf2) =	vadd.scan.msk.f32 $0xffff, v6  }
0xad: {  	v22 =	vld [tilespmem:s19+$0xFFFFFFA0]  }
0xae: {  	s21 =	sadd.s32 $0x1, s11;
	v23 =	vld [tilespmem:s4+$0xFFFFFFB0];
	v6, _, _ =	vpop (xrf2)  }
0xaf: {  	vm0 =	veq.s32 v2, v0;
	v2 =	vmov s21;
	v24 =	vld [tilespmem:s19+$0xFFFFFFB0];
	v25 =	vbroadcast v6, $0xF  }
0xb0: {  	v1 =	vsel vm0, v16, v1;
	vm0 =	veq.s32 v2, v0;
	v6 =	vld [tilespmem:s19+$0xFFFFFFC0]  }
0xb1: {  	v2 =	vld [tilespmem:s4+$0xFFFFFFD0];
	v1 =	vsel vm0, v25, v1;
	v16, _, _ =	vpop (xrf2)  }
0xb2: {  	s21 =	sadd.s32 $0x2, s11;
	v25 =	vld [tilespmem:s19+$0xFFFFFFD0]  }
0xb3: {  	v26 =	vmov s21;
	v15 =	vmul.bf16 v22, v15;
	v16 =	vbroadcast v16, $0xF;
	v22 =	vld [tilespmem:s4+$0xFFFFFFE0]  }
0xb4: {  	vm0 =	veq.s32 v26, v0;
	v23 =	vmul.bf16 v24, v23;
	v24 =	vld [tilespmem:s19+$0xFFFFFFE0]  }
0xb5: {  	s21 =	sadd.s32 $0x3, s11;
	s11 =	smov.u32 s20;
	v13 =	vmul.bf16 v13, v14;
	v14 =	vunpack.i.u.bf16.f32 v15;
	v1 =	vsel vm0, v16, v1;
	v26 =	vld [tilespmem:s4+$0xFFFFFFF0]  }
0xb6: {  	v28 =	vmov s21;
	v15 =	vunpack.i.l.bf16.f32 v15;
	v16 =	vunpack.i.u.bf16.f32 v23;
	v27 =	vld [tilespmem:s19+$0xFFFFFFF0];
	v29, _, _ =	vpop (xrf2)  }
0xb7: {  	v17 =	vmul.bf16 v17, v20;
	v20 =	vunpack.i.l.bf16.f32 v23;
	v2 =	vmul.bf16 v25, v2;
	v23 =	vld [tilespmem:s19+$0x0]  }
0xb8: {  	vm0 =	veq.s32 v28, v0;
	v14 =	vadd.f32 v15, v14;
	v15 =	vadd.f32 v20, v16;
	v16 =	vld [tilespmem:s19+$0x10]  }
0xb9: {  	v3 =	vmul.bf16 v18, v3;
	v20 =	vunpack.i.l.bf16.f32 v17;
	v18 =	vmul.bf16 v24, v22;
	v22 =	vld [tilespmem:s4+$0x20]  }
0xba: {  	v28 =	vbroadcast v29, $0xF;
	v24 =	vunpack.i.u.bf16.f32 v2;
	v2 =	vunpack.i.l.bf16.f32 v2;
	v25 =	vld [tilespmem:s4+$0x30]  }
0xbb: {  	v19 =	vmul.bf16 v19, v21;
	v21 =	vunpack.i.l.bf16.f32 v3;
	v29 =	vunpack.i.l.bf16.f32 v18;
	v30 =	vld [tilespmem:s19+$0x70]  }
0xbc: {  	v31 =	vunpack.i.u.bf16.f32 v3;
	v1 =	vsel vm0, v28, v1;
	v18 =	vunpack.i.u.bf16.f32 v18;
	v32 =	vld [tilespmem:s4+$0x60]  }
0xbd: {  	v3 =	vunpack.i.u.bf16.f32 v19;
	v19 =	vunpack.i.l.bf16.f32 v19;
	v26 =	vmul.bf16 v27, v26;
	v28 =	vld [tilespmem:s19+$0xFFFFFF20]  }
0xbe: {  	v8 =	vmul.bf16 v11, v8;
	v11 =	vadd.f32 v19, v3;
	v3 =	vadd.f32 v2, v24;
	v27 =	vld [tilespmem:s4+$0xFFFFFF20]  }
0xbf: {  	v10 =	vmul.bf16 v12, v10;
	v12 =	vadd.f32 v21, v31;
	v2 =	vunpack.i.u.bf16.f32 v17;
	v19 =	vld [tilespmem:s19+$0xFFFFFF10]  }
0xc0: {  	v20 =	vadd.f32 v20, v2;
	v2 =	vmov s11;
	v21 =	vunpack.i.u.bf16.f32 v26;
	v17 =	vld [tilespmem:s4+$0xFFFFFF10]  }
0xc1: {  	v31 =	vunpack.i.u.bf16.f32 v10;
	v10 =	vunpack.i.l.bf16.f32 v10;
	v26 =	vunpack.i.l.bf16.f32 v26;
	v24 =	vld [tilespmem:s19+$0xFFFFFF00]  }
0xc2: {  	v10 =	vadd.f32 v10, v31;
	v33 =	vunpack.i.l.bf16.f32 v13;
	v18 =	vadd.f32 v29, v18;
	v31 =	vld [tilespmem:s4+$0xFFFFFF80]  }
0xc3: {  	v11 =	vadd.f32 v12, v11;
	v27 =	vmul.bf16 v28, v27;
	v28 =	vunpack.i.u.bf16.f32 v8;
	v12 =	vld [tilespmem:s4+$0x0]  }
0xc4: {  	v13 =	vunpack.i.u.bf16.f32 v13;
	v10 =	vadd.f32 v20, v10;
	v20 =	vadd.f32 v26, v21;
	v21 =	vld [tilespmem:s19+$0x20]  }
0xc5: {  	v14 =	vadd.f32 v15, v14;
	v17 =	vmul.bf16 v19, v17;
	v19 =	vunpack.i.u.bf16.f32 v27;
	v15 =	vld [tilespmem:s19+$0x50]  }
0xc6: {  	v26 =	vunpack.i.l.bf16.f32 v27;
	v24 =	vmul.bf16 v24, v4;
	v4 =	vadd.f32 v20, v18;
	v18 =	vld [tilespmem:s4+$0x50]  }
0xc7: {  	v19 =	vadd.f32 v26, v19;
	v20 =	vunpack.i.l.bf16.f32 v17;
	v9 =	vmul.bf16 v9, v31;
	v26 =	vld [tilespmem:s19+$0x30]  }
0xc8: {  	v8 =	vunpack.i.l.bf16.f32 v8;
	v27 =	vunpack.i.u.bf16.f32 v24;
	v12 =	vmul.bf16 v23, v12;
	v23 =	vld [tilespmem:s4+$0x70]  }
0xc9: {  	v17 =	vunpack.i.u.bf16.f32 v17;
	v29 =	vunpack.i.u.bf16.f32 v9;
	v9 =	vunpack.i.l.bf16.f32 v9;
	v31 =	vld [tilespmem:s19+$0x40]  }
0xca: {  	v13 =	vadd.f32 v33, v13;
	v8 =	vadd.f32 v8, v28;
	v28 =	vunpack.i.u.bf16.f32 v12;
	v33 =	vld [tilespmem:s19+$0x60]  }
0xcb: {  	v34 =	vadd.f32 v11, v10;
	v9 =	vadd.f32 v9, v29;
	v10 =	vunpack.i.l.bf16.f32 v12;
	v11 =	vld [tilespmem:s4+$0xC0]  }
0xcc: {  	v12 =	vunpack.i.l.bf16.f32 v24;
	v24 =	vadd.f32 v10, v28;
	v15 =	vmul.bf16 v15, v18;
	v10 =	vld [tilespmem:s4+$0x10]  }
0xcd: {  	v18 =	vadd.f32 v8, v19;
	v8 =	vadd.f32 v13, v9;
	v9 =	vmul.bf16 v30, v23;
	v13 =	vld [tilespmem:s19+$0xB0]  }
0xce: {  	v17 =	vadd.f32 v20, v17;
	v19 =	vmul.bf16 v21, v22;
	v20 =	vmul.bf16 v26, v25;
	v21 =	vld [tilespmem:s4+$0xB0]  }
0xcf: {  	v12 =	vadd.f32 v12, v27;
	v22 =	vmul.bf16 v33, v32;
	v23 =	vunpack.i.l.bf16.f32 v9;
	v25 =	vld [tilespmem:s19+$0xA0]  }
0xd0: {  	v26 =	vunpack.i.u.bf16.f32 v19;
	v28 =	vunpack.i.l.bf16.f32 v15;
	v27 =	vunpack.i.u.bf16.f32 v20;
	v29 =	vld [tilespmem:s19+$0x90]  }
0xd1: {  	v16 =	vmul.bf16 v16, v10;
	v10 =	vunpack.i.l.bf16.f32 v19;
	v19 =	vunpack.i.l.bf16.f32 v20;
	v20 =	vld [tilespmem:s4+$0x90]  }
0xd2: {  	v15 =	vunpack.i.u.bf16.f32 v15;
	v30 =	vmul.bf16 v7, v11;
	v19 =	vadd.f32 v19, v27;
	v27 =	vld [tilespmem:s19+$0x80]  }
0xd3: {  	v7 =	vadd.f32 v14, v8;
	v11 =	vunpack.i.u.bf16.f32 v22;
	v8 =	vunpack.i.l.bf16.f32 v16;
	v14 =	vld [tilespmem:s4+$0x80]  }
0xd4: {  	v26 =	vadd.f32 v10, v26;
	v10 =	vadd.f32 v28, v15;
	v15 =	vunpack.i.l.bf16.f32 v22;
	v22 =	vld [tilespmem:s4+$0xA0]  }
0xd5: {  	v5 =	vmul.bf16 v31, v5;
	v9 =	vunpack.i.u.bf16.f32 v9;
	v11 =	vadd.f32 v15, v11;
	v28 =	vld [tilespmem:s4+$0xFFFFFFC0]  }
0xd6: {  	v12 =	vadd.f32 v17, v12;
	v9 =	vadd.f32 v23, v9;
	v15 =	vunpack.i.u.bf16.f32 v16  }
0xd7: {  	v17 =	vmul.bf16 v13, v21;
	v15 =	vadd.f32 v8, v15;
	v16 =	vmul.bf16 v29, v20;
	v23 =	vld [tilespmem:s19+$0xD0]  }
0xd8: {  	v8 =	vadd.f32 v19, v26;
	v9 =	vadd.f32 v9, v11;
	v14 =	vmul.bf16 v27, v14;
	v26 =	vld [tilespmem:s4+$0xD0]  }
0xd9: {  	v13 =	vadd.f32 v18, v12;
	v11 =	vunpack.i.l.bf16.f32 v17;
	v12 =	vadd.f32 v15, v24  }
0xda: {  	v27 =	vmul.bf16 v6, v28;
	v6 =	vunpack.i.u.bf16.f32 v5;
	v19 =	vunpack.i.u.bf16.f32 v14  }
0xdb: {  	v20 =	vadd.f32 v34, v13;
	v13 =	vunpack.i.l.bf16.f32 v16;
	v22 =	vmul.bf16 v25, v22;
	v18 =	vld [tilespmem:s19+$0xE0]  }
.Ltmp0:
0xdc: {  	v15 =	vunpack.i.u.bf16.f32 v16;
	v16 =	vunpack.i.u.bf16.f32 v17;
	v14 =	vunpack.i.l.bf16.f32 v14;
	v21 =	vld [tilespmem:s4+$0xE0];
	(pc) =	sbr.rel @p1 .LBB2_4-.Ltmp0, $4  }
0xdd: {  	v5 =	vunpack.i.l.bf16.f32 v5;
	v14 =	vadd.f32 v14, v19;
	v17 =	vunpack.i.u.bf16.f32 v22;
	(xrf2) =	vadd.scan.msk.f32 $0xffff, v20  }
0xde: {  	v19 =	vadd.f32 v5, v6;
	v5 =	vunpack.i.l.bf16.f32 v22;
	v22 =	vunpack.i.l.bf16.f32 v30  }
0xdf: {  	v24 =	vunpack.i.u.bf16.f32 v27;
	v6 =	vadd.f32 v5, v17;
	v5 =	vunpack.i.u.bf16.f32 v30;
	v20 =	vld [tilespmem:s19+$0xF0]  }
0xe0: {  	v25 =	vunpack.i.l.bf16.f32 v27;
	v17 =	vadd.f32 v22, v5;
	v23 =	vmul.bf16 v23, v26;
	v22 =	vld [tilespmem:s4+$0xF0];
	s4 =	sadd.s32 $0x200, s4  }
0xe1: {  	_ = 	snop  }
0xe2: {  	v5 =	vadd.f32 v25, v24  }
0xe3: {  	v8 =	vadd.f32 v8, v12;
	v52 =	vmul.bf16 v18, v21;
	v13 =	vadd.f32 v13, v15  }
0xe4: {  	v11 =	vadd.f32 v11, v16;
	v54 =	vadd.f32 v10, v19;
	v53 =	vunpack.i.l.bf16.f32 v23  }
0xe5: {  	v55 =	vunpack.i.u.bf16.f32 v23;
	v3 =	vadd.f32 v3, v5;
	v56 =	vmul.bf16 v20, v22  }
0xe6: {  	v13 =	vadd.f32 v13, v14;
	v10 =	vadd.f32 v53, v55;
	v57 =	vunpack.i.l.bf16.f32 v52  }
0xe7: {  	v12 =	vunpack.i.u.bf16.f32 v52;
	v58 =	vunpack.i.u.bf16.f32 v56;
	v16 =	vunpack.i.l.bf16.f32 v56  }
0xe8: {  	v12 =	vadd.f32 v57, v12;
	v59 =	vadd.f32 v16, v58  }
0xe9: {  	v6 =	vadd.f32 v11, v6;
	v3 =	vadd.f32 v4, v3  }
0xea: {  	v60 =	vadd.f32 v10, v17;
	v61 =	vadd.f32 v59, v12  }
0xeb: {  	v5 =	vadd.f32 v9, v54;
	v3 =	vadd.f32 v3, v7  }
0xec: {  	v6 =	vadd.f32 v6, v13;
	v4 =	vadd.f32 v61, v60  }
0xed: {  	v5 =	vadd.f32 v5, v8;
	(xrf2) =	vadd.scan.msk.f32 $0xffff, v3  }
0xee: {  	v3 =	vadd.f32 v4, v6  }
0xef: {  	(xrf2) =	vadd.scan.msk.f32 $0xffff, v5  }
0xf0: {  	(xrf2) =	vadd.scan.msk.f32 $0xffff, v3;
	_ =	sdelay $0x4  }
0xf1: {  	s4 =	sadd.s32 $0x1, s11  }
0xf2: {  	vm0 =	veq.s32 v2, v0;
	v2 =	vmov s4;
	v3, _, _ =	vpop (xrf2)  }
0xf3: {  	v3 =	vbroadcast v3, $0xF;
	v62, _, _ =	vpop (xrf2)  }
0xf4: {  	s29 =	sadd.s32 $0x1, s29;
	v4 =	vbroadcast v62, $0xF  }
0xf5: {  	s21 =	sadd.s32 $0x2, s11;
	p1 =	sne.s32 s29, $0x5;
	vm13 =	veq.s32 v2, v0;
	v2, _, _ =	vpop (xrf2);
	v1 =	vsel vm0, v3, v1  }
.Ltmp1:
0xf6: {  	s22 =	sadd.s32 $0x3, s11;
	v3 =	vmov s21;
	v2 =	vbroadcast v2, $0xF;
	v1 =	vsel vm13, v4, v1;
	v63, _, _ =	vpop (xrf2);
	(pc) =	sbr.rel @p1 .LBB2_3-.Ltmp1, $4  }
0xf7: {  	vm14 =	veq.s32 v3, v0;
	v3 =	vmov s22;
	v4 =	vbroadcast v63, $0xF  }
0xf8: {  	v1 =	vsel vm14, v2, v1;
	vm15 =	veq.s32 v3, v0  }
0xf9: {  	v1 =	vsel vm15, v4, v1  }
0xfa: {  	s16 =	sadd.s32 $0x800, s16;
	s28 =	sadd.s32 $0x800, s28;
	[tilespmem:s9+$0x14280] =	vst v1  }
0xfb: {  	s15 =	smul.u32 $0x140, s26  }
0xfc: {  	s4 =	rddreg [dreg:$0x2]  }
0xfd: {  	s4 =	sadd.s32 s4, s15  }
0xfe: {  	s4 =	sshrl.u32 s4, $0x3  }
0xff: {  	s4 =	sadd.s32 s7, s4  }
0x100: {  	[hbm4b:s4+s2] =	stream.linear.scatter [tilespmem:s17], [sflag:$0x11], $0x50, $0x38;
	[tilespmem:$0x142D0] =	vst v63  }
0x101: {  	_ =	swait.ge [sflag:s18], $0x50  }
0x102: {  	[sflag:s18] =	ssyncset.done $0x0  }
0x103: {  	[sflag:s18] =	ssyncadd.s32 $0xFFFFFFB0  }
0x104: {  	_ =	swait.ge [sflag:s23], $0x2800  }
0x105: {  	[sflag:s23] =	ssyncset.done $0x0  }
0x106: {  	[sflag:s23] =	ssyncadd.s32 $0xFFFFD800  }
0x107: {  	_ =	swait.ge [sflag:s30], $0x2800  }
0x108: {  	s4 =	rddreg [dreg:$0xf]  }
0x109: {  	s4 =	sadd.s32 @!p0 s15, s4  }
0x10a: {  	s11 =	simm.s32 @!p0 $0x0;
	[sflag:s30] =	ssyncset.done $0x0;
	s4 =	sshrl.u32 @!p0 s4, $0x3  }
0x10b: {  	s13 =	simm.s32 @!p0 $0x50;
	[sflag:s30] =	ssyncadd.s32 $0xFFFFD800;
	s9 =	sadd.s32 @!p0 s5, s4  }
0x10c: {  	[tilespmem:s13], [sflag:$0x2] =	stream.linear.gather @!p0 [hbm4b:s9+s11], $0x50, $0x38;
	[tilespmem:$0x142D0] =	vst v63  }
0x10d: {  	s4 =	sadd.s32 @!p0 s6, s4;
	s9 =	simm.s32 @!p0 $0x190  }
0x10e: {  	[tilespmem:s9], [sflag:$0x6] =	stream.linear.gather @!p0 [hbm4b:s4+s11], $0x50, $0x38;
	[tilespmem:$0x142D0] =	vst v63  }
0x10f: {  	s4 =	simm.s32 @!p0 $0x1  }
0x110: {  	_ =	swait.ge @!p0 [sflag:s4], $0x50  }
0x111: {  	[sflag:s4] =	ssyncset.done @!p0 $0x0  }
0x112: {  	[sflag:s4] =	ssyncadd.s32 @!p0 $0xFFFFFFB0;
	s4 =	simm.s32 @!p0 $0x5  }
0x113: {  	_ =	swait.ge @!p0 [sflag:s4], $0x50  }
0x114: {  	[sflag:s4] =	ssyncset.done @!p0 $0x0  }
0x115: {  	[sflag:s4] =	ssyncadd.s32 @!p0 $0xFFFFFFB0;
	s4 =	simm.s32 @!p0 $0x280  }
0x116: {  	[tilespmem:s4], [sflag:$0x9] =	stream.indirect.gather @!p0 [hbm4b:s3+s13], $0x80, s11, s13, $0xb8;
	[tilespmem:$0x142D0] =	vst v63  }
0x117: {  	s16 =	simm.s32 $0x0;
	s9 =	simm.s32 @!p0 $0xA280;
	s4 =	simm.s32 @!p0 $0x140  }
0x118: {  	[tilespmem:s9], [sflag:$0xD] =	stream.indirect.gather @!p0 [hbm4b:s3+s13], $0x80, s4, s13, $0xb8;
	[tilespmem:$0x142D0] =	vst v63  }
0x119: {  	s20 =	simm.s32 $0xCB80;
	s29 =	simm.s32 $0x2B80;
	s9 =	simm.s32 $0x0  }
.LBB2_7:
0x11a: {  	v5 =	vld [tilespmem:s29+$0x40]  }
0x11b: {  	v2 =	vld [tilespmem:s29+$0xFFFFFF30]  }
0x11c: {  	v3 =	vld [tilespmem:s20+$0xFFFFFF30]  }
0x11d: {  	v4 =	vld [tilespmem:s29+$0xFFFFFF40]  }
0x11e: {  	v8 =	vld [tilespmem:s20+$0xFFFFFF40]  }
0x11f: {  	v9 =	vld [tilespmem:s29+$0xFFFFFF50]  }
0x120: {  	v10 =	vld [tilespmem:s20+$0xFFFFFF50]  }
0x121: {  	v11 =	vld [tilespmem:s29+$0xFFFFFF60]  }
0x122: {  	v12 =	vld [tilespmem:s20+$0xFFFFFF60]  }
0x123: {  	v13 =	vld [tilespmem:s29+$0xFFFFFF70]  }
0x124: {  	v14 =	vld [tilespmem:s20+$0xFFFFFF70]  }
0x125: {  	v7 =	vld [tilespmem:s20+$0xC0]  }
0x126: {  	v15 =	vld [tilespmem:s29+$0xFFFFFF00]  }
0x127: {  	v17 =	vld [tilespmem:s29+$0xFFFFFF90]  }
0x128: {  	v18 =	vld [tilespmem:s20+$0xFFFFFF90]  }
0x129: {  	v1 =	vld [tilespmem:s29+$0xFFFFFFA0]  }
0x12a: {  	v19 =	vld [tilespmem:s20+$0xFFFFFFA0]  }
0x12b: {  	v20 =	vld [tilespmem:s29+$0xFFFFFFB0]  }
0x12c: {  	v21 =	vld [tilespmem:s20+$0xFFFFFFB0]  }
0x12d: {  	v16 =	vld [tilespmem:s20+$0xFFFFFF80]  }
0x12e: {  	v6 =	vld [tilespmem:s20+$0xFFFFFFC0]  }
0x12f: {  	v33 =	vld [tilespmem:s20+$0x40]  }
0x130: {  	v22 =	vld [tilespmem:s29+$0xFFFFFFD0];
	v19 =	vmul.bf16 v19, v1  }
0x131: {  	v23 =	vld [tilespmem:s20+$0xFFFFFFD0];
	v20 =	vmul.bf16 v21, v20;
	v17 =	vmul.bf16 v18, v17  }
0x132: {  	v24 =	vld [tilespmem:s29+$0xFFFFFFE0];
	v9 =	vmul.bf16 v10, v9;
	v13 =	vmul.bf16 v14, v13  }
0x133: {  	v27 =	vld [tilespmem:s20+$0xFFFFFFF0];
	v11 =	vmul.bf16 v12, v11;
	v32 =	vmul.bf16 v3, v2  }
0x134: {  	v29 =	vld [tilespmem:s20+$0x70];
	v1 =	vimm.f32 $0.0e+00;
	v4 =	vmul.bf16 v8, v4;
	v5 =	vmul.bf16 v33, v5  }
0x135: {  	v30 =	vld [tilespmem:s20+$0xFFFFFF20];
	v25 =	vunpack.i.u.bf16.f32 v19;
	v19 =	vunpack.i.l.bf16.f32 v19;
	v26 =	vunpack.i.u.bf16.f32 v20  }
0x136: {  	v21 =	vld [tilespmem:s20+$0xFFFFFFE0];
	v10 =	vunpack.i.l.bf16.f32 v20;
	v20 =	vmul.bf16 v23, v22;
	v14 =	vunpack.i.l.bf16.f32 v9  }
0x137: {  	v18 =	vld [tilespmem:s29+$0xFFFFFFF0];
	v12 =	vunpack.i.l.bf16.f32 v13;
	v13 =	vunpack.i.u.bf16.f32 v13;
	v31 =	vunpack.i.u.bf16.f32 v11  }
0x138: {  	v56 =	vld [tilespmem:s29+$0x60];
	v11 =	vunpack.i.l.bf16.f32 v11;
	v2 =	vunpack.i.u.bf16.f32 v9;
	v54 =	vunpack.i.l.bf16.f32 v17  }
0x139: {  	v22 =	vld [tilespmem:s20+$0x0];
	v55 =	vunpack.i.u.bf16.f32 v32;
	v19 =	vadd.f32 v19, v25;
	v10 =	vadd.f32 v10, v26  }
0x13a: {  	v9 =	vld [tilespmem:s29+$0xFFFFFF10];
	v17 =	vunpack.i.u.bf16.f32 v17;
	v11 =	vadd.f32 v11, v31;
	v8 =	vadd.f32 v12, v13  }
0x13b: {  	v12 =	vadd.f32 v14, v2;
	v14 =	vld [tilespmem:s20+$0xFFFFFF00];
	v25 =	vunpack.i.u.bf16.f32 v20;
	v20 =	vunpack.i.l.bf16.f32 v20  }
0x13c: {  	v21 =	vmul.bf16 v21, v24;
	v18 =	vmul.bf16 v27, v18;
	v27 =	vld [tilespmem:s29+$0xFFFFFF20];
	v3 =	vadd.f32 v20, v25  }
0x13d: {  	v20 =	vld [tilespmem:s20+$0xFFFFFF10];
	v25 =	vunpack.i.u.bf16.f32 v4;
	v4 =	vunpack.i.l.bf16.f32 v4;
	v8 =	vadd.f32 v8, v11  }
0x13e: {  	v11 =	vld [tilespmem:s29+$0x0];
	v4 =	vadd.f32 v4, v25;
	v28 =	vunpack.i.l.bf16.f32 v21;
	v21 =	vunpack.i.u.bf16.f32 v21  }
0x13f: {  	v25 =	vld [tilespmem:s29+$0xFFFFFF80];
	v13 =	vunpack.i.u.bf16.f32 v18;
	v18 =	vunpack.i.l.bf16.f32 v18;
	v21 =	vadd.f32 v28, v21  }
0x140: {  	v59 =	vld [tilespmem:s20+$0x60];
	v2 =	vmov s16;
	v12 =	vadd.f32 v12, v4;
	v4 =	vadd.f32 v18, v13  }
0x141: {  	v26 =	vld [tilespmem:s29+$0x30];
	v17 =	vadd.f32 v54, v17;
	v10 =	vadd.f32 v10, v19;
	v14 =	vmul.bf16 v14, v15  }
0x142: {  	v24 =	vld [tilespmem:s29+$0x20];
	v27 =	vmul.bf16 v30, v27;
	v9 =	vmul.bf16 v20, v9;
	v4 =	vadd.f32 v4, v21  }
0x143: {  	v19 =	vld [tilespmem:s20+$0x50];
	v11 =	vmul.bf16 v22, v11;
	v34 =	vadd.f32 v8, v12;
	v12 =	vunpack.i.l.bf16.f32 v14  }
0x144: {  	v13 =	vld [tilespmem:s20+$0x20];
	v16 =	vmul.bf16 v16, v25;
	v25 =	vunpack.i.l.bf16.f32 v32;
	v18 =	vunpack.i.u.bf16.f32 v27  }
0x145: {  	v20 =	vld [tilespmem:s29+$0x50];
	v15 =	vunpack.i.l.bf16.f32 v27;
	v21 =	vunpack.i.l.bf16.f32 v9;
	v9 =	vunpack.i.u.bf16.f32 v9  }
0x146: {  	v22 =	vld [tilespmem:s29+$0x70];
	v25 =	vadd.f32 v25, v55;
	v58 =	vunpack.i.u.bf16.f32 v11;
	v11 =	vunpack.i.l.bf16.f32 v11  }
0x147: {  	v27 =	vld [tilespmem:s20+$0x30];
	v15 =	vadd.f32 v15, v18;
	v18 =	vunpack.i.u.bf16.f32 v14;
	v57 =	vunpack.i.u.bf16.f32 v16  }
0x148: {  	v23 =	vld [tilespmem:s20+$0x10];
	v16 =	vunpack.i.l.bf16.f32 v16;
	v11 =	vadd.f32 v11, v58;
	v9 =	vadd.f32 v21, v9  }
0x149: {  	v14 =	vld [tilespmem:s29+$0x10];
	v13 =	vmul.bf16 v13, v24;
	v8 =	vadd.f32 v16, v57;
	v12 =	vadd.f32 v12, v18  }
0x14a: {  	v60 =	vld [tilespmem:s20+$0x90];
	v18 =	vmul.bf16 v59, v56;
	v16 =	vmul.bf16 v19, v20;
	v15 =	vadd.f32 v25, v15  }
0x14b: {  	v19 =	vld [tilespmem:s29+$0xC0];
	v25 =	vunpack.i.u.bf16.f32 v13;
	v13 =	vunpack.i.l.bf16.f32 v13;
	v8 =	vadd.f32 v17, v8  }
0x14c: {  	v62 =	vld [tilespmem:s29+$0x80];
	v17 =	vmul.bf16 v29, v22;
	v13 =	vadd.f32 v13, v25;
	v21 =	vmul.bf16 v27, v26  }
0x14d: {  	v20 =	vld [tilespmem:s20+$0xB0];
	v12 =	vadd.f32 v9, v12;
	v27 =	vunpack.i.l.bf16.f32 v16;
	v16 =	vunpack.i.u.bf16.f32 v16  }
0x14e: {  	v22 =	vld [tilespmem:s29+$0xB0];
	v14 =	vmul.bf16 v23, v14;
	v26 =	vunpack.i.u.bf16.f32 v21;
	v21 =	vunpack.i.l.bf16.f32 v21  }
0x14f: {  	v24 =	vunpack.i.l.bf16.f32 v17;
	v23 =	vld [tilespmem:s29+$0x90];
	v17 =	vunpack.i.u.bf16.f32 v17;
	v21 =	vadd.f32 v21, v26  }
0x150: {  	v26 =	vld [tilespmem:s20+$0x80];
	v61 =	vmul.bf16 v7, v19;
	v7 =	vadd.f32 v10, v8;
	v8 =	vunpack.i.l.bf16.f32 v14  }
0x151: {  	v19 =	vunpack.i.u.bf16.f32 v18;
	v10 =	vadd.f32 v27, v16;
	v16 =	vunpack.i.l.bf16.f32 v18;
	v18 =	vld [tilespmem:s29+$0xFFFFFFC0]  }
0x152: {  	v63 =	vld [tilespmem:s20+$0xA0];
	v9 =	vunpack.i.u.bf16.f32 v14;
	v14 =	vadd.f32 v24, v17;
	v16 =	vadd.f32 v16, v19  }
0x153: {  	v19 =	vld [tilespmem:s29+$0xA0];
	v17 =	vadd.f32 v8, v9;
	v20 =	vmul.bf16 v20, v22;
	v8 =	vadd.f32 v21, v13  }
0x154: {  	v13 =	vadd.f32 v15, v12;
	v23 =	vmul.bf16 v60, v23;
	v9 =	vadd.f32 v14, v16  }
0x155: {  	v12 =	vadd.f32 v17, v11;
	v11 =	vunpack.i.l.bf16.f32 v20;
	v16 =	vunpack.i.u.bf16.f32 v20  }
0x156: {  	v22 =	vld [tilespmem:s20+$0xD0];
	v25 =	vadd.f32 v34, v13;
	v14 =	vmul.bf16 v26, v62;
	v17 =	vmul.bf16 v6, v18  }
0x157: {  	v6 =	vunpack.i.u.bf16.f32 v5;
	v26 =	vld [tilespmem:s29+$0xD0];
	v13 =	vunpack.i.l.bf16.f32 v23;
	v15 =	vunpack.i.u.bf16.f32 v23  }
0x158: {  	v18 =	vld [tilespmem:s20+$0xE0];
	v24 =	vmul.bf16 v63, v19;
	v21 =	vunpack.i.u.bf16.f32 v14;
	v14 =	vunpack.i.l.bf16.f32 v14  }
0x159: {  	v5 =	vunpack.i.l.bf16.f32 v5;
	v23 =	vunpack.i.l.bf16.f32 v61;
	v14 =	vadd.f32 v14, v21;
	v21 =	vld [tilespmem:s29+$0xE0]  }
0x15a: {  	v19 =	vadd.f32 v5, v6;
	(xrf2) =	vadd.scan.msk.f32 $0xffff, v25;
	v20 =	vunpack.i.u.bf16.f32 v24;
	v5 =	vunpack.i.l.bf16.f32 v24  }
0x15b: {  	s11 =	sshll.u32 s9, $0x4;
	s4 =	simm.s32 $0x4;
	v25 =	vunpack.i.l.bf16.f32 v17;
	v6 =	vadd.f32 v5, v20;
	v5 =	vunpack.i.u.bf16.f32 v61;
	v20 =	vld [tilespmem:s20+$0xF0]  }
0x15c: {  	s19 =	sadd.s32 $0x200, s29;
	s28 =	smov.u32 s20;
	s13 =	simm.s32 $0x0;
	v24 =	vunpack.i.u.bf16.f32 v17;
	v17 =	vadd.f32 v23, v5;
	v23 =	vmul.bf16 v22, v26;
	v22 =	vld [tilespmem:s29+$0xF0]  }
.LBB2_8:
0x15d: {  	p1 =	slt.u32 s4, $0xC  }
0x15e: {  	v5 =	vld [tilespmem:s19+$0x40];
	v24 =	vadd.f32 v25, v24;
	v25 =	vadd.f32 v8, v12;
	v18 =	vmul.bf16 v18, v21;
	s28 =	sadd.s32 $0x200, s28;
	s21 =	smov.u32 s4;
	s4 =	sadd.s32 $0x4, s4  }
0x15f: {  	v12 =	vadd.f32 v13, v15;
	v13 =	vadd.f32 v11, v16;
	v8 =	vld [tilespmem:s19+$0xFFFFFF30];
	v15 =	vunpack.i.l.bf16.f32 v23  }
0x160: {  	v16 =	vadd.f32 v10, v19;
	v19 =	vunpack.i.u.bf16.f32 v23;
	v11 =	vld [tilespmem:s28+$0xFFFFFF30];
	v3 =	vadd.f32 v3, v24  }
0x161: {  	v14 =	vadd.f32 v12, v14;
	v15 =	vadd.f32 v15, v19;
	v19 =	vunpack.i.l.bf16.f32 v18;
	v10 =	vld [tilespmem:s19+$0xFFFFFF40]  }
0x162: {  	v12 =	vld [tilespmem:s28+$0xFFFFFF40];
	v3 =	vadd.f32 v4, v3;
	v4 =	vunpack.i.u.bf16.f32 v18;
	v18 =	vmul.bf16 v20, v22  }
0x163: {  	v15 =	vadd.f32 v15, v17;
	v20 =	vld [tilespmem:s19+$0xFFFFFF50]  }
0x164: {  	v17 =	vld [tilespmem:s28+$0xFFFFFF50];
	v3 =	vadd.f32 v3, v7;
	v7 =	vadd.f32 v9, v16;
	v9 =	vunpack.i.u.bf16.f32 v18;
	v16, _, _ =	vpop (xrf2)  }
0x165: {  	v4 =	vadd.f32 v19, v4;
	v18 =	vunpack.i.l.bf16.f32 v18;
	v21 =	vld [tilespmem:s19+$0xFFFFFF60];
	v16 =	vbroadcast v16, $0xF  }
0x166: {  	v19 =	vld [tilespmem:s28+$0xFFFFFF60];
	v22 =	vadd.f32 v7, v25;
	v7 =	vadd.f32 v18, v9;
	(xrf2) =	vadd.scan.msk.f32 $0xffff, v3  }
0x167: {  	v3 =	vld [tilespmem:s19+$0xFFFFFF70]  }
0x168: {  	v6 =	vadd.f32 v13, v6;
	v18 =	vld [tilespmem:s28+$0xFFFFFF70];
	v9 =	vadd.f32 v7, v4  }
0x169: {  	v7 =	vld [tilespmem:s28+$0xC0];
	(xrf2) =	vadd.scan.msk.f32 $0xffff, v22  }
0x16a: {  	v6 =	vadd.f32 v6, v14;
	v4 =	vld [tilespmem:s19+$0xFFFFFF00];
	v13 =	vadd.f32 v9, v15  }
0x16b: {  	v9 =	vld [tilespmem:s28+$0xFFFFFF80]  }
0x16c: {  	v14 =	vld [tilespmem:s19+$0xFFFFFF90];
	v6 =	vadd.f32 v13, v6  }
0x16d: {  	v13 =	vld [tilespmem:s28+$0xFFFFFF90]  }
0x16e: {  	v15 =	vld [tilespmem:s19+$0xFFFFFFA0];
	(xrf2) =	vadd.scan.msk.f32 $0xffff, v6  }
0x16f: {  	v22 =	vld [tilespmem:s28+$0xFFFFFFA0]  }
0x170: {  	s22 =	sadd.s32 $0x1, s13;
	v23 =	vld [tilespmem:s19+$0xFFFFFFB0];
	v6, _, _ =	vpop (xrf2)  }
0x171: {  	vm0 =	veq.s32 v2, v0;
	v2 =	vmov s22;
	v24 =	vld [tilespmem:s28+$0xFFFFFFB0];
	v25 =	vbroadcast v6, $0xF  }
0x172: {  	v1 =	vsel vm0, v16, v1;
	vm0 =	veq.s32 v2, v0;
	v6 =	vld [tilespmem:s28+$0xFFFFFFC0]  }
0x173: {  	v2 =	vld [tilespmem:s19+$0xFFFFFFD0];
	v1 =	vsel vm0, v25, v1;
	v16, _, _ =	vpop (xrf2)  }
0x174: {  	s22 =	sadd.s32 $0x2, s13;
	v25 =	vld [tilespmem:s28+$0xFFFFFFD0]  }
0x175: {  	v26 =	vmov s22;
	v15 =	vmul.bf16 v22, v15;
	v16 =	vbroadcast v16, $0xF;
	v22 =	vld [tilespmem:s19+$0xFFFFFFE0]  }
0x176: {  	vm0 =	veq.s32 v26, v0;
	v23 =	vmul.bf16 v24, v23;
	v24 =	vld [tilespmem:s28+$0xFFFFFFE0]  }
0x177: {  	s22 =	sadd.s32 $0x3, s13;
	s13 =	smov.u32 s21;
	v13 =	vmul.bf16 v13, v14;
	v14 =	vunpack.i.u.bf16.f32 v15;
	v1 =	vsel vm0, v16, v1;
	v26 =	vld [tilespmem:s19+$0xFFFFFFF0]  }
0x178: {  	v28 =	vmov s22;
	v15 =	vunpack.i.l.bf16.f32 v15;
	v16 =	vunpack.i.u.bf16.f32 v23;
	v27 =	vld [tilespmem:s28+$0xFFFFFFF0];
	v29, _, _ =	vpop (xrf2)  }
0x179: {  	v17 =	vmul.bf16 v17, v20;
	v20 =	vunpack.i.l.bf16.f32 v23;
	v2 =	vmul.bf16 v25, v2;
	v23 =	vld [tilespmem:s28+$0x0]  }
0x17a: {  	vm0 =	veq.s32 v28, v0;
	v14 =	vadd.f32 v15, v14;
	v15 =	vadd.f32 v20, v16;
	v16 =	vld [tilespmem:s28+$0x10]  }
0x17b: {  	v3 =	vmul.bf16 v18, v3;
	v20 =	vunpack.i.l.bf16.f32 v17;
	v18 =	vmul.bf16 v24, v22;
	v22 =	vld [tilespmem:s19+$0x20]  }
0x17c: {  	v28 =	vbroadcast v29, $0xF;
	v24 =	vunpack.i.u.bf16.f32 v2;
	v2 =	vunpack.i.l.bf16.f32 v2;
	v25 =	vld [tilespmem:s19+$0x30]  }
0x17d: {  	v19 =	vmul.bf16 v19, v21;
	v21 =	vunpack.i.l.bf16.f32 v3;
	v29 =	vunpack.i.l.bf16.f32 v18;
	v30 =	vld [tilespmem:s28+$0x70]  }
0x17e: {  	v31 =	vunpack.i.u.bf16.f32 v3;
	v1 =	vsel vm0, v28, v1;
	v18 =	vunpack.i.u.bf16.f32 v18;
	v32 =	vld [tilespmem:s19+$0x60]  }
0x17f: {  	v3 =	vunpack.i.u.bf16.f32 v19;
	v19 =	vunpack.i.l.bf16.f32 v19;
	v26 =	vmul.bf16 v27, v26;
	v28 =	vld [tilespmem:s28+$0xFFFFFF20]  }
0x180: {  	v8 =	vmul.bf16 v11, v8;
	v11 =	vadd.f32 v19, v3;
	v3 =	vadd.f32 v2, v24;
	v27 =	vld [tilespmem:s19+$0xFFFFFF20]  }
0x181: {  	v10 =	vmul.bf16 v12, v10;
	v12 =	vadd.f32 v21, v31;
	v2 =	vunpack.i.u.bf16.f32 v17;
	v19 =	vld [tilespmem:s28+$0xFFFFFF10]  }
0x182: {  	v20 =	vadd.f32 v20, v2;
	v2 =	vmov s13;
	v21 =	vunpack.i.u.bf16.f32 v26;
	v17 =	vld [tilespmem:s19+$0xFFFFFF10]  }
0x183: {  	v31 =	vunpack.i.u.bf16.f32 v10;
	v10 =	vunpack.i.l.bf16.f32 v10;
	v26 =	vunpack.i.l.bf16.f32 v26;
	v24 =	vld [tilespmem:s28+$0xFFFFFF00]  }
0x184: {  	v10 =	vadd.f32 v10, v31;
	v33 =	vunpack.i.l.bf16.f32 v13;
	v18 =	vadd.f32 v29, v18;
	v31 =	vld [tilespmem:s19+$0xFFFFFF80]  }
0x185: {  	v11 =	vadd.f32 v12, v11;
	v27 =	vmul.bf16 v28, v27;
	v28 =	vunpack.i.u.bf16.f32 v8;
	v12 =	vld [tilespmem:s19+$0x0]  }
0x186: {  	v13 =	vunpack.i.u.bf16.f32 v13;
	v10 =	vadd.f32 v20, v10;
	v20 =	vadd.f32 v26, v21;
	v21 =	vld [tilespmem:s28+$0x20]  }
0x187: {  	v14 =	vadd.f32 v15, v14;
	v17 =	vmul.bf16 v19, v17;
	v19 =	vunpack.i.u.bf16.f32 v27;
	v15 =	vld [tilespmem:s28+$0x50]  }
0x188: {  	v26 =	vunpack.i.l.bf16.f32 v27;
	v24 =	vmul.bf16 v24, v4;
	v4 =	vadd.f32 v20, v18;
	v18 =	vld [tilespmem:s19+$0x50]  }
0x189: {  	v19 =	vadd.f32 v26, v19;
	v20 =	vunpack.i.l.bf16.f32 v17;
	v9 =	vmul.bf16 v9, v31;
	v26 =	vld [tilespmem:s28+$0x30]  }
0x18a: {  	v8 =	vunpack.i.l.bf16.f32 v8;
	v27 =	vunpack.i.u.bf16.f32 v24;
	v12 =	vmul.bf16 v23, v12;
	v23 =	vld [tilespmem:s19+$0x70]  }
0x18b: {  	v17 =	vunpack.i.u.bf16.f32 v17;
	v29 =	vunpack.i.u.bf16.f32 v9;
	v9 =	vunpack.i.l.bf16.f32 v9;
	v31 =	vld [tilespmem:s28+$0x40]  }
0x18c: {  	v13 =	vadd.f32 v33, v13;
	v8 =	vadd.f32 v8, v28;
	v28 =	vunpack.i.u.bf16.f32 v12;
	v33 =	vld [tilespmem:s28+$0x60]  }
0x18d: {  	v34 =	vadd.f32 v11, v10;
	v9 =	vadd.f32 v9, v29;
	v10 =	vunpack.i.l.bf16.f32 v12;
	v11 =	vld [tilespmem:s19+$0xC0]  }
0x18e: {  	v12 =	vunpack.i.l.bf16.f32 v24;
	v24 =	vadd.f32 v10, v28;
	v15 =	vmul.bf16 v15, v18;
	v10 =	vld [tilespmem:s19+$0x10]  }
0x18f: {  	v18 =	vadd.f32 v8, v19;
	v8 =	vadd.f32 v13, v9;
	v9 =	vmul.bf16 v30, v23;
	v13 =	vld [tilespmem:s28+$0xB0]  }
0x190: {  	v17 =	vadd.f32 v20, v17;
	v19 =	vmul.bf16 v21, v22;
	v20 =	vmul.bf16 v26, v25;
	v21 =	vld [tilespmem:s19+$0xB0]  }
0x191: {  	v12 =	vadd.f32 v12, v27;
	v22 =	vmul.bf16 v33, v32;
	v23 =	vunpack.i.l.bf16.f32 v9;
	v25 =	vld [tilespmem:s28+$0xA0]  }
0x192: {  	v26 =	vunpack.i.u.bf16.f32 v19;
	v28 =	vunpack.i.l.bf16.f32 v15;
	v27 =	vunpack.i.u.bf16.f32 v20;
	v29 =	vld [tilespmem:s28+$0x90]  }
0x193: {  	v16 =	vmul.bf16 v16, v10;
	v10 =	vunpack.i.l.bf16.f32 v19;
	v19 =	vunpack.i.l.bf16.f32 v20;
	v20 =	vld [tilespmem:s19+$0x90]  }
0x194: {  	v15 =	vunpack.i.u.bf16.f32 v15;
	v30 =	vmul.bf16 v7, v11;
	v19 =	vadd.f32 v19, v27;
	v27 =	vld [tilespmem:s28+$0x80]  }
0x195: {  	v7 =	vadd.f32 v14, v8;
	v11 =	vunpack.i.u.bf16.f32 v22;
	v8 =	vunpack.i.l.bf16.f32 v16;
	v14 =	vld [tilespmem:s19+$0x80]  }
0x196: {  	v26 =	vadd.f32 v10, v26;
	v10 =	vadd.f32 v28, v15;
	v15 =	vunpack.i.l.bf16.f32 v22;
	v22 =	vld [tilespmem:s19+$0xA0]  }
0x197: {  	v5 =	vmul.bf16 v31, v5;
	v9 =	vunpack.i.u.bf16.f32 v9;
	v11 =	vadd.f32 v15, v11;
	v28 =	vld [tilespmem:s19+$0xFFFFFFC0]  }
0x198: {  	v12 =	vadd.f32 v17, v12;
	v9 =	vadd.f32 v23, v9;
	v15 =	vunpack.i.u.bf16.f32 v16  }
0x199: {  	v17 =	vmul.bf16 v13, v21;
	v15 =	vadd.f32 v8, v15;
	v16 =	vmul.bf16 v29, v20;
	v23 =	vld [tilespmem:s28+$0xD0]  }
0x19a: {  	v8 =	vadd.f32 v19, v26;
	v9 =	vadd.f32 v9, v11;
	v14 =	vmul.bf16 v27, v14;
	v26 =	vld [tilespmem:s19+$0xD0]  }
0x19b: {  	v13 =	vadd.f32 v18, v12;
	v11 =	vunpack.i.l.bf16.f32 v17;
	v12 =	vadd.f32 v15, v24  }
0x19c: {  	v27 =	vmul.bf16 v6, v28;
	v6 =	vunpack.i.u.bf16.f32 v5;
	v19 =	vunpack.i.u.bf16.f32 v14  }
0x19d: {  	v20 =	vadd.f32 v34, v13;
	v13 =	vunpack.i.l.bf16.f32 v16;
	v22 =	vmul.bf16 v25, v22;
	v18 =	vld [tilespmem:s28+$0xE0]  }
.Ltmp2:
0x19e: {  	v15 =	vunpack.i.u.bf16.f32 v16;
	v16 =	vunpack.i.u.bf16.f32 v17;
	v14 =	vunpack.i.l.bf16.f32 v14;
	v21 =	vld [tilespmem:s19+$0xE0];
	(pc) =	sbr.rel @p1 .LBB2_8-.Ltmp2, $4  }
0x19f: {  	v5 =	vunpack.i.l.bf16.f32 v5;
	v14 =	vadd.f32 v14, v19;
	v17 =	vunpack.i.u.bf16.f32 v22;
	(xrf2) =	vadd.scan.msk.f32 $0xffff, v20  }
0x1a0: {  	v19 =	vadd.f32 v5, v6;
	v5 =	vunpack.i.l.bf16.f32 v22;
	v22 =	vunpack.i.l.bf16.f32 v30  }
0x1a1: {  	v24 =	vunpack.i.u.bf16.f32 v27;
	v6 =	vadd.f32 v5, v17;
	v5 =	vunpack.i.u.bf16.f32 v30;
	v20 =	vld [tilespmem:s28+$0xF0]  }
0x1a2: {  	v25 =	vunpack.i.l.bf16.f32 v27;
	v17 =	vadd.f32 v22, v5;
	v23 =	vmul.bf16 v23, v26;
	v22 =	vld [tilespmem:s19+$0xF0];
	s19 =	sadd.s32 $0x200, s19  }
0x1a3: {  	_ = 	snop  }
0x1a4: {  	v5 =	vadd.f32 v25, v24  }
0x1a5: {  	v8 =	vadd.f32 v8, v12;
	v52 =	vmul.bf16 v18, v21;
	v13 =	vadd.f32 v13, v15  }
0x1a6: {  	v11 =	vadd.f32 v11, v16;
	v54 =	vadd.f32 v10, v19;
	v53 =	vunpack.i.l.bf16.f32 v23  }
0x1a7: {  	v55 =	vunpack.i.u.bf16.f32 v23;
	v3 =	vadd.f32 v3, v5;
	v56 =	vmul.bf16 v20, v22  }
0x1a8: {  	v13 =	vadd.f32 v13, v14;
	v10 =	vadd.f32 v53, v55;
	v57 =	vunpack.i.l.bf16.f32 v52  }
0x1a9: {  	v12 =	vunpack.i.u.bf16.f32 v52;
	v58 =	vunpack.i.u.bf16.f32 v56;
	v16 =	vunpack.i.l.bf16.f32 v56  }
0x1aa: {  	v12 =	vadd.f32 v57, v12;
	v59 =	vadd.f32 v16, v58  }
0x1ab: {  	v6 =	vadd.f32 v11, v6;
	v3 =	vadd.f32 v4, v3  }
0x1ac: {  	v60 =	vadd.f32 v10, v17;
	v61 =	vadd.f32 v59, v12  }
0x1ad: {  	v5 =	vadd.f32 v9, v54;
	v3 =	vadd.f32 v3, v7  }
0x1ae: {  	v6 =	vadd.f32 v6, v13;
	v4 =	vadd.f32 v61, v60  }
0x1af: {  	v5 =	vadd.f32 v5, v8;
	(xrf2) =	vadd.scan.msk.f32 $0xffff, v3  }
0x1b0: {  	v3 =	vadd.f32 v4, v6  }
0x1b1: {  	(xrf2) =	vadd.scan.msk.f32 $0xffff, v5  }
0x1b2: {  	(xrf2) =	vadd.scan.msk.f32 $0xffff, v3;
	_ =	sdelay $0x4  }
0x1b3: {  	s4 =	sadd.s32 $0x1, s13  }
0x1b4: {  	vm0 =	veq.s32 v2, v0;
	v2 =	vmov s4;
	v3, _, _ =	vpop (xrf2)  }
0x1b5: {  	v3 =	vbroadcast v3, $0xF;
	v62, _, _ =	vpop (xrf2)  }
0x1b6: {  	s9 =	sadd.s32 $0x1, s9;
	v4 =	vbroadcast v62, $0xF  }
0x1b7: {  	s22 =	sadd.s32 $0x2, s13;
	p1 =	sne.s32 s9, $0x5;
	vm13 =	veq.s32 v2, v0;
	v2, _, _ =	vpop (xrf2);
	v1 =	vsel vm0, v3, v1  }
.Ltmp3:
0x1b8: {  	s28 =	sadd.s32 $0x3, s13;
	v3 =	vmov s22;
	v2 =	vbroadcast v2, $0xF;
	v1 =	vsel vm13, v4, v1;
	v63, _, _ =	vpop (xrf2);
	(pc) =	sbr.rel @p1 .LBB2_7-.Ltmp3, $4  }
0x1b9: {  	vm14 =	veq.s32 v3, v0;
	v3 =	vmov s28;
	v4 =	vbroadcast v63, $0xF  }
0x1ba: {  	v1 =	vsel vm14, v2, v1;
	vm15 =	veq.s32 v3, v0  }
0x1bb: {  	v1 =	vsel vm15, v4, v1  }
0x1bc: {  	s20 =	sadd.s32 $0x800, s20;
	s29 =	sadd.s32 $0x800, s29;
	[tilespmem:s11+$0x14280] =	vst v1  }
0x1bd: {  	s4 =	rddreg [dreg:$0x4]  }
0x1be: {  	s4 =	sadd.s32 s15, s4  }
0x1bf: {  	s4 =	sshrl.u32 s4, $0x3  }
0x1c0: {  	s4 =	sadd.s32 s7, s4  }
0x1c1: {  	[hbm4b:s4+s2] =	stream.linear.scatter [tilespmem:s17], [sflag:$0x11], $0x50, $0x38;
	[tilespmem:$0x142D0] =	vst v63  }
0x1c2: {  	_ =	swait.ge [sflag:s18], $0x50  }
0x1c3: {  	[sflag:s18] =	ssyncset.done $0x0  }
0x1c4: {  	[sflag:s18] =	ssyncadd.s32 $0xFFFFFFB0  }
0x1c5: {  	_ =	swait.ge [sflag:s31], $0x2800  }
0x1c6: {  	[sflag:s31] =	ssyncset.done $0x0  }
0x1c7: {  	[sflag:s31] =	ssyncadd.s32 $0xFFFFD800  }
0x1c8: {  	_ =	swait.ge [sflag:s0], $0x2800  }
0x1c9: {  	s4 =	rddreg [dreg:$0x10]  }
0x1ca: {  	s4 =	sadd.s32 @!p0 s15, s4  }
0x1cb: {  	s11 =	simm.s32 @!p0 $0x0;
	[sflag:s0] =	ssyncset.done $0x0;
	s4 =	sshrl.u32 @!p0 s4, $0x3  }
0x1cc: {  	s13 =	simm.s32 @!p0 $0xA0;
	[sflag:s0] =	ssyncadd.s32 $0xFFFFD800;
	s9 =	sadd.s32 @!p0 s5, s4  }
0x1cd: {  	[tilespmem:s13], [sflag:$0x3] =	stream.linear.gather @!p0 [hbm4b:s9+s11], $0x50, $0x38;
	[tilespmem:$0x142D0] =	vst v63  }
0x1ce: {  	s4 =	sadd.s32 @!p0 s6, s4;
	s9 =	simm.s32 @!p0 $0x1E0  }
0x1cf: {  	[tilespmem:s9], [sflag:$0x7] =	stream.linear.gather @!p0 [hbm4b:s4+s11], $0x50, $0x38;
	[tilespmem:$0x142D0] =	vst v63  }
0x1d0: {  	s4 =	simm.s32 @!p0 $0x2  }
0x1d1: {  	_ =	swait.ge @!p0 [sflag:s4], $0x50  }
0x1d2: {  	[sflag:s4] =	ssyncset.done @!p0 $0x0  }
0x1d3: {  	[sflag:s4] =	ssyncadd.s32 @!p0 $0xFFFFFFB0;
	s4 =	simm.s32 @!p0 $0x6  }
0x1d4: {  	_ =	swait.ge @!p0 [sflag:s4], $0x50  }
0x1d5: {  	[sflag:s4] =	ssyncset.done @!p0 $0x0  }
0x1d6: {  	s9 =	simm.s32 @!p0 $0x2A80;
	[sflag:s4] =	ssyncadd.s32 @!p0 $0xFFFFFFB0;
	s4 =	simm.s32 @!p0 $0x50  }
0x1d7: {  	[tilespmem:s9], [sflag:$0xA] =	stream.indirect.gather @!p0 [hbm4b:s3+s4], $0x80, s4, s4, $0xb8;
	[tilespmem:$0x142D0] =	vst v63  }
0x1d8: {  	s16 =	simm.s32 $0x0;
	s11 =	simm.s32 @!p0 $0xCA80;
	s9 =	simm.s32 @!p0 $0x190  }
0x1d9: {  	[tilespmem:s11], [sflag:$0xE] =	stream.indirect.gather @!p0 [hbm4b:s3+s4], $0x80, s9, s4, $0xb8;
	[tilespmem:$0x142D0] =	vst v63  }
0x1da: {  	s28 =	simm.s32 $0xF380;
	s29 =	simm.s32 $0x5380;
	s9 =	simm.s32 $0x0  }
.LBB2_11:
0x1db: {  	v5 =	vld [tilespmem:s29+$0x40]  }
0x1dc: {  	v2 =	vld [tilespmem:s29+$0xFFFFFF30]  }
0x1dd: {  	v3 =	vld [tilespmem:s28+$0xFFFFFF30]  }
0x1de: {  	v4 =	vld [tilespmem:s29+$0xFFFFFF40]  }
0x1df: {  	v8 =	vld [tilespmem:s28+$0xFFFFFF40]  }
0x1e0: {  	v9 =	vld [tilespmem:s29+$0xFFFFFF50]  }
0x1e1: {  	v10 =	vld [tilespmem:s28+$0xFFFFFF50]  }
0x1e2: {  	v11 =	vld [tilespmem:s29+$0xFFFFFF60]  }
0x1e3: {  	v12 =	vld [tilespmem:s28+$0xFFFFFF60]  }
0x1e4: {  	v13 =	vld [tilespmem:s29+$0xFFFFFF70]  }
0x1e5: {  	v14 =	vld [tilespmem:s28+$0xFFFFFF70]  }
0x1e6: {  	v7 =	vld [tilespmem:s28+$0xC0]  }
0x1e7: {  	v15 =	vld [tilespmem:s29+$0xFFFFFF00]  }
0x1e8: {  	v17 =	vld [tilespmem:s29+$0xFFFFFF90]  }
0x1e9: {  	v18 =	vld [tilespmem:s28+$0xFFFFFF90]  }
0x1ea: {  	v1 =	vld [tilespmem:s29+$0xFFFFFFA0]  }
0x1eb: {  	v19 =	vld [tilespmem:s28+$0xFFFFFFA0]  }
0x1ec: {  	v20 =	vld [tilespmem:s29+$0xFFFFFFB0]  }
0x1ed: {  	v21 =	vld [tilespmem:s28+$0xFFFFFFB0]  }
0x1ee: {  	v16 =	vld [tilespmem:s28+$0xFFFFFF80]  }
0x1ef: {  	v6 =	vld [tilespmem:s28+$0xFFFFFFC0]  }
0x1f0: {  	v33 =	vld [tilespmem:s28+$0x40]  }
0x1f1: {  	v22 =	vld [tilespmem:s29+$0xFFFFFFD0];
	v19 =	vmul.bf16 v19, v1  }
0x1f2: {  	v23 =	vld [tilespmem:s28+$0xFFFFFFD0];
	v20 =	vmul.bf16 v21, v20;
	v17 =	vmul.bf16 v18, v17  }
0x1f3: {  	v24 =	vld [tilespmem:s29+$0xFFFFFFE0];
	v9 =	vmul.bf16 v10, v9;
	v13 =	vmul.bf16 v14, v13  }
0x1f4: {  	v27 =	vld [tilespmem:s28+$0xFFFFFFF0];
	v11 =	vmul.bf16 v12, v11;
	v32 =	vmul.bf16 v3, v2  }
0x1f5: {  	v29 =	vld [tilespmem:s28+$0x70];
	v1 =	vimm.f32 $0.0e+00;
	v4 =	vmul.bf16 v8, v4;
	v5 =	vmul.bf16 v33, v5  }
0x1f6: {  	v30 =	vld [tilespmem:s28+$0xFFFFFF20];
	v25 =	vunpack.i.u.bf16.f32 v19;
	v19 =	vunpack.i.l.bf16.f32 v19;
	v26 =	vunpack.i.u.bf16.f32 v20  }
0x1f7: {  	v21 =	vld [tilespmem:s28+$0xFFFFFFE0];
	v10 =	vunpack.i.l.bf16.f32 v20;
	v20 =	vmul.bf16 v23, v22;
	v14 =	vunpack.i.l.bf16.f32 v9  }
0x1f8: {  	v18 =	vld [tilespmem:s29+$0xFFFFFFF0];
	v12 =	vunpack.i.l.bf16.f32 v13;
	v13 =	vunpack.i.u.bf16.f32 v13;
	v31 =	vunpack.i.u.bf16.f32 v11  }
0x1f9: {  	v56 =	vld [tilespmem:s29+$0x60];
	v11 =	vunpack.i.l.bf16.f32 v11;
	v2 =	vunpack.i.u.bf16.f32 v9;
	v54 =	vunpack.i.l.bf16.f32 v17  }
0x1fa: {  	v22 =	vld [tilespmem:s28+$0x0];
	v55 =	vunpack.i.u.bf16.f32 v32;
	v19 =	vadd.f32 v19, v25;
	v10 =	vadd.f32 v10, v26  }
0x1fb: {  	v9 =	vld [tilespmem:s29+$0xFFFFFF10];
	v17 =	vunpack.i.u.bf16.f32 v17;
	v11 =	vadd.f32 v11, v31;
	v8 =	vadd.f32 v12, v13  }
0x1fc: {  	v12 =	vadd.f32 v14, v2;
	v14 =	vld [tilespmem:s28+$0xFFFFFF00];
	v25 =	vunpack.i.u.bf16.f32 v20;
	v20 =	vunpack.i.l.bf16.f32 v20  }
0x1fd: {  	v21 =	vmul.bf16 v21, v24;
	v18 =	vmul.bf16 v27, v18;
	v27 =	vld [tilespmem:s29+$0xFFFFFF20];
	v3 =	vadd.f32 v20, v25  }
0x1fe: {  	v20 =	vld [tilespmem:s28+$0xFFFFFF10];
	v25 =	vunpack.i.u.bf16.f32 v4;
	v4 =	vunpack.i.l.bf16.f32 v4;
	v8 =	vadd.f32 v8, v11  }
0x1ff: {  	v11 =	vld [tilespmem:s29+$0x0];
	v4 =	vadd.f32 v4, v25;
	v28 =	vunpack.i.l.bf16.f32 v21;
	v21 =	vunpack.i.u.bf16.f32 v21  }
0x200: {  	v25 =	vld [tilespmem:s29+$0xFFFFFF80];
	v13 =	vunpack.i.u.bf16.f32 v18;
	v18 =	vunpack.i.l.bf16.f32 v18;
	v21 =	vadd.f32 v28, v21  }
0x201: {  	v59 =	vld [tilespmem:s28+$0x60];
	v2 =	vmov s16;
	v12 =	vadd.f32 v12, v4;
	v4 =	vadd.f32 v18, v13  }
0x202: {  	v26 =	vld [tilespmem:s29+$0x30];
	v17 =	vadd.f32 v54, v17;
	v10 =	vadd.f32 v10, v19;
	v14 =	vmul.bf16 v14, v15  }
0x203: {  	v24 =	vld [tilespmem:s29+$0x20];
	v27 =	vmul.bf16 v30, v27;
	v9 =	vmul.bf16 v20, v9;
	v4 =	vadd.f32 v4, v21  }
0x204: {  	v19 =	vld [tilespmem:s28+$0x50];
	v11 =	vmul.bf16 v22, v11;
	v34 =	vadd.f32 v8, v12;
	v12 =	vunpack.i.l.bf16.f32 v14  }
0x205: {  	v13 =	vld [tilespmem:s28+$0x20];
	v16 =	vmul.bf16 v16, v25;
	v25 =	vunpack.i.l.bf16.f32 v32;
	v18 =	vunpack.i.u.bf16.f32 v27  }
0x206: {  	v20 =	vld [tilespmem:s29+$0x50];
	v15 =	vunpack.i.l.bf16.f32 v27;
	v21 =	vunpack.i.l.bf16.f32 v9;
	v9 =	vunpack.i.u.bf16.f32 v9  }
0x207: {  	v22 =	vld [tilespmem:s29+$0x70];
	v25 =	vadd.f32 v25, v55;
	v58 =	vunpack.i.u.bf16.f32 v11;
	v11 =	vunpack.i.l.bf16.f32 v11  }
0x208: {  	v27 =	vld [tilespmem:s28+$0x30];
	v15 =	vadd.f32 v15, v18;
	v18 =	vunpack.i.u.bf16.f32 v14;
	v57 =	vunpack.i.u.bf16.f32 v16  }
0x209: {  	v23 =	vld [tilespmem:s28+$0x10];
	v16 =	vunpack.i.l.bf16.f32 v16;
	v11 =	vadd.f32 v11, v58;
	v9 =	vadd.f32 v21, v9  }
0x20a: {  	v14 =	vld [tilespmem:s29+$0x10];
	v13 =	vmul.bf16 v13, v24;
	v8 =	vadd.f32 v16, v57;
	v12 =	vadd.f32 v12, v18  }
0x20b: {  	v60 =	vld [tilespmem:s28+$0x90];
	v18 =	vmul.bf16 v59, v56;
	v16 =	vmul.bf16 v19, v20;
	v15 =	vadd.f32 v25, v15  }
0x20c: {  	v19 =	vld [tilespmem:s29+$0xC0];
	v25 =	vunpack.i.u.bf16.f32 v13;
	v13 =	vunpack.i.l.bf16.f32 v13;
	v8 =	vadd.f32 v17, v8  }
0x20d: {  	v62 =	vld [tilespmem:s29+$0x80];
	v17 =	vmul.bf16 v29, v22;
	v13 =	vadd.f32 v13, v25;
	v21 =	vmul.bf16 v27, v26  }
0x20e: {  	v20 =	vld [tilespmem:s28+$0xB0];
	v12 =	vadd.f32 v9, v12;
	v27 =	vunpack.i.l.bf16.f32 v16;
	v16 =	vunpack.i.u.bf16.f32 v16  }
0x20f: {  	v22 =	vld [tilespmem:s29+$0xB0];
	v14 =	vmul.bf16 v23, v14;
	v26 =	vunpack.i.u.bf16.f32 v21;
	v21 =	vunpack.i.l.bf16.f32 v21  }
0x210: {  	v24 =	vunpack.i.l.bf16.f32 v17;
	v23 =	vld [tilespmem:s29+$0x90];
	v17 =	vunpack.i.u.bf16.f32 v17;
	v21 =	vadd.f32 v21, v26  }
0x211: {  	v26 =	vld [tilespmem:s28+$0x80];
	v61 =	vmul.bf16 v7, v19;
	v7 =	vadd.f32 v10, v8;
	v8 =	vunpack.i.l.bf16.f32 v14  }
0x212: {  	v19 =	vunpack.i.u.bf16.f32 v18;
	v10 =	vadd.f32 v27, v16;
	v16 =	vunpack.i.l.bf16.f32 v18;
	v18 =	vld [tilespmem:s29+$0xFFFFFFC0]  }
0x213: {  	v63 =	vld [tilespmem:s28+$0xA0];
	v9 =	vunpack.i.u.bf16.f32 v14;
	v14 =	vadd.f32 v24, v17;
	v16 =	vadd.f32 v16, v19  }
0x214: {  	v19 =	vld [tilespmem:s29+$0xA0];
	v17 =	vadd.f32 v8, v9;
	v20 =	vmul.bf16 v20, v22;
	v8 =	vadd.f32 v21, v13  }
0x215: {  	v13 =	vadd.f32 v15, v12;
	v23 =	vmul.bf16 v60, v23;
	v9 =	vadd.f32 v14, v16  }
0x216: {  	v12 =	vadd.f32 v17, v11;
	v11 =	vunpack.i.l.bf16.f32 v20;
	v16 =	vunpack.i.u.bf16.f32 v20  }
0x217: {  	v22 =	vld [tilespmem:s28+$0xD0];
	v25 =	vadd.f32 v34, v13;
	v14 =	vmul.bf16 v26, v62;
	v17 =	vmul.bf16 v6, v18  }
0x218: {  	v6 =	vunpack.i.u.bf16.f32 v5;
	v26 =	vld [tilespmem:s29+$0xD0];
	v13 =	vunpack.i.l.bf16.f32 v23;
	v15 =	vunpack.i.u.bf16.f32 v23  }
0x219: {  	v18 =	vld [tilespmem:s28+$0xE0];
	v24 =	vmul.bf16 v63, v19;
	v21 =	vunpack.i.u.bf16.f32 v14;
	v14 =	vunpack.i.l.bf16.f32 v14  }
0x21a: {  	v5 =	vunpack.i.l.bf16.f32 v5;
	v23 =	vunpack.i.l.bf16.f32 v61;
	v14 =	vadd.f32 v14, v21;
	v21 =	vld [tilespmem:s29+$0xE0]  }
0x21b: {  	v19 =	vadd.f32 v5, v6;
	(xrf2) =	vadd.scan.msk.f32 $0xffff, v25;
	v20 =	vunpack.i.u.bf16.f32 v24;
	v5 =	vunpack.i.l.bf16.f32 v24  }
0x21c: {  	s11 =	sshll.u32 s9, $0x4;
	s4 =	simm.s32 $0x4;
	v25 =	vunpack.i.l.bf16.f32 v17;
	v6 =	vadd.f32 v5, v20;
	v5 =	vunpack.i.u.bf16.f32 v61;
	v20 =	vld [tilespmem:s28+$0xF0]  }
0x21d: {  	s19 =	sadd.s32 $0x200, s29;
	s20 =	smov.u32 s28;
	s13 =	simm.s32 $0x0;
	v24 =	vunpack.i.u.bf16.f32 v17;
	v17 =	vadd.f32 v23, v5;
	v23 =	vmul.bf16 v22, v26;
	v22 =	vld [tilespmem:s29+$0xF0]  }
.LBB2_12:
0x21e: {  	p1 =	slt.u32 s4, $0xC  }
0x21f: {  	v5 =	vld [tilespmem:s19+$0x40];
	v24 =	vadd.f32 v25, v24;
	v25 =	vadd.f32 v8, v12;
	v18 =	vmul.bf16 v18, v21;
	s20 =	sadd.s32 $0x200, s20;
	s21 =	smov.u32 s4;
	s4 =	sadd.s32 $0x4, s4  }
0x220: {  	v12 =	vadd.f32 v13, v15;
	v13 =	vadd.f32 v11, v16;
	v8 =	vld [tilespmem:s19+$0xFFFFFF30];
	v15 =	vunpack.i.l.bf16.f32 v23  }
0x221: {  	v16 =	vadd.f32 v10, v19;
	v19 =	vunpack.i.u.bf16.f32 v23;
	v11 =	vld [tilespmem:s20+$0xFFFFFF30];
	v3 =	vadd.f32 v3, v24  }
0x222: {  	v14 =	vadd.f32 v12, v14;
	v15 =	vadd.f32 v15, v19;
	v19 =	vunpack.i.l.bf16.f32 v18;
	v10 =	vld [tilespmem:s19+$0xFFFFFF40]  }
0x223: {  	v12 =	vld [tilespmem:s20+$0xFFFFFF40];
	v3 =	vadd.f32 v4, v3;
	v4 =	vunpack.i.u.bf16.f32 v18;
	v18 =	vmul.bf16 v20, v22  }
0x224: {  	v15 =	vadd.f32 v15, v17;
	v20 =	vld [tilespmem:s19+$0xFFFFFF50]  }
0x225: {  	v17 =	vld [tilespmem:s20+$0xFFFFFF50];
	v3 =	vadd.f32 v3, v7;
	v7 =	vadd.f32 v9, v16;
	v9 =	vunpack.i.u.bf16.f32 v18;
	v16, _, _ =	vpop (xrf2)  }
0x226: {  	v4 =	vadd.f32 v19, v4;
	v18 =	vunpack.i.l.bf16.f32 v18;
	v21 =	vld [tilespmem:s19+$0xFFFFFF60];
	v16 =	vbroadcast v16, $0xF  }
0x227: {  	v19 =	vld [tilespmem:s20+$0xFFFFFF60];
	v22 =	vadd.f32 v7, v25;
	v7 =	vadd.f32 v18, v9;
	(xrf2) =	vadd.scan.msk.f32 $0xffff, v3  }
0x228: {  	v3 =	vld [tilespmem:s19+$0xFFFFFF70]  }
0x229: {  	v6 =	vadd.f32 v13, v6;
	v18 =	vld [tilespmem:s20+$0xFFFFFF70];
	v9 =	vadd.f32 v7, v4  }
0x22a: {  	v7 =	vld [tilespmem:s20+$0xC0];
	(xrf2) =	vadd.scan.msk.f32 $0xffff, v22  }
0x22b: {  	v6 =	vadd.f32 v6, v14;
	v4 =	vld [tilespmem:s19+$0xFFFFFF00];
	v13 =	vadd.f32 v9, v15  }
0x22c: {  	v9 =	vld [tilespmem:s20+$0xFFFFFF80]  }
0x22d: {  	v14 =	vld [tilespmem:s19+$0xFFFFFF90];
	v6 =	vadd.f32 v13, v6  }
0x22e: {  	v13 =	vld [tilespmem:s20+$0xFFFFFF90]  }
0x22f: {  	v15 =	vld [tilespmem:s19+$0xFFFFFFA0];
	(xrf2) =	vadd.scan.msk.f32 $0xffff, v6  }
0x230: {  	v22 =	vld [tilespmem:s20+$0xFFFFFFA0]  }
0x231: {  	s22 =	sadd.s32 $0x1, s13;
	v23 =	vld [tilespmem:s19+$0xFFFFFFB0];
	v6, _, _ =	vpop (xrf2)  }
0x232: {  	vm0 =	veq.s32 v2, v0;
	v2 =	vmov s22;
	v24 =	vld [tilespmem:s20+$0xFFFFFFB0];
	v25 =	vbroadcast v6, $0xF  }
0x233: {  	v1 =	vsel vm0, v16, v1;
	vm0 =	veq.s32 v2, v0;
	v6 =	vld [tilespmem:s20+$0xFFFFFFC0]  }
0x234: {  	v2 =	vld [tilespmem:s19+$0xFFFFFFD0];
	v1 =	vsel vm0, v25, v1;
	v16, _, _ =	vpop (xrf2)  }
0x235: {  	s22 =	sadd.s32 $0x2, s13;
	v25 =	vld [tilespmem:s20+$0xFFFFFFD0]  }
0x236: {  	v26 =	vmov s22;
	v15 =	vmul.bf16 v22, v15;
	v16 =	vbroadcast v16, $0xF;
	v22 =	vld [tilespmem:s19+$0xFFFFFFE0]  }
0x237: {  	vm0 =	veq.s32 v26, v0;
	v23 =	vmul.bf16 v24, v23;
	v24 =	vld [tilespmem:s20+$0xFFFFFFE0]  }
0x238: {  	s22 =	sadd.s32 $0x3, s13;
	s13 =	smov.u32 s21;
	v13 =	vmul.bf16 v13, v14;
	v14 =	vunpack.i.u.bf16.f32 v15;
	v1 =	vsel vm0, v16, v1;
	v26 =	vld [tilespmem:s19+$0xFFFFFFF0]  }
0x239: {  	v28 =	vmov s22;
	v15 =	vunpack.i.l.bf16.f32 v15;
	v16 =	vunpack.i.u.bf16.f32 v23;
	v27 =	vld [tilespmem:s20+$0xFFFFFFF0];
	v29, _, _ =	vpop (xrf2)  }
0x23a: {  	v17 =	vmul.bf16 v17, v20;
	v20 =	vunpack.i.l.bf16.f32 v23;
	v2 =	vmul.bf16 v25, v2;
	v23 =	vld [tilespmem:s20+$0x0]  }
0x23b: {  	vm0 =	veq.s32 v28, v0;
	v14 =	vadd.f32 v15, v14;
	v15 =	vadd.f32 v20, v16;
	v16 =	vld [tilespmem:s20+$0x10]  }
0x23c: {  	v3 =	vmul.bf16 v18, v3;
	v20 =	vunpack.i.l.bf16.f32 v17;
	v18 =	vmul.bf16 v24, v22;
	v22 =	vld [tilespmem:s19+$0x20]  }
0x23d: {  	v28 =	vbroadcast v29, $0xF;
	v24 =	vunpack.i.u.bf16.f32 v2;
	v2 =	vunpack.i.l.bf16.f32 v2;
	v25 =	vld [tilespmem:s19+$0x30]  }
0x23e: {  	v19 =	vmul.bf16 v19, v21;
	v21 =	vunpack.i.l.bf16.f32 v3;
	v29 =	vunpack.i.l.bf16.f32 v18;
	v30 =	vld [tilespmem:s20+$0x70]  }
0x23f: {  	v31 =	vunpack.i.u.bf16.f32 v3;
	v1 =	vsel vm0, v28, v1;
	v18 =	vunpack.i.u.bf16.f32 v18;
	v32 =	vld [tilespmem:s19+$0x60]  }
0x240: {  	v3 =	vunpack.i.u.bf16.f32 v19;
	v19 =	vunpack.i.l.bf16.f32 v19;
	v26 =	vmul.bf16 v27, v26;
	v28 =	vld [tilespmem:s20+$0xFFFFFF20]  }
0x241: {  	v8 =	vmul.bf16 v11, v8;
	v11 =	vadd.f32 v19, v3;
	v3 =	vadd.f32 v2, v24;
	v27 =	vld [tilespmem:s19+$0xFFFFFF20]  }
0x242: {  	v10 =	vmul.bf16 v12, v10;
	v12 =	vadd.f32 v21, v31;
	v2 =	vunpack.i.u.bf16.f32 v17;
	v19 =	vld [tilespmem:s20+$0xFFFFFF10]  }
0x243: {  	v20 =	vadd.f32 v20, v2;
	v2 =	vmov s13;
	v21 =	vunpack.i.u.bf16.f32 v26;
	v17 =	vld [tilespmem:s19+$0xFFFFFF10]  }
0x244: {  	v31 =	vunpack.i.u.bf16.f32 v10;
	v10 =	vunpack.i.l.bf16.f32 v10;
	v26 =	vunpack.i.l.bf16.f32 v26;
	v24 =	vld [tilespmem:s20+$0xFFFFFF00]  }
0x245: {  	v10 =	vadd.f32 v10, v31;
	v33 =	vunpack.i.l.bf16.f32 v13;
	v18 =	vadd.f32 v29, v18;
	v31 =	vld [tilespmem:s19+$0xFFFFFF80]  }
0x246: {  	v11 =	vadd.f32 v12, v11;
	v27 =	vmul.bf16 v28, v27;
	v28 =	vunpack.i.u.bf16.f32 v8;
	v12 =	vld [tilespmem:s19+$0x0]  }
0x247: {  	v13 =	vunpack.i.u.bf16.f32 v13;
	v10 =	vadd.f32 v20, v10;
	v20 =	vadd.f32 v26, v21;
	v21 =	vld [tilespmem:s20+$0x20]  }
0x248: {  	v14 =	vadd.f32 v15, v14;
	v17 =	vmul.bf16 v19, v17;
	v19 =	vunpack.i.u.bf16.f32 v27;
	v15 =	vld [tilespmem:s20+$0x50]  }
0x249: {  	v26 =	vunpack.i.l.bf16.f32 v27;
	v24 =	vmul.bf16 v24, v4;
	v4 =	vadd.f32 v20, v18;
	v18 =	vld [tilespmem:s19+$0x50]  }
0x24a: {  	v19 =	vadd.f32 v26, v19;
	v20 =	vunpack.i.l.bf16.f32 v17;
	v9 =	vmul.bf16 v9, v31;
	v26 =	vld [tilespmem:s20+$0x30]  }
0x24b: {  	v8 =	vunpack.i.l.bf16.f32 v8;
	v27 =	vunpack.i.u.bf16.f32 v24;
	v12 =	vmul.bf16 v23, v12;
	v23 =	vld [tilespmem:s19+$0x70]  }
0x24c: {  	v17 =	vunpack.i.u.bf16.f32 v17;
	v29 =	vunpack.i.u.bf16.f32 v9;
	v9 =	vunpack.i.l.bf16.f32 v9;
	v31 =	vld [tilespmem:s20+$0x40]  }
0x24d: {  	v13 =	vadd.f32 v33, v13;
	v8 =	vadd.f32 v8, v28;
	v28 =	vunpack.i.u.bf16.f32 v12;
	v33 =	vld [tilespmem:s20+$0x60]  }
0x24e: {  	v34 =	vadd.f32 v11, v10;
	v9 =	vadd.f32 v9, v29;
	v10 =	vunpack.i.l.bf16.f32 v12;
	v11 =	vld [tilespmem:s19+$0xC0]  }
0x24f: {  	v12 =	vunpack.i.l.bf16.f32 v24;
	v24 =	vadd.f32 v10, v28;
	v15 =	vmul.bf16 v15, v18;
	v10 =	vld [tilespmem:s19+$0x10]  }
0x250: {  	v18 =	vadd.f32 v8, v19;
	v8 =	vadd.f32 v13, v9;
	v9 =	vmul.bf16 v30, v23;
	v13 =	vld [tilespmem:s20+$0xB0]  }
0x251: {  	v17 =	vadd.f32 v20, v17;
	v19 =	vmul.bf16 v21, v22;
	v20 =	vmul.bf16 v26, v25;
	v21 =	vld [tilespmem:s19+$0xB0]  }
0x252: {  	v12 =	vadd.f32 v12, v27;
	v22 =	vmul.bf16 v33, v32;
	v23 =	vunpack.i.l.bf16.f32 v9;
	v25 =	vld [tilespmem:s20+$0xA0]  }
0x253: {  	v26 =	vunpack.i.u.bf16.f32 v19;
	v28 =	vunpack.i.l.bf16.f32 v15;
	v27 =	vunpack.i.u.bf16.f32 v20;
	v29 =	vld [tilespmem:s20+$0x90]  }
0x254: {  	v16 =	vmul.bf16 v16, v10;
	v10 =	vunpack.i.l.bf16.f32 v19;
	v19 =	vunpack.i.l.bf16.f32 v20;
	v20 =	vld [tilespmem:s19+$0x90]  }
0x255: {  	v15 =	vunpack.i.u.bf16.f32 v15;
	v30 =	vmul.bf16 v7, v11;
	v19 =	vadd.f32 v19, v27;
	v27 =	vld [tilespmem:s20+$0x80]  }
0x256: {  	v7 =	vadd.f32 v14, v8;
	v11 =	vunpack.i.u.bf16.f32 v22;
	v8 =	vunpack.i.l.bf16.f32 v16;
	v14 =	vld [tilespmem:s19+$0x80]  }
0x257: {  	v26 =	vadd.f32 v10, v26;
	v10 =	vadd.f32 v28, v15;
	v15 =	vunpack.i.l.bf16.f32 v22;
	v22 =	vld [tilespmem:s19+$0xA0]  }
0x258: {  	v5 =	vmul.bf16 v31, v5;
	v9 =	vunpack.i.u.bf16.f32 v9;
	v11 =	vadd.f32 v15, v11;
	v28 =	vld [tilespmem:s19+$0xFFFFFFC0]  }
0x259: {  	v12 =	vadd.f32 v17, v12;
	v9 =	vadd.f32 v23, v9;
	v15 =	vunpack.i.u.bf16.f32 v16  }
0x25a: {  	v17 =	vmul.bf16 v13, v21;
	v15 =	vadd.f32 v8, v15;
	v16 =	vmul.bf16 v29, v20;
	v23 =	vld [tilespmem:s20+$0xD0]  }
0x25b: {  	v8 =	vadd.f32 v19, v26;
	v9 =	vadd.f32 v9, v11;
	v14 =	vmul.bf16 v27, v14;
	v26 =	vld [tilespmem:s19+$0xD0]  }
0x25c: {  	v13 =	vadd.f32 v18, v12;
	v11 =	vunpack.i.l.bf16.f32 v17;
	v12 =	vadd.f32 v15, v24  }
0x25d: {  	v27 =	vmul.bf16 v6, v28;
	v6 =	vunpack.i.u.bf16.f32 v5;
	v19 =	vunpack.i.u.bf16.f32 v14  }
0x25e: {  	v20 =	vadd.f32 v34, v13;
	v13 =	vunpack.i.l.bf16.f32 v16;
	v22 =	vmul.bf16 v25, v22;
	v18 =	vld [tilespmem:s20+$0xE0]  }
.Ltmp4:
0x25f: {  	v15 =	vunpack.i.u.bf16.f32 v16;
	v16 =	vunpack.i.u.bf16.f32 v17;
	v14 =	vunpack.i.l.bf16.f32 v14;
	v21 =	vld [tilespmem:s19+$0xE0];
	(pc) =	sbr.rel @p1 .LBB2_12-.Ltmp4, $4  }
0x260: {  	v5 =	vunpack.i.l.bf16.f32 v5;
	v14 =	vadd.f32 v14, v19;
	v17 =	vunpack.i.u.bf16.f32 v22;
	(xrf2) =	vadd.scan.msk.f32 $0xffff, v20  }
0x261: {  	v19 =	vadd.f32 v5, v6;
	v5 =	vunpack.i.l.bf16.f32 v22;
	v22 =	vunpack.i.l.bf16.f32 v30  }
0x262: {  	v24 =	vunpack.i.u.bf16.f32 v27;
	v6 =	vadd.f32 v5, v17;
	v5 =	vunpack.i.u.bf16.f32 v30;
	v20 =	vld [tilespmem:s20+$0xF0]  }
0x263: {  	v25 =	vunpack.i.l.bf16.f32 v27;
	v17 =	vadd.f32 v22, v5;
	v23 =	vmul.bf16 v23, v26;
	v22 =	vld [tilespmem:s19+$0xF0];
	s19 =	sadd.s32 $0x200, s19  }
0x264: {  	_ = 	snop  }
0x265: {  	v5 =	vadd.f32 v25, v24  }
0x266: {  	v8 =	vadd.f32 v8, v12;
	v52 =	vmul.bf16 v18, v21;
	v13 =	vadd.f32 v13, v15  }
0x267: {  	v11 =	vadd.f32 v11, v16;
	v54 =	vadd.f32 v10, v19;
	v53 =	vunpack.i.l.bf16.f32 v23  }
0x268: {  	v55 =	vunpack.i.u.bf16.f32 v23;
	v3 =	vadd.f32 v3, v5;
	v56 =	vmul.bf16 v20, v22  }
0x269: {  	v13 =	vadd.f32 v13, v14;
	v10 =	vadd.f32 v53, v55;
	v57 =	vunpack.i.l.bf16.f32 v52  }
0x26a: {  	v12 =	vunpack.i.u.bf16.f32 v52;
	v58 =	vunpack.i.u.bf16.f32 v56;
	v16 =	vunpack.i.l.bf16.f32 v56  }
0x26b: {  	v12 =	vadd.f32 v57, v12;
	v59 =	vadd.f32 v16, v58  }
0x26c: {  	v6 =	vadd.f32 v11, v6;
	v3 =	vadd.f32 v4, v3  }
0x26d: {  	v60 =	vadd.f32 v10, v17;
	v61 =	vadd.f32 v59, v12  }
0x26e: {  	v5 =	vadd.f32 v9, v54;
	v3 =	vadd.f32 v3, v7  }
0x26f: {  	v6 =	vadd.f32 v6, v13;
	v4 =	vadd.f32 v61, v60  }
0x270: {  	v5 =	vadd.f32 v5, v8;
	(xrf2) =	vadd.scan.msk.f32 $0xffff, v3  }
0x271: {  	v3 =	vadd.f32 v4, v6  }
0x272: {  	(xrf2) =	vadd.scan.msk.f32 $0xffff, v5  }
0x273: {  	(xrf2) =	vadd.scan.msk.f32 $0xffff, v3;
	_ =	sdelay $0x4  }
0x274: {  	s4 =	sadd.s32 $0x1, s13  }
0x275: {  	vm0 =	veq.s32 v2, v0;
	v2 =	vmov s4;
	v3, _, _ =	vpop (xrf2)  }
0x276: {  	v3 =	vbroadcast v3, $0xF;
	v62, _, _ =	vpop (xrf2)  }
0x277: {  	s9 =	sadd.s32 $0x1, s9;
	v4 =	vbroadcast v62, $0xF  }
0x278: {  	s21 =	sadd.s32 $0x2, s13;
	p1 =	sne.s32 s9, $0x5;
	vm13 =	veq.s32 v2, v0;
	v2, _, _ =	vpop (xrf2);
	v1 =	vsel vm0, v3, v1  }
.Ltmp5:
0x279: {  	s22 =	sadd.s32 $0x3, s13;
	v3 =	vmov s21;
	v2 =	vbroadcast v2, $0xF;
	v1 =	vsel vm13, v4, v1;
	v63, _, _ =	vpop (xrf2);
	(pc) =	sbr.rel @p1 .LBB2_11-.Ltmp5, $4  }
0x27a: {  	vm14 =	veq.s32 v3, v0;
	v3 =	vmov s22;
	v4 =	vbroadcast v63, $0xF  }
0x27b: {  	v1 =	vsel vm14, v2, v1;
	vm15 =	veq.s32 v3, v0  }
0x27c: {  	v1 =	vsel vm15, v4, v1  }
0x27d: {  	s28 =	sadd.s32 $0x800, s28;
	s29 =	sadd.s32 $0x800, s29;
	[tilespmem:s11+$0x14280] =	vst v1  }
0x27e: {  	s4 =	rddreg [dreg:$0x6]  }
0x27f: {  	s4 =	sadd.s32 s15, s4  }
0x280: {  	s4 =	sshrl.u32 s4, $0x3  }
0x281: {  	s4 =	sadd.s32 s7, s4  }
0x282: {  	[hbm4b:s4+s2] =	stream.linear.scatter [tilespmem:s17], [sflag:$0x11], $0x50, $0x38;
	[tilespmem:$0x142D0] =	vst v63  }
0x283: {  	_ =	swait.ge [sflag:s18], $0x50  }
0x284: {  	[sflag:s18] =	ssyncset.done $0x0  }
0x285: {  	[sflag:s18] =	ssyncadd.s32 $0xFFFFFFB0  }
0x286: {  	_ =	swait.ge [sflag:s1], $0x2800  }
0x287: {  	[sflag:s1] =	ssyncset.done $0x0  }
0x288: {  	[sflag:s1] =	ssyncadd.s32 $0xFFFFD800  }
0x289: {  	_ =	swait.ge [sflag:s24], $0x2800  }
0x28a: {  	s4 =	rddreg [dreg:$0x11]  }
0x28b: {  	s4 =	sadd.s32 @!p0 s15, s4  }
0x28c: {  	s11 =	simm.s32 @!p0 $0x0;
	[sflag:s24] =	ssyncset.done $0x0;
	s4 =	sshrl.u32 @!p0 s4, $0x3  }
0x28d: {  	s13 =	simm.s32 @!p0 $0xF0;
	[sflag:s24] =	ssyncadd.s32 $0xFFFFD800;
	s9 =	sadd.s32 @!p0 s5, s4  }
0x28e: {  	[tilespmem:s13], [sflag:$0x4] =	stream.linear.gather @!p0 [hbm4b:s9+s11], $0x50, $0x38;
	[tilespmem:$0x142D0] =	vst v63  }
0x28f: {  	s4 =	sadd.s32 @!p0 s6, s4;
	s9 =	simm.s32 @!p0 $0x230  }
0x290: {  	[tilespmem:s9], [sflag:$0x8] =	stream.linear.gather @!p0 [hbm4b:s4+s11], $0x50, $0x38;
	[tilespmem:$0x142D0] =	vst v63  }
0x291: {  	s4 =	simm.s32 @!p0 $0x3  }
0x292: {  	_ =	swait.ge @!p0 [sflag:s4], $0x50  }
0x293: {  	[sflag:s4] =	ssyncset.done @!p0 $0x0  }
0x294: {  	[sflag:s4] =	ssyncadd.s32 @!p0 $0xFFFFFFB0;
	s4 =	simm.s32 @!p0 $0x7  }
0x295: {  	_ =	swait.ge @!p0 [sflag:s4], $0x50  }
0x296: {  	s9 =	simm.s32 @!p0 $0xA0;
	[sflag:s4] =	ssyncset.done @!p0 $0x0  }
0x297: {  	s11 =	simm.s32 @!p0 $0x5280;
	[sflag:s4] =	ssyncadd.s32 @!p0 $0xFFFFFFB0;
	s4 =	simm.s32 @!p0 $0x50  }
0x298: {  	[tilespmem:s11], [sflag:$0xB] =	stream.indirect.gather @!p0 [hbm4b:s3+s4], $0x80, s9, s4, $0xb8;
	[tilespmem:$0x142D0] =	vst v63  }
0x299: {  	s16 =	simm.s32 $0x0;
	s9 =	simm.s32 @!p0 $0x1E0;
	s11 =	simm.s32 @!p0 $0xF280  }
0x29a: {  	[tilespmem:s11], [sflag:$0xF] =	stream.indirect.gather @!p0 [hbm4b:s3+s4], $0x80, s9, s4, $0xb8;
	[tilespmem:$0x142D0] =	vst v63  }
0x29b: {  	s28 =	simm.s32 $0x11B80;
	s29 =	simm.s32 $0x7B80;
	s9 =	simm.s32 $0x0  }
.LBB2_15:
0x29c: {  	v5 =	vld [tilespmem:s29+$0x40]  }
0x29d: {  	v2 =	vld [tilespmem:s29+$0xFFFFFF30]  }
0x29e: {  	v3 =	vld [tilespmem:s28+$0xFFFFFF30]  }
0x29f: {  	v4 =	vld [tilespmem:s29+$0xFFFFFF40]  }
0x2a0: {  	v8 =	vld [tilespmem:s28+$0xFFFFFF40]  }
0x2a1: {  	v9 =	vld [tilespmem:s29+$0xFFFFFF50]  }
0x2a2: {  	v10 =	vld [tilespmem:s28+$0xFFFFFF50]  }
0x2a3: {  	v11 =	vld [tilespmem:s29+$0xFFFFFF60]  }
0x2a4: {  	v12 =	vld [tilespmem:s28+$0xFFFFFF60]  }
0x2a5: {  	v13 =	vld [tilespmem:s29+$0xFFFFFF70]  }
0x2a6: {  	v14 =	vld [tilespmem:s28+$0xFFFFFF70]  }
0x2a7: {  	v7 =	vld [tilespmem:s28+$0xC0]  }
0x2a8: {  	v15 =	vld [tilespmem:s29+$0xFFFFFF00]  }
0x2a9: {  	v17 =	vld [tilespmem:s29+$0xFFFFFF90]  }
0x2aa: {  	v18 =	vld [tilespmem:s28+$0xFFFFFF90]  }
0x2ab: {  	v1 =	vld [tilespmem:s29+$0xFFFFFFA0]  }
0x2ac: {  	v19 =	vld [tilespmem:s28+$0xFFFFFFA0]  }
0x2ad: {  	v20 =	vld [tilespmem:s29+$0xFFFFFFB0]  }
0x2ae: {  	v21 =	vld [tilespmem:s28+$0xFFFFFFB0]  }
0x2af: {  	v16 =	vld [tilespmem:s28+$0xFFFFFF80]  }
0x2b0: {  	v6 =	vld [tilespmem:s28+$0xFFFFFFC0]  }
0x2b1: {  	v33 =	vld [tilespmem:s28+$0x40]  }
0x2b2: {  	v22 =	vld [tilespmem:s29+$0xFFFFFFD0];
	v19 =	vmul.bf16 v19, v1  }
0x2b3: {  	v23 =	vld [tilespmem:s28+$0xFFFFFFD0];
	v20 =	vmul.bf16 v21, v20;
	v17 =	vmul.bf16 v18, v17  }
0x2b4: {  	v24 =	vld [tilespmem:s29+$0xFFFFFFE0];
	v9 =	vmul.bf16 v10, v9;
	v13 =	vmul.bf16 v14, v13  }
0x2b5: {  	v27 =	vld [tilespmem:s28+$0xFFFFFFF0];
	v11 =	vmul.bf16 v12, v11;
	v32 =	vmul.bf16 v3, v2  }
0x2b6: {  	v29 =	vld [tilespmem:s28+$0x70];
	v1 =	vimm.f32 $0.0e+00;
	v4 =	vmul.bf16 v8, v4;
	v5 =	vmul.bf16 v33, v5  }
0x2b7: {  	v30 =	vld [tilespmem:s28+$0xFFFFFF20];
	v25 =	vunpack.i.u.bf16.f32 v19;
	v19 =	vunpack.i.l.bf16.f32 v19;
	v26 =	vunpack.i.u.bf16.f32 v20  }
0x2b8: {  	v21 =	vld [tilespmem:s28+$0xFFFFFFE0];
	v10 =	vunpack.i.l.bf16.f32 v20;
	v20 =	vmul.bf16 v23, v22;
	v14 =	vunpack.i.l.bf16.f32 v9  }
0x2b9: {  	v18 =	vld [tilespmem:s29+$0xFFFFFFF0];
	v12 =	vunpack.i.l.bf16.f32 v13;
	v13 =	vunpack.i.u.bf16.f32 v13;
	v31 =	vunpack.i.u.bf16.f32 v11  }
0x2ba: {  	v56 =	vld [tilespmem:s29+$0x60];
	v11 =	vunpack.i.l.bf16.f32 v11;
	v2 =	vunpack.i.u.bf16.f32 v9;
	v54 =	vunpack.i.l.bf16.f32 v17  }
0x2bb: {  	v22 =	vld [tilespmem:s28+$0x0];
	v55 =	vunpack.i.u.bf16.f32 v32;
	v19 =	vadd.f32 v19, v25;
	v10 =	vadd.f32 v10, v26  }
0x2bc: {  	v9 =	vld [tilespmem:s29+$0xFFFFFF10];
	v17 =	vunpack.i.u.bf16.f32 v17;
	v11 =	vadd.f32 v11, v31;
	v8 =	vadd.f32 v12, v13  }
0x2bd: {  	v12 =	vadd.f32 v14, v2;
	v14 =	vld [tilespmem:s28+$0xFFFFFF00];
	v25 =	vunpack.i.u.bf16.f32 v20;
	v20 =	vunpack.i.l.bf16.f32 v20  }
0x2be: {  	v21 =	vmul.bf16 v21, v24;
	v18 =	vmul.bf16 v27, v18;
	v27 =	vld [tilespmem:s29+$0xFFFFFF20];
	v3 =	vadd.f32 v20, v25  }
0x2bf: {  	v20 =	vld [tilespmem:s28+$0xFFFFFF10];
	v25 =	vunpack.i.u.bf16.f32 v4;
	v4 =	vunpack.i.l.bf16.f32 v4;
	v8 =	vadd.f32 v8, v11  }
0x2c0: {  	v11 =	vld [tilespmem:s29+$0x0];
	v4 =	vadd.f32 v4, v25;
	v28 =	vunpack.i.l.bf16.f32 v21;
	v21 =	vunpack.i.u.bf16.f32 v21  }
0x2c1: {  	v25 =	vld [tilespmem:s29+$0xFFFFFF80];
	v13 =	vunpack.i.u.bf16.f32 v18;
	v18 =	vunpack.i.l.bf16.f32 v18;
	v21 =	vadd.f32 v28, v21  }
0x2c2: {  	v59 =	vld [tilespmem:s28+$0x60];
	v2 =	vmov s16;
	v12 =	vadd.f32 v12, v4;
	v4 =	vadd.f32 v18, v13  }
0x2c3: {  	v26 =	vld [tilespmem:s29+$0x30];
	v17 =	vadd.f32 v54, v17;
	v10 =	vadd.f32 v10, v19;
	v14 =	vmul.bf16 v14, v15  }
0x2c4: {  	v24 =	vld [tilespmem:s29+$0x20];
	v27 =	vmul.bf16 v30, v27;
	v9 =	vmul.bf16 v20, v9;
	v4 =	vadd.f32 v4, v21  }
0x2c5: {  	v19 =	vld [tilespmem:s28+$0x50];
	v11 =	vmul.bf16 v22, v11;
	v34 =	vadd.f32 v8, v12;
	v12 =	vunpack.i.l.bf16.f32 v14  }
0x2c6: {  	v13 =	vld [tilespmem:s28+$0x20];
	v16 =	vmul.bf16 v16, v25;
	v25 =	vunpack.i.l.bf16.f32 v32;
	v18 =	vunpack.i.u.bf16.f32 v27  }
0x2c7: {  	v20 =	vld [tilespmem:s29+$0x50];
	v15 =	vunpack.i.l.bf16.f32 v27;
	v21 =	vunpack.i.l.bf16.f32 v9;
	v9 =	vunpack.i.u.bf16.f32 v9  }
0x2c8: {  	v22 =	vld [tilespmem:s29+$0x70];
	v25 =	vadd.f32 v25, v55;
	v58 =	vunpack.i.u.bf16.f32 v11;
	v11 =	vunpack.i.l.bf16.f32 v11  }
0x2c9: {  	v27 =	vld [tilespmem:s28+$0x30];
	v15 =	vadd.f32 v15, v18;
	v18 =	vunpack.i.u.bf16.f32 v14;
	v57 =	vunpack.i.u.bf16.f32 v16  }
0x2ca: {  	v23 =	vld [tilespmem:s28+$0x10];
	v16 =	vunpack.i.l.bf16.f32 v16;
	v11 =	vadd.f32 v11, v58;
	v9 =	vadd.f32 v21, v9  }
0x2cb: {  	v14 =	vld [tilespmem:s29+$0x10];
	v13 =	vmul.bf16 v13, v24;
	v8 =	vadd.f32 v16, v57;
	v12 =	vadd.f32 v12, v18  }
0x2cc: {  	v60 =	vld [tilespmem:s28+$0x90];
	v18 =	vmul.bf16 v59, v56;
	v16 =	vmul.bf16 v19, v20;
	v15 =	vadd.f32 v25, v15  }
0x2cd: {  	v19 =	vld [tilespmem:s29+$0xC0];
	v25 =	vunpack.i.u.bf16.f32 v13;
	v13 =	vunpack.i.l.bf16.f32 v13;
	v8 =	vadd.f32 v17, v8  }
0x2ce: {  	v62 =	vld [tilespmem:s29+$0x80];
	v17 =	vmul.bf16 v29, v22;
	v13 =	vadd.f32 v13, v25;
	v21 =	vmul.bf16 v27, v26  }
0x2cf: {  	v20 =	vld [tilespmem:s28+$0xB0];
	v12 =	vadd.f32 v9, v12;
	v27 =	vunpack.i.l.bf16.f32 v16;
	v16 =	vunpack.i.u.bf16.f32 v16  }
0x2d0: {  	v22 =	vld [tilespmem:s29+$0xB0];
	v14 =	vmul.bf16 v23, v14;
	v26 =	vunpack.i.u.bf16.f32 v21;
	v21 =	vunpack.i.l.bf16.f32 v21  }
0x2d1: {  	v24 =	vunpack.i.l.bf16.f32 v17;
	v23 =	vld [tilespmem:s29+$0x90];
	v17 =	vunpack.i.u.bf16.f32 v17;
	v21 =	vadd.f32 v21, v26  }
0x2d2: {  	v26 =	vld [tilespmem:s28+$0x80];
	v61 =	vmul.bf16 v7, v19;
	v7 =	vadd.f32 v10, v8;
	v8 =	vunpack.i.l.bf16.f32 v14  }
0x2d3: {  	v19 =	vunpack.i.u.bf16.f32 v18;
	v10 =	vadd.f32 v27, v16;
	v16 =	vunpack.i.l.bf16.f32 v18;
	v18 =	vld [tilespmem:s29+$0xFFFFFFC0]  }
0x2d4: {  	v63 =	vld [tilespmem:s28+$0xA0];
	v9 =	vunpack.i.u.bf16.f32 v14;
	v14 =	vadd.f32 v24, v17;
	v16 =	vadd.f32 v16, v19  }
0x2d5: {  	v19 =	vld [tilespmem:s29+$0xA0];
	v17 =	vadd.f32 v8, v9;
	v20 =	vmul.bf16 v20, v22;
	v8 =	vadd.f32 v21, v13  }
0x2d6: {  	v13 =	vadd.f32 v15, v12;
	v23 =	vmul.bf16 v60, v23;
	v9 =	vadd.f32 v14, v16  }
0x2d7: {  	v12 =	vadd.f32 v17, v11;
	v11 =	vunpack.i.l.bf16.f32 v20;
	v16 =	vunpack.i.u.bf16.f32 v20  }
0x2d8: {  	v22 =	vld [tilespmem:s28+$0xD0];
	v25 =	vadd.f32 v34, v13;
	v14 =	vmul.bf16 v26, v62;
	v17 =	vmul.bf16 v6, v18  }
0x2d9: {  	v6 =	vunpack.i.u.bf16.f32 v5;
	v26 =	vld [tilespmem:s29+$0xD0];
	v13 =	vunpack.i.l.bf16.f32 v23;
	v15 =	vunpack.i.u.bf16.f32 v23  }
0x2da: {  	v18 =	vld [tilespmem:s28+$0xE0];
	v24 =	vmul.bf16 v63, v19;
	v21 =	vunpack.i.u.bf16.f32 v14;
	v14 =	vunpack.i.l.bf16.f32 v14  }
0x2db: {  	v5 =	vunpack.i.l.bf16.f32 v5;
	v23 =	vunpack.i.l.bf16.f32 v61;
	v14 =	vadd.f32 v14, v21;
	v21 =	vld [tilespmem:s29+$0xE0]  }
0x2dc: {  	v19 =	vadd.f32 v5, v6;
	(xrf2) =	vadd.scan.msk.f32 $0xffff, v25;
	v20 =	vunpack.i.u.bf16.f32 v24;
	v5 =	vunpack.i.l.bf16.f32 v24  }
0x2dd: {  	s11 =	sshll.u32 s9, $0x4;
	s4 =	simm.s32 $0x4;
	v25 =	vunpack.i.l.bf16.f32 v17;
	v6 =	vadd.f32 v5, v20;
	v5 =	vunpack.i.u.bf16.f32 v61;
	v20 =	vld [tilespmem:s28+$0xF0]  }
0x2de: {  	s19 =	sadd.s32 $0x200, s29;
	s20 =	smov.u32 s28;
	s13 =	simm.s32 $0x0;
	v24 =	vunpack.i.u.bf16.f32 v17;
	v17 =	vadd.f32 v23, v5;
	v23 =	vmul.bf16 v22, v26;
	v22 =	vld [tilespmem:s29+$0xF0]  }
.LBB2_16:
0x2df: {  	p0 =	slt.u32 s4, $0xC  }
0x2e0: {  	v5 =	vld [tilespmem:s19+$0x40];
	v24 =	vadd.f32 v25, v24;
	v25 =	vadd.f32 v8, v12;
	v18 =	vmul.bf16 v18, v21;
	s20 =	sadd.s32 $0x200, s20;
	s21 =	smov.u32 s4;
	s4 =	sadd.s32 $0x4, s4  }
0x2e1: {  	v12 =	vadd.f32 v13, v15;
	v13 =	vadd.f32 v11, v16;
	v8 =	vld [tilespmem:s19+$0xFFFFFF30];
	v15 =	vunpack.i.l.bf16.f32 v23  }
0x2e2: {  	v16 =	vadd.f32 v10, v19;
	v19 =	vunpack.i.u.bf16.f32 v23;
	v11 =	vld [tilespmem:s20+$0xFFFFFF30];
	v3 =	vadd.f32 v3, v24  }
0x2e3: {  	v14 =	vadd.f32 v12, v14;
	v15 =	vadd.f32 v15, v19;
	v19 =	vunpack.i.l.bf16.f32 v18;
	v10 =	vld [tilespmem:s19+$0xFFFFFF40]  }
0x2e4: {  	v12 =	vld [tilespmem:s20+$0xFFFFFF40];
	v3 =	vadd.f32 v4, v3;
	v4 =	vunpack.i.u.bf16.f32 v18;
	v18 =	vmul.bf16 v20, v22  }
0x2e5: {  	v15 =	vadd.f32 v15, v17;
	v20 =	vld [tilespmem:s19+$0xFFFFFF50]  }
0x2e6: {  	v17 =	vld [tilespmem:s20+$0xFFFFFF50];
	v3 =	vadd.f32 v3, v7;
	v7 =	vadd.f32 v9, v16;
	v9 =	vunpack.i.u.bf16.f32 v18;
	v16, _, _ =	vpop (xrf2)  }
0x2e7: {  	v4 =	vadd.f32 v19, v4;
	v18 =	vunpack.i.l.bf16.f32 v18;
	v21 =	vld [tilespmem:s19+$0xFFFFFF60];
	v16 =	vbroadcast v16, $0xF  }
0x2e8: {  	v19 =	vld [tilespmem:s20+$0xFFFFFF60];
	v22 =	vadd.f32 v7, v25;
	v7 =	vadd.f32 v18, v9;
	(xrf2) =	vadd.scan.msk.f32 $0xffff, v3  }
0x2e9: {  	v3 =	vld [tilespmem:s19+$0xFFFFFF70]  }
0x2ea: {  	v6 =	vadd.f32 v13, v6;
	v18 =	vld [tilespmem:s20+$0xFFFFFF70];
	v9 =	vadd.f32 v7, v4  }
0x2eb: {  	v7 =	vld [tilespmem:s20+$0xC0];
	(xrf2) =	vadd.scan.msk.f32 $0xffff, v22  }
0x2ec: {  	v6 =	vadd.f32 v6, v14;
	v4 =	vld [tilespmem:s19+$0xFFFFFF00];
	v13 =	vadd.f32 v9, v15  }
0x2ed: {  	v9 =	vld [tilespmem:s20+$0xFFFFFF80]  }
0x2ee: {  	v14 =	vld [tilespmem:s19+$0xFFFFFF90];
	v6 =	vadd.f32 v13, v6  }
0x2ef: {  	v13 =	vld [tilespmem:s20+$0xFFFFFF90]  }
0x2f0: {  	v15 =	vld [tilespmem:s19+$0xFFFFFFA0];
	(xrf2) =	vadd.scan.msk.f32 $0xffff, v6  }
0x2f1: {  	v22 =	vld [tilespmem:s20+$0xFFFFFFA0]  }
0x2f2: {  	s22 =	sadd.s32 $0x1, s13;
	v23 =	vld [tilespmem:s19+$0xFFFFFFB0];
	v6, _, _ =	vpop (xrf2)  }
0x2f3: {  	vm0 =	veq.s32 v2, v0;
	v2 =	vmov s22;
	v24 =	vld [tilespmem:s20+$0xFFFFFFB0];
	v25 =	vbroadcast v6, $0xF  }
0x2f4: {  	v1 =	vsel vm0, v16, v1;
	vm0 =	veq.s32 v2, v0;
	v6 =	vld [tilespmem:s20+$0xFFFFFFC0]  }
0x2f5: {  	v2 =	vld [tilespmem:s19+$0xFFFFFFD0];
	v1 =	vsel vm0, v25, v1;
	v16, _, _ =	vpop (xrf2)  }
0x2f6: {  	s22 =	sadd.s32 $0x2, s13;
	v25 =	vld [tilespmem:s20+$0xFFFFFFD0]  }
0x2f7: {  	v26 =	vmov s22;
	v15 =	vmul.bf16 v22, v15;
	v16 =	vbroadcast v16, $0xF;
	v22 =	vld [tilespmem:s19+$0xFFFFFFE0]  }
0x2f8: {  	vm0 =	veq.s32 v26, v0;
	v23 =	vmul.bf16 v24, v23;
	v24 =	vld [tilespmem:s20+$0xFFFFFFE0]  }
0x2f9: {  	s22 =	sadd.s32 $0x3, s13;
	s13 =	smov.u32 s21;
	v13 =	vmul.bf16 v13, v14;
	v14 =	vunpack.i.u.bf16.f32 v15;
	v1 =	vsel vm0, v16, v1;
	v26 =	vld [tilespmem:s19+$0xFFFFFFF0]  }
0x2fa: {  	v28 =	vmov s22;
	v15 =	vunpack.i.l.bf16.f32 v15;
	v16 =	vunpack.i.u.bf16.f32 v23;
	v27 =	vld [tilespmem:s20+$0xFFFFFFF0];
	v29, _, _ =	vpop (xrf2)  }
0x2fb: {  	v17 =	vmul.bf16 v17, v20;
	v20 =	vunpack.i.l.bf16.f32 v23;
	v2 =	vmul.bf16 v25, v2;
	v23 =	vld [tilespmem:s20+$0x0]  }
0x2fc: {  	vm0 =	veq.s32 v28, v0;
	v14 =	vadd.f32 v15, v14;
	v15 =	vadd.f32 v20, v16;
	v16 =	vld [tilespmem:s20+$0x10]  }
0x2fd: {  	v3 =	vmul.bf16 v18, v3;
	v20 =	vunpack.i.l.bf16.f32 v17;
	v18 =	vmul.bf16 v24, v22;
	v22 =	vld [tilespmem:s19+$0x20]  }
0x2fe: {  	v28 =	vbroadcast v29, $0xF;
	v24 =	vunpack.i.u.bf16.f32 v2;
	v2 =	vunpack.i.l.bf16.f32 v2;
	v25 =	vld [tilespmem:s19+$0x30]  }
0x2ff: {  	v19 =	vmul.bf16 v19, v21;
	v21 =	vunpack.i.l.bf16.f32 v3;
	v29 =	vunpack.i.l.bf16.f32 v18;
	v30 =	vld [tilespmem:s20+$0x70]  }
0x300: {  	v31 =	vunpack.i.u.bf16.f32 v3;
	v1 =	vsel vm0, v28, v1;
	v18 =	vunpack.i.u.bf16.f32 v18;
	v32 =	vld [tilespmem:s19+$0x60]  }
0x301: {  	v3 =	vunpack.i.u.bf16.f32 v19;
	v19 =	vunpack.i.l.bf16.f32 v19;
	v26 =	vmul.bf16 v27, v26;
	v28 =	vld [tilespmem:s20+$0xFFFFFF20]  }
0x302: {  	v8 =	vmul.bf16 v11, v8;
	v11 =	vadd.f32 v19, v3;
	v3 =	vadd.f32 v2, v24;
	v27 =	vld [tilespmem:s19+$0xFFFFFF20]  }
0x303: {  	v10 =	vmul.bf16 v12, v10;
	v12 =	vadd.f32 v21, v31;
	v2 =	vunpack.i.u.bf16.f32 v17;
	v19 =	vld [tilespmem:s20+$0xFFFFFF10]  }
0x304: {  	v20 =	vadd.f32 v20, v2;
	v2 =	vmov s13;
	v21 =	vunpack.i.u.bf16.f32 v26;
	v17 =	vld [tilespmem:s19+$0xFFFFFF10]  }
0x305: {  	v31 =	vunpack.i.u.bf16.f32 v10;
	v10 =	vunpack.i.l.bf16.f32 v10;
	v26 =	vunpack.i.l.bf16.f32 v26;
	v24 =	vld [tilespmem:s20+$0xFFFFFF00]  }
0x306: {  	v10 =	vadd.f32 v10, v31;
	v33 =	vunpack.i.l.bf16.f32 v13;
	v18 =	vadd.f32 v29, v18;
	v31 =	vld [tilespmem:s19+$0xFFFFFF80]  }
0x307: {  	v11 =	vadd.f32 v12, v11;
	v27 =	vmul.bf16 v28, v27;
	v28 =	vunpack.i.u.bf16.f32 v8;
	v12 =	vld [tilespmem:s19+$0x0]  }
0x308: {  	v13 =	vunpack.i.u.bf16.f32 v13;
	v10 =	vadd.f32 v20, v10;
	v20 =	vadd.f32 v26, v21;
	v21 =	vld [tilespmem:s20+$0x20]  }
0x309: {  	v14 =	vadd.f32 v15, v14;
	v17 =	vmul.bf16 v19, v17;
	v19 =	vunpack.i.u.bf16.f32 v27;
	v15 =	vld [tilespmem:s20+$0x50]  }
0x30a: {  	v26 =	vunpack.i.l.bf16.f32 v27;
	v24 =	vmul.bf16 v24, v4;
	v4 =	vadd.f32 v20, v18;
	v18 =	vld [tilespmem:s19+$0x50]  }
0x30b: {  	v19 =	vadd.f32 v26, v19;
	v20 =	vunpack.i.l.bf16.f32 v17;
	v9 =	vmul.bf16 v9, v31;
	v26 =	vld [tilespmem:s20+$0x30]  }
0x30c: {  	v8 =	vunpack.i.l.bf16.f32 v8;
	v27 =	vunpack.i.u.bf16.f32 v24;
	v12 =	vmul.bf16 v23, v12;
	v23 =	vld [tilespmem:s19+$0x70]  }
0x30d: {  	v17 =	vunpack.i.u.bf16.f32 v17;
	v29 =	vunpack.i.u.bf16.f32 v9;
	v9 =	vunpack.i.l.bf16.f32 v9;
	v31 =	vld [tilespmem:s20+$0x40]  }
0x30e: {  	v13 =	vadd.f32 v33, v13;
	v8 =	vadd.f32 v8, v28;
	v28 =	vunpack.i.u.bf16.f32 v12;
	v33 =	vld [tilespmem:s20+$0x60]  }
0x30f: {  	v34 =	vadd.f32 v11, v10;
	v9 =	vadd.f32 v9, v29;
	v10 =	vunpack.i.l.bf16.f32 v12;
	v11 =	vld [tilespmem:s19+$0xC0]  }
0x310: {  	v12 =	vunpack.i.l.bf16.f32 v24;
	v24 =	vadd.f32 v10, v28;
	v15 =	vmul.bf16 v15, v18;
	v10 =	vld [tilespmem:s19+$0x10]  }
0x311: {  	v18 =	vadd.f32 v8, v19;
	v8 =	vadd.f32 v13, v9;
	v9 =	vmul.bf16 v30, v23;
	v13 =	vld [tilespmem:s20+$0xB0]  }
0x312: {  	v17 =	vadd.f32 v20, v17;
	v19 =	vmul.bf16 v21, v22;
	v20 =	vmul.bf16 v26, v25;
	v21 =	vld [tilespmem:s19+$0xB0]  }
0x313: {  	v12 =	vadd.f32 v12, v27;
	v22 =	vmul.bf16 v33, v32;
	v23 =	vunpack.i.l.bf16.f32 v9;
	v25 =	vld [tilespmem:s20+$0xA0]  }
0x314: {  	v26 =	vunpack.i.u.bf16.f32 v19;
	v28 =	vunpack.i.l.bf16.f32 v15;
	v27 =	vunpack.i.u.bf16.f32 v20;
	v29 =	vld [tilespmem:s20+$0x90]  }
0x315: {  	v16 =	vmul.bf16 v16, v10;
	v10 =	vunpack.i.l.bf16.f32 v19;
	v19 =	vunpack.i.l.bf16.f32 v20;
	v20 =	vld [tilespmem:s19+$0x90]  }
0x316: {  	v15 =	vunpack.i.u.bf16.f32 v15;
	v30 =	vmul.bf16 v7, v11;
	v19 =	vadd.f32 v19, v27;
	v27 =	vld [tilespmem:s20+$0x80]  }
0x317: {  	v7 =	vadd.f32 v14, v8;
	v11 =	vunpack.i.u.bf16.f32 v22;
	v8 =	vunpack.i.l.bf16.f32 v16;
	v14 =	vld [tilespmem:s19+$0x80]  }
0x318: {  	v26 =	vadd.f32 v10, v26;
	v10 =	vadd.f32 v28, v15;
	v15 =	vunpack.i.l.bf16.f32 v22;
	v22 =	vld [tilespmem:s19+$0xA0]  }
0x319: {  	v5 =	vmul.bf16 v31, v5;
	v9 =	vunpack.i.u.bf16.f32 v9;
	v11 =	vadd.f32 v15, v11;
	v28 =	vld [tilespmem:s19+$0xFFFFFFC0]  }
0x31a: {  	v12 =	vadd.f32 v17, v12;
	v9 =	vadd.f32 v23, v9;
	v15 =	vunpack.i.u.bf16.f32 v16  }
0x31b: {  	v17 =	vmul.bf16 v13, v21;
	v15 =	vadd.f32 v8, v15;
	v16 =	vmul.bf16 v29, v20;
	v23 =	vld [tilespmem:s20+$0xD0]  }
0x31c: {  	v8 =	vadd.f32 v19, v26;
	v9 =	vadd.f32 v9, v11;
	v14 =	vmul.bf16 v27, v14;
	v26 =	vld [tilespmem:s19+$0xD0]  }
0x31d: {  	v13 =	vadd.f32 v18, v12;
	v11 =	vunpack.i.l.bf16.f32 v17;
	v12 =	vadd.f32 v15, v24  }
0x31e: {  	v27 =	vmul.bf16 v6, v28;
	v6 =	vunpack.i.u.bf16.f32 v5;
	v19 =	vunpack.i.u.bf16.f32 v14  }
0x31f: {  	v20 =	vadd.f32 v34, v13;
	v13 =	vunpack.i.l.bf16.f32 v16;
	v22 =	vmul.bf16 v25, v22;
	v18 =	vld [tilespmem:s20+$0xE0]  }
.Ltmp6:
0x320: {  	v15 =	vunpack.i.u.bf16.f32 v16;
	v16 =	vunpack.i.u.bf16.f32 v17;
	v14 =	vunpack.i.l.bf16.f32 v14;
	v21 =	vld [tilespmem:s19+$0xE0];
	(pc) =	sbr.rel @p0 .LBB2_16-.Ltmp6, $4  }
0x321: {  	v5 =	vunpack.i.l.bf16.f32 v5;
	v14 =	vadd.f32 v14, v19;
	v17 =	vunpack.i.u.bf16.f32 v22;
	(xrf2) =	vadd.scan.msk.f32 $0xffff, v20  }
0x322: {  	v19 =	vadd.f32 v5, v6;
	v5 =	vunpack.i.l.bf16.f32 v22;
	v22 =	vunpack.i.l.bf16.f32 v30  }
0x323: {  	v24 =	vunpack.i.u.bf16.f32 v27;
	v6 =	vadd.f32 v5, v17;
	v5 =	vunpack.i.u.bf16.f32 v30;
	v20 =	vld [tilespmem:s20+$0xF0]  }
0x324: {  	v25 =	vunpack.i.l.bf16.f32 v27;
	v17 =	vadd.f32 v22, v5;
	v23 =	vmul.bf16 v23, v26;
	v22 =	vld [tilespmem:s19+$0xF0];
	s19 =	sadd.s32 $0x200, s19  }
0x325: {  	_ = 	snop  }
0x326: {  	v5 =	vadd.f32 v25, v24  }
0x327: {  	v8 =	vadd.f32 v8, v12;
	v52 =	vmul.bf16 v18, v21;
	v13 =	vadd.f32 v13, v15  }
0x328: {  	v11 =	vadd.f32 v11, v16;
	v54 =	vadd.f32 v10, v19;
	v53 =	vunpack.i.l.bf16.f32 v23  }
0x329: {  	v55 =	vunpack.i.u.bf16.f32 v23;
	v3 =	vadd.f32 v3, v5;
	v56 =	vmul.bf16 v20, v22  }
0x32a: {  	v13 =	vadd.f32 v13, v14;
	v10 =	vadd.f32 v53, v55;
	v57 =	vunpack.i.l.bf16.f32 v52  }
0x32b: {  	v12 =	vunpack.i.u.bf16.f32 v52;
	v58 =	vunpack.i.u.bf16.f32 v56;
	v16 =	vunpack.i.l.bf16.f32 v56  }
0x32c: {  	v12 =	vadd.f32 v57, v12;
	v59 =	vadd.f32 v16, v58  }
0x32d: {  	v6 =	vadd.f32 v11, v6;
	v3 =	vadd.f32 v4, v3  }
0x32e: {  	v60 =	vadd.f32 v10, v17;
	v61 =	vadd.f32 v59, v12  }
0x32f: {  	v5 =	vadd.f32 v9, v54;
	v3 =	vadd.f32 v3, v7  }
0x330: {  	v6 =	vadd.f32 v6, v13;
	v4 =	vadd.f32 v61, v60  }
0x331: {  	v5 =	vadd.f32 v5, v8;
	(xrf2) =	vadd.scan.msk.f32 $0xffff, v3  }
0x332: {  	v3 =	vadd.f32 v4, v6  }
0x333: {  	(xrf2) =	vadd.scan.msk.f32 $0xffff, v5  }
0x334: {  	(xrf2) =	vadd.scan.msk.f32 $0xffff, v3;
	_ =	sdelay $0x4  }
0x335: {  	s4 =	sadd.s32 $0x1, s13  }
0x336: {  	vm0 =	veq.s32 v2, v0;
	v2 =	vmov s4;
	v3, _, _ =	vpop (xrf2)  }
0x337: {  	v3 =	vbroadcast v3, $0xF;
	v62, _, _ =	vpop (xrf2)  }
0x338: {  	s9 =	sadd.s32 $0x1, s9;
	v4 =	vbroadcast v62, $0xF  }
0x339: {  	s21 =	sadd.s32 $0x2, s13;
	p0 =	sne.s32 s9, $0x5;
	vm13 =	veq.s32 v2, v0;
	v2, _, _ =	vpop (xrf2);
	v1 =	vsel vm0, v3, v1  }
.Ltmp7:
0x33a: {  	s22 =	sadd.s32 $0x3, s13;
	v3 =	vmov s21;
	v2 =	vbroadcast v2, $0xF;
	v1 =	vsel vm13, v4, v1;
	v63, _, _ =	vpop (xrf2);
	(pc) =	sbr.rel @p0 .LBB2_15-.Ltmp7, $4  }
0x33b: {  	vm14 =	veq.s32 v3, v0;
	v3 =	vmov s22;
	v4 =	vbroadcast v63, $0xF  }
0x33c: {  	v1 =	vsel vm14, v2, v1;
	vm15 =	veq.s32 v3, v0  }
0x33d: {  	v1 =	vsel vm15, v4, v1  }
0x33e: {  	s28 =	sadd.s32 $0x800, s28;
	s29 =	sadd.s32 $0x800, s29;
	[tilespmem:s11+$0x14280] =	vst v1  }
0x33f: {  	s4 =	rddreg [dreg:$0x8]  }
0x340: {  	s26 =	sadd.s32 $0x1, s26;
	s4 =	sadd.s32 s15, s4  }
0x341: {  	p0 =	sne.s32 s26, $0x7D;
	s4 =	sshrl.u32 s4, $0x3  }
.Ltmp8:
0x342: {  	s4 =	sadd.s32 s7, s4;
	(pc) =	sbr.rel @p0 .LBB2_2-.Ltmp8, $4  }
0x343: {  	[hbm4b:s4+s2] =	stream.linear.scatter [tilespmem:s17], [sflag:$0x11], $0x50, $0x38;
	[tilespmem:$0x142D0] =	vst v63  }
0x344: {  	_ =	swait.ge [sflag:s18], $0x50  }
0x345: {  	[sflag:s18] =	ssyncset.done $0x0  }
0x346: {  	[sflag:s18] =	ssyncadd.s32 $0xFFFFFFB0  }
0x347: {  	s9 =	rddreg [dreg:$0x13]  }
0x348: {  	s4 =	rddreg [dreg:$0x12];
	s9 =	sadd.s32 $0x1, s9  }
0x349: {  	p0 =	sne.s32 s9, s4  }
.Ltmp9:
0x34a: {  	_ = 	snop;
	(pc) =	sbr.rel @p0 .LBB2_1-.Ltmp9, $1  }
0x34b: {  	_ =	sdelay $0x3  }
0x34c: {  	_ =	sfence.sel $0x180000  }
0x34d: {  	[bflag:$0x0] =	sbarrier.arrive $0xFFFF  }
0x34e: {  	_ =	strace $0x90000047  }
0x34f: {  	s0 =	stileid.u32;
	[bflag:$0x2] =	sbarrier.arrive $0xFFFF  }
0x350: {  	p0 =	sne.s32 s0, $0x0;
	s0 =	rddreg [dreg:$0x1]  }
0x351: {  	s0 =	sadd.s32 @!p0 $0x100000, s0  }
0x352: {  	[sflag:s0] =	ssyncadd.tile.s32 @!p0 $0x1;
	_ =	shalt  }
.Lfunc_end2:
_tile_overlayer_lowered:
.L_overlay_start_2:
0x353: {  	(tag) =	ssettag $0x2  }
0x354: {  	s0 =	rddreg [dreg:$0x0];
	s2 =	stileid.u32  }
0x355: {  	s1 =	rddreg [dreg:$0x1];
	p0 =	sne.s32 s2, $0x0  }
0x356: {  	s3 =	rddreg [dreg:$0x2];
	[bflag:$0x3] =	sbarrier.arrive $0xFFFF;
	s2 =	simm.s32 @!p0 $0x1C11  }
0x357: {  	[timem:s3], [sflag:s2] =	dma.local @!p0 [hbm:s0], s1  }
0x358: {  	s0 =	simm.s32 @!p0 $0x11  }
0x359: {  	_ =	swait.ge @!p0 [sflag:s0], s1  }
0x35a: {  	s1 =	ssub.s32 @!p0 $0x0, s1;
	[sflag:s0] =	ssyncset.done @!p0 $0x0  }
0x35b: {  	[sflag:s0] =	ssyncadd.s32 @!p0 s1  }
0x35c: {  	[bflag:$0x3] =	sbarrier.arrive $0xFFFF  }
0x35d: {  	_ =	shalt  }

</sc_bundles>
